<compile_context>
chip_gen: v7x
topology: tpu7x:2x2x1
jax: 0.10.2.dev20260603
libtpu: 0.0.44.dev20260713+nightly
codegen_flags: <defaults>
</compile_context>

<pallas_src>
import functools

import jax
import jax.numpy as jnp
from jax import lax
from jax.experimental import pallas as pl
from jax.experimental.pallas import tpu as pltpu
from jax.experimental.pallas import tpu_sc as plsc

_N = 10000
_HALF = 5000
_P = 2500
_EMB = 128
_E = 320000
_CHUNK = 120
_NCORE = 2
_NSUB = 16
_NW = _NCORE * _NSUB
_K0 = 168
_RING = 4
_EPROWS = _NSUB * _K0
_EP = _EPROWS * _CHUNK
_TROWS = 10240
_PAD_SRC = 10016
_AROWS = 5120


def _make_scatter_kernel():
    mesh = plsc.VectorSubcoreMesh(core_axis_name="c", subcore_axis_name="s")

    @functools.partial(
        pl.kernel,
        out_type=jax.ShapeDtypeStruct((1, _HALF, _EMB), jnp.float32),
        mesh=mesh,
        scratch_types=[
            pltpu.VMEM((_K0, _CHUNK), jnp.int32),
            pltpu.VMEM((16, _CHUNK), jnp.int32),
            pltpu.VMEM((_RING, _CHUNK, _EMB), jnp.float32),
            pltpu.VMEM_SHARED((_AROWS, _EMB), jnp.float32),
            pltpu.SemaphoreType.DMA, pltpu.SemaphoreType.DMA,
            pltpu.SemaphoreType.DMA, pltpu.SemaphoreType.DMA,
            pltpu.SemaphoreType.DMA, pltpu.SemaphoreType.DMA,
            pltpu.SemaphoreType.DMA, pltpu.SemaphoreType.DMA,
            pltpu.SemaphoreType.DMA,
        ],
    )
    def k(table_hbm, src_hbm, dst_hbm, zeros_hbm, out_hbm,
          src_v, dst_v, bufs, acc, *sems):
        gsem, ssem, dsem = sems[:_RING], sems[_RING:2 * _RING], sems[-1]
        core = lax.axis_index("c")
        sid = lax.axis_index("s")

        @pl.when(core == 0)
        def _():
            base = sid * _K0
            zrows = _AROWS // _NSUB
            pltpu.sync_copy(zeros_hbm.at[pl.ds(sid * zrows, zrows)],
                            acc.at[pl.ds(sid * zrows, zrows)])
            pltpu.sync_copy(src_hbm.at[pl.ds(base, _K0)], src_v)
            pltpu.sync_copy(dst_hbm.at[pl.ds(base, 8)], dst_v.at[pl.ds(0, 8)])
            pltpu.async_copy(dst_hbm.at[pl.ds(base + 8, 8)],
                             dst_v.at[pl.ds(8, 8)], dsem)
            for b in range(_RING):
                pltpu.async_copy(table_hbm.at[src_v.at[b]], bufs.at[b],
                                 gsem[b])

            @pl.loop(0, _K0, step=8)
            def _(ci):
                p = (ci // 8) % 2

                @pl.when(ci >= 8)
                def _():
                    pltpu.make_async_copy(dst_hbm.at[pl.ds(base, 8)],
                                          dst_v.at[pl.ds(0, 8)], dsem).wait()

                for half in range(2):
                    for b in range(_RING):
                        j = 4 * half + b
                        pltpu.make_async_copy(table_hbm.at[src_v.at[ci + j]],
                                              bufs.at[b], gsem[b]).wait()
                        pltpu.async_copy(bufs.at[b],
                                         acc.at[dst_v.at[p * 8 + j]],
                                         ssem[b], add=True)
                    for b in range(_RING):
                        j = 4 * half + b
                        k = ci + j
                        pltpu.make_async_copy(bufs.at[b],
                                              acc.at[dst_v.at[p * 8 + j]],
                                              ssem[b]).wait()

                        @pl.when(k + _RING < _K0)
                        def _():
                            pltpu.async_copy(table_hbm.at[src_v.at[k + _RING]],
                                             bufs.at[b], gsem[b])

                @pl.when(ci + 16 < _K0)
                def _():
                    pltpu.async_copy(dst_hbm.at[pl.ds(base + ci + 16, 8)],
                                     dst_v.at[pl.ds(p * 8, 8)], dsem)

        plsc.subcore_barrier()

        @pl.when((core == 0) & (sid < 5))
        def _():
            pltpu.sync_copy(acc.at[pl.ds(sid * 1000, 1000)],
                            out_hbm.at[0].at[pl.ds(sid * 1000, 1000)])

    return k


_scatter = _make_scatter_kernel()


def _full_spec():
    return pl.BlockSpec((_EMB, _EMB), lambda i: (0, 0))


def _bias_spec():
    return pl.BlockSpec((1, _EMB), lambda i: (0, 0))


def _row_spec(rows):
    return pl.BlockSpec((rows, _EMB), lambda i: (i, 0))


def _dot(a, b):
    return jnp.dot(a, b, preferred_element_type=jnp.float32)


def _mlp3(x, params):
    (w1, b1), (w2, b2), (w3, b3) = params
    rows = 1000
    n = x.shape[0]

    def body(x_ref, w1_ref, b1_ref, w2_ref, b2_ref, w3_ref, b3_ref, o_ref):
        h = jnp.maximum(_dot(x_ref[...], w1_ref[...]) + b1_ref[...], 0.0)
        h = jnp.maximum(_dot(h, w2_ref[...]) + b2_ref[...], 0.0)
        o_ref[...] = _dot(h, w3_ref[...]) + b3_ref[...]

    return pl.pallas_call(
        body,
        grid=(n // rows,),
        in_specs=[_row_spec(rows), _full_spec(), _bias_spec(), _full_spec(),
                  _bias_spec(), _full_spec(), _bias_spec()],
        out_specs=_row_spec(rows),
        out_shape=jax.ShapeDtypeStruct((n, _EMB), jnp.float32),
    )(x, w1, b1.reshape(1, _EMB), w2, b2.reshape(1, _EMB),
      w3, b3.reshape(1, _EMB))


def _clause_update(emb_c, p0, cu_params, cm_params):
    (wu1, bu1), (wu2, bu2), (wu3, bu3) = cu_params
    (wm1, bm1), (wm2, bm2), (wm3, bm3) = cm_params
    wu1a, wu1b = wu1[:_EMB], wu1[_EMB:]
    rows = 1000

    def body(e_ref, p0_ref, wu1a_ref, wu1b_ref, bu1_ref, wu2_ref,
             bu2_ref, wu3_ref, bu3_ref, wm1_ref, bm1_ref, wm2_ref, bm2_ref,
             wm3_ref, bm3_ref, ce_ref, cm_ref):
        h = _dot(e_ref[...], wu1a_ref[...]) + _dot(p0_ref[...], wu1b_ref[...])
        h = jnp.maximum(h + bu1_ref[...], 0.0)
        h = jnp.maximum(_dot(h, wu2_ref[...]) + bu2_ref[...], 0.0)
        ce = _dot(h, wu3_ref[...]) + bu3_ref[...]
        ce_ref[...] = ce
        m = jnp.maximum(_dot(ce, wm1_ref[...]) + bm1_ref[...], 0.0)
        m = jnp.maximum(_dot(m, wm2_ref[...]) + bm2_ref[...], 0.0)
        cm_ref[...] = _dot(m, wm3_ref[...]) + bm3_ref[...]

    return pl.pallas_call(
        body,
        grid=(_HALF // rows,),
        in_specs=[_row_spec(rows), _row_spec(rows),
                  _full_spec(), _full_spec(), _bias_spec(),
                  _full_spec(), _bias_spec(), _full_spec(), _bias_spec(),
                  _full_spec(), _bias_spec(), _full_spec(), _bias_spec(),
                  _full_spec(), _bias_spec()],
        out_specs=[_row_spec(rows), _row_spec(rows)],
        out_shape=[jax.ShapeDtypeStruct((_HALF, _EMB), jnp.float32),
                   jax.ShapeDtypeStruct((_HALF, _EMB), jnp.float32)],
    )(emb_c, p0, wu1a, wu1b, bu1.reshape(1, _EMB), wu2,
      bu2.reshape(1, _EMB), wu3, bu3.reshape(1, _EMB), wm1,
      bm1.reshape(1, _EMB), wm2, bm2.reshape(1, _EMB), wm3,
      bm3.reshape(1, _EMB))


def _literal_update(emb_l, q0, l_msg, lu_params):
    (wl1, bl1), (wl2, bl2), (wl3, bl3) = lu_params
    wl1a, wl1b, wl1c = wl1[:_EMB], wl1[_EMB:2 * _EMB], wl1[2 * _EMB:]

    def body(e_ref, q0_ref, f_ref, wl1a_ref, wl1b_ref, wl1c_ref,
             bl1_ref, wl2_ref, bl2_ref, wl3_ref, bl3_ref, o_ref):
        h = (_dot(e_ref[0], wl1a_ref[...]) + _dot(q0_ref[0], wl1b_ref[...])
             + _dot(f_ref[0], wl1c_ref[...]))
        h = jnp.maximum(h + bl1_ref[...], 0.0)
        h = jnp.maximum(_dot(h, wl2_ref[...]) + bl2_ref[...], 0.0)
        o_ref[0] = _dot(h, wl3_ref[...]) + bl3_ref[...]

    h3 = pl.BlockSpec((1, _P, _EMB), lambda j: (j, 0, 0))
    flip_spec = pl.BlockSpec((1, _P, _EMB), lambda j: ((j + 1) % 2, 0, 0))
    r3 = lambda a: a.reshape(2, _P, _EMB)
    out = pl.pallas_call(
        body,
        grid=(2,),
        in_specs=[h3, h3, flip_spec,
                  _full_spec(), _full_spec(), _full_spec(), _bias_spec(),
                  _full_spec(), _bias_spec(), _full_spec(), _bias_spec()],
        out_specs=h3,
        out_shape=jax.ShapeDtypeStruct((2, _P, _EMB), jnp.float32),
    )(r3(emb_l), r3(q0), r3(l_msg), wl1a, wl1b, wl1c,
      bl1.reshape(1, _EMB), wl2, bl2.reshape(1, _EMB), wl3,
      bl3.reshape(1, _EMB))
    return out.reshape(_HALF, _EMB)


def kernel(node_embedding, node_type, edge_index, L_msg, C_msg, L_update,
           C_update):
    del node_type
    emb_l = node_embedding[:_HALF]
    emb_c = node_embedding[_HALF:]
    src_pad = jnp.full((_EP - _E,), _PAD_SRC, dtype=jnp.int32)
    src_p = jnp.concatenate([edge_index[0], src_pad]).reshape(-1, _CHUNK)
    dst = edge_index[1]
    dump = _HALF + (jnp.arange(_EP, dtype=jnp.int32) % (_AROWS - _HALF))
    dst_hi = jnp.where(dst >= _HALF, dst - _HALF, dump[:_E])
    dst_lo = jnp.where(dst < _HALF, dst, dump[:_E])
    dst_hi = jnp.concatenate([dst_hi, dump[_E:]]).reshape(-1, _CHUNK)
    dst_lo = jnp.concatenate([dst_lo, dump[_E:]]).reshape(-1, _CHUNK)
    zeros_acc = jnp.zeros((_AROWS, _EMB), jnp.float32)

    l_msg = _mlp3(emb_l, L_msg)
    table1 = jnp.concatenate(
        [l_msg, jnp.zeros((_TROWS - _HALF, _EMB), jnp.float32)], axis=0)
    parts1 = _scatter(table1, src_p, dst_hi, zeros_acc)
    c_emb, c_msg = _clause_update(emb_c, parts1[0], C_update, C_msg)

    table2 = jnp.concatenate(
        [jnp.zeros((_HALF, _EMB), jnp.float32), c_msg,
         jnp.zeros((_TROWS - _N, _EMB), jnp.float32)], axis=0)
    parts2 = _scatter(table2, src_p, dst_lo, zeros_acc)
    l_emb = _literal_update(emb_l, parts2[0], l_msg, L_update)

    return jnp.concatenate([l_emb, c_emb], axis=0)

# --- scband reference (transcript-rebuilt; emitter-appended) ---
"""Pipeline reference for scband-neuro-core-layer-27144193311173 (READ-ONLY COPY).

The authoritative reference and input builder live on the scoring server;
editing this copy changes nothing except your own understanding.
"""

import jax, jax.numpy as jnp
import numpy as np

N = 10000
E = 320000
EMB = 128
NUM_FC = 3


def _mlp_params(key, d_in, d_hidden, d_out, num_layer):
    dims = [d_in] + [d_hidden] * (num_layer - 1) + [d_out]
    params = []
    for i in range(num_layer):
        key, k1 = jax.random.split(key)
        W = jax.random.normal(k1, (dims[i], dims[i + 1]), dtype=jnp.float32) * (1.0 / np.sqrt(dims[i]))
        b = jnp.zeros((dims[i + 1],), dtype=jnp.float32)
        params.append((W, b))
    return params


def _mlp(x, params):
    for W, b in params[:-1]:
        x = jax.nn.relu(x @ W + b)
    W, b = params[-1]
    return x @ W + b


def setup_inputs(seed: int = 0) -> dict:
    key = jax.random.key(seed)
    k1, k2, k3, k4, k5, k6 = jax.random.split(key, 6)
    node_embedding = jax.random.normal(k1, (N, EMB), dtype=jnp.float32)
    P = N // 4  # equal counts of positive / negative literals; rest are clauses
    node_type = jnp.concatenate([
        jnp.zeros((P,), dtype=jnp.int32),
        jnp.ones((P,), dtype=jnp.int32),
        jnp.full((N - 2 * P,), 2, dtype=jnp.int32),
    ])
    edge_index = jax.random.randint(k2, (2, E), 0, N, dtype=jnp.int32)
    L_update = _mlp_params(k3, EMB * 3, EMB, EMB, NUM_FC)
    C_update = _mlp_params(k4, EMB * 2, EMB, EMB, NUM_FC)
    L_msg = _mlp_params(k5, EMB, EMB, EMB, NUM_FC)
    C_msg = _mlp_params(k6, EMB, EMB, EMB, NUM_FC)
    return {
        "node_embedding": node_embedding,
        "node_type": node_type,
        "edge_index": edge_index,
        "L_msg": L_msg,
        "C_msg": C_msg,
        "L_update": L_update,
        "C_update": C_update,
    }


def reference(node_embedding, node_type, edge_index, L_msg, C_msg, L_update, C_update):
    num_node = node_embedding.shape[0]
    nt = node_type[:, None]
    l_pos_mask = nt == 0
    l_neg_mask = nt == 1
    l_mask = l_pos_mask | l_neg_mask
    c_mask = nt == 2
    ar = jnp.arange(num_node)
    P = num_node // 4
    l_pos_index = ar[:P]
    l_neg_index = ar[P:2 * P]
    l_index = ar[:2 * P]
    c_index = ar[2 * P:]
    src, dst = edge_index[0], edge_index[1]

    # literal -> clause pass
    l_all_embedding = jnp.where(l_mask, node_embedding, 0.0)
    l_all_msg = _mlp(l_all_embedding, L_msg)
    lc_all_msg = jnp.zeros_like(l_all_msg).at[dst].add(l_all_msg[src])  # GraphConv norm='none', no weight
    lc_msg = lc_all_msg[c_index]
    c_embedding = node_embedding[c_index]
    c_embedding = _mlp(jnp.concatenate([c_embedding, lc_msg], axis=-1), C_update)
    node_embedding = node_embedding.at[c_index].set(c_embedding)

    # clause -> literal pass
    c_all_embedding = jnp.where(c_mask, node_embedding, 0.0)
    c_all_msg = _mlp(c_all_embedding, C_msg)
    cl_all_msg = jnp.zeros_like(c_all_msg).at[dst].add(c_all_msg[src])
    cl_msg = cl_all_msg[l_index]

    # flip: swap pos/neg literal messages
    flip = jnp.zeros_like(l_all_msg)
    flip = flip.at[l_pos_index].set(l_all_msg[l_neg_index])
    flip = flip.at[l_neg_index].set(l_all_msg[l_pos_index])
    l_flip_msg = flip[l_index]

    l_embedding = node_embedding[l_index]
    l_embedding = _mlp(jnp.concatenate([l_embedding, cl_msg, l_flip_msg], axis=-1), L_update)
    node_embedding = node_embedding.at[l_index].set(l_embedding)
    return node_embedding

if __name__ == "__main__":
    import jax
    _d = setup_inputs()
    print(jax.jit(kernel)(*tuple(_d.values())))

</pallas_src>

<mosaic_0001>
#map = affine_map<(d0, d1) -> (0, 0)>
#map1 = affine_map<(d0, d1) -> (0, 0, 0)>
module attributes {stable_mosaic.version = 14 : i64} {
  func.func @k(%arg0: i32, %arg1: i32, %arg2: memref<10240x128xf32, #tpu.memory_space<hbm>>, %arg3: memref<2688x120xi32, #tpu.memory_space<hbm>>, %arg4: memref<2688x120xi32, #tpu.memory_space<hbm>>, %arg5: memref<5120x128xf32, #tpu.memory_space<hbm>>, %arg6: memref<1x5000x128xf32, #tpu.memory_space<hbm>>, %arg7: memref<168x120xi32, #tpu.memory_space<vmem>>, %arg8: memref<16x120xi32, #tpu.memory_space<vmem>>, %arg9: memref<4x120x128xf32, #tpu.memory_space<vmem>>, %arg10: memref<5120x128xf32, #tpu.memory_space<vmem_shared>>, %arg11: memref<!tpu.dma_semaphore, #tpu.memory_space<semaphore_mem>>, %arg12: memref<!tpu.dma_semaphore, #tpu.memory_space<semaphore_mem>>, %arg13: memref<!tpu.dma_semaphore, #tpu.memory_space<semaphore_mem>>, %arg14: memref<!tpu.dma_semaphore, #tpu.memory_space<semaphore_mem>>, %arg15: memref<!tpu.dma_semaphore, #tpu.memory_space<semaphore_mem>>, %arg16: memref<!tpu.dma_semaphore, #tpu.memory_space<semaphore_mem>>, %arg17: memref<!tpu.dma_semaphore, #tpu.memory_space<semaphore_mem>>, %arg18: memref<!tpu.dma_semaphore, #tpu.memory_space<semaphore_mem>>, %arg19: memref<!tpu.dma_semaphore, #tpu.memory_space<semaphore_mem>>) attributes {dimension_semantics = [#tpu.dimension_semantics<core_parallel>, #tpu.dimension_semantics<subcore_parallel>], iteration_bounds = array<i64: 2, 16>, scalar_prefetch = 0 : i64, scratch_operands = 13 : i64, tpu.core_type = #tpu.core_type<sc_vector_subcore>, window_params = [{transform_indices = #map}, {transform_indices = #map}, {transform_indices = #map}, {transform_indices = #map}, {transform_indices = #map1}]} {
    %eq3A = arith.constant 0 : i32
    %eq3A_0 = arith.cmpi eq, %arg0, %eq3A : i32
    %convert_element_type3A = arith.extui %eq3A_0 : i1 to i32
    %cond3A = arith.constant 0 : i32
    %cond3A_1 = arith.cmpi ne, %convert_element_type3A, %cond3A : i32
    scf.if %cond3A_1 {
      %mul3A = arith.constant 168 : i32
      %mul3A_8 = arith.muli %arg1, %mul3A : i32
      %mul3A_9 = arith.constant 320 : i32
      %mul3A_10 = arith.muli %arg1, %mul3A_9 : i32
      %mul3A_11 = arith.constant 320 : i32
      %mul3A_12 = arith.muli %arg1, %mul3A_11 : i32
      "tpu.region"() ({
        %run_scoped3A = tpu.sem_alloc : memref<!tpu.dma_semaphore, #tpu.memory_space<semaphore_mem>>
        %dma_start3A_75 = arith.constant 0 : i32
        %dma_start3A_76 = tpu.memref_slice %arg10[%mul3A_12, %dma_start3A_75] : memref<5120x128xf32, #tpu.memory_space<vmem_shared>> -> memref<320x128xf32, #tpu.memory_space<vmem_shared>>
        %dma_start3A_77 = arith.constant 0 : i32
        %dma_start3A_78 = tpu.memref_slice %arg5[%mul3A_10, %dma_start3A_77] : memref<5120x128xf32, #tpu.memory_space<hbm>> -> memref<320x128xf32, #tpu.memory_space<hbm>>
        tpu.enqueue_dma source(%dma_start3A_78 : memref<320x128xf32, #tpu.memory_space<hbm>>) target(%dma_start3A_76 : memref<320x128xf32, #tpu.memory_space<vmem_shared>>) target_semaphore(%run_scoped3A : memref<!tpu.dma_semaphore, #tpu.memory_space<semaphore_mem>>)
        %dma_wait3A = arith.constant 0 : i32
        %dma_wait3A_79 = tpu.memref_slice %arg10[%mul3A_12, %dma_wait3A] : memref<5120x128xf32, #tpu.memory_space<vmem_shared>> -> memref<320x128xf32, #tpu.memory_space<vmem_shared>>
        %dma_wait3A_80 = arith.constant 0 : i32
        %dma_wait3A_81 = tpu.memref_slice %arg5[%mul3A_10, %dma_wait3A_80] : memref<5120x128xf32, #tpu.memory_space<hbm>> -> memref<320x128xf32, #tpu.memory_space<hbm>>
        tpu.wait_dma2 semaphore(%run_scoped3A : memref<!tpu.dma_semaphore, #tpu.memory_space<semaphore_mem>>) src(%dma_wait3A_81 : memref<320x128xf32, #tpu.memory_space<hbm>>) dst(%dma_wait3A_79 : memref<320x128xf32, #tpu.memory_space<vmem_shared>>)
        tpu.yield
      }) : () -> ()
      "tpu.region"() ({
        %run_scoped3A = tpu.sem_alloc : memref<!tpu.dma_semaphore, #tpu.memory_space<semaphore_mem>>
        %dma_start3A_75 = arith.constant 0 : i32
        %dma_start3A_76 = tpu.memref_slice %arg3[%mul3A_8, %dma_start3A_75] : memref<2688x120xi32, #tpu.memory_space<hbm>> -> memref<168x120xi32, #tpu.memory_space<hbm>>
        %dma_start3A_77 = arith.constant 0 : i32
        %dma_start3A_78 = tpu.memref_slice %arg3[%mul3A_8, %dma_start3A_77] : memref<2688x120xi32, #tpu.memory_space<hbm>> -> memref<168x120xi32, #tpu.memory_space<hbm>>
        tpu.enqueue_dma source(%dma_start3A_78 : memref<168x120xi32, #tpu.memory_space<hbm>>) target(%arg7 : memref<168x120xi32, #tpu.memory_space<vmem>>) target_semaphore(%run_scoped3A : memref<!tpu.dma_semaphore, #tpu.memory_space<semaphore_mem>>)
        %dma_wait3A = arith.constant 0 : i32
        %dma_wait3A_79 = tpu.memref_slice %arg3[%mul3A_8, %dma_wait3A] : memref<2688x120xi32, #tpu.memory_space<hbm>> -> memref<168x120xi32, #tpu.memory_space<hbm>>
        %dma_wait3A_80 = arith.constant 0 : i32
        %dma_wait3A_81 = tpu.memref_slice %arg3[%mul3A_8, %dma_wait3A_80] : memref<2688x120xi32, #tpu.memory_space<hbm>> -> memref<168x120xi32, #tpu.memory_space<hbm>>
        tpu.wait_dma2 semaphore(%run_scoped3A : memref<!tpu.dma_semaphore, #tpu.memory_space<semaphore_mem>>) src(%dma_wait3A_81 : memref<168x120xi32, #tpu.memory_space<hbm>>) dst(%arg7 : memref<168x120xi32, #tpu.memory_space<vmem>>)
        tpu.yield
      }) : () -> ()
      "tpu.region"() ({
        %run_scoped3A = tpu.sem_alloc : memref<!tpu.dma_semaphore, #tpu.memory_space<semaphore_mem>>
        %dma_start3A_75 = arith.constant 0 : i32
        %dma_start3A_76 = arith.constant 0 : i32
        %dma_start3A_77 = tpu.memref_slice %arg8[%dma_start3A_75, %dma_start3A_76] : memref<16x120xi32, #tpu.memory_space<vmem>> -> memref<8x120xi32, #tpu.memory_space<vmem>>
        %dma_start3A_78 = arith.constant 0 : i32
        %dma_start3A_79 = tpu.memref_slice %arg4[%mul3A_8, %dma_start3A_78] : memref<2688x120xi32, #tpu.memory_space<hbm>> -> memref<8x120xi32, #tpu.memory_space<hbm>>
        %dma_start3A_80 = arith.constant 0 : i32
        %dma_start3A_81 = arith.constant 0 : i32
        %dma_start3A_82 = tpu.memref_slice %arg8[%dma_start3A_80, %dma_start3A_81] : memref<16x120xi32, #tpu.memory_space<vmem>> -> memref<8x120xi32, #tpu.memory_space<vmem>>
        %dma_start3A_83 = arith.constant 0 : i32
        %dma_start3A_84 = tpu.memref_slice %arg4[%mul3A_8, %dma_start3A_83] : memref<2688x120xi32, #tpu.memory_space<hbm>> -> memref<8x120xi32, #tpu.memory_space<hbm>>
        tpu.enqueue_dma source(%dma_start3A_84 : memref<8x120xi32, #tpu.memory_space<hbm>>) target(%dma_start3A_82 : memref<8x120xi32, #tpu.memory_space<vmem>>) target_semaphore(%run_scoped3A : memref<!tpu.dma_semaphore, #tpu.memory_space<semaphore_mem>>)
        %dma_wait3A = arith.constant 0 : i32
        %dma_wait3A_85 = arith.constant 0 : i32
        %dma_wait3A_86 = tpu.memref_slice %arg8[%dma_wait3A, %dma_wait3A_85] : memref<16x120xi32, #tpu.memory_space<vmem>> -> memref<8x120xi32, #tpu.memory_space<vmem>>
        %dma_wait3A_87 = arith.constant 0 : i32
        %dma_wait3A_88 = tpu.memref_slice %arg4[%mul3A_8, %dma_wait3A_87] : memref<2688x120xi32, #tpu.memory_space<hbm>> -> memref<8x120xi32, #tpu.memory_space<hbm>>
        %dma_wait3A_89 = arith.constant 0 : i32
        %dma_wait3A_90 = arith.constant 0 : i32
        %dma_wait3A_91 = tpu.memref_slice %arg8[%dma_wait3A_89, %dma_wait3A_90] : memref<16x120xi32, #tpu.memory_space<vmem>> -> memref<8x120xi32, #tpu.memory_space<vmem>>
        %dma_wait3A_92 = arith.constant 0 : i32
        %dma_wait3A_93 = tpu.memref_slice %arg4[%mul3A_8, %dma_wait3A_92] : memref<2688x120xi32, #tpu.memory_space<hbm>> -> memref<8x120xi32, #tpu.memory_space<hbm>>
        tpu.wait_dma2 semaphore(%run_scoped3A : memref<!tpu.dma_semaphore, #tpu.memory_space<semaphore_mem>>) src(%dma_wait3A_93 : memref<8x120xi32, #tpu.memory_space<hbm>>) dst(%dma_wait3A_91 : memref<8x120xi32, #tpu.memory_space<vmem>>)
        tpu.yield
      }) : () -> ()
      %add3A = arith.constant 8 : i32
      %add3A_13 = arith.addi %mul3A_8, %add3A : i32
      %dma_start3A = arith.constant 8 : i32
      %dma_start3A_14 = arith.constant 0 : i32
      %dma_start3A_15 = tpu.memref_slice %arg8[%dma_start3A, %dma_start3A_14] : memref<16x120xi32, #tpu.memory_space<vmem>> -> memref<8x120xi32, #tpu.memory_space<vmem>>
      %dma_start3A_16 = arith.constant 0 : i32
      %dma_start3A_17 = tpu.memref_slice %arg4[%add3A_13, %dma_start3A_16] : memref<2688x120xi32, #tpu.memory_space<hbm>> -> memref<8x120xi32, #tpu.memory_space<hbm>>
      %dma_start3A_18 = arith.constant 8 : i32
      %dma_start3A_19 = arith.constant 0 : i32
      %dma_start3A_20 = tpu.memref_slice %arg8[%dma_start3A_18, %dma_start3A_19] : memref<16x120xi32, #tpu.memory_space<vmem>> -> memref<8x120xi32, #tpu.memory_space<vmem>>
      %dma_start3A_21 = arith.constant 0 : i32
      %dma_start3A_22 = tpu.memref_slice %arg4[%add3A_13, %dma_start3A_21] : memref<2688x120xi32, #tpu.memory_space<hbm>> -> memref<8x120xi32, #tpu.memory_space<hbm>>
      tpu.enqueue_dma source(%dma_start3A_22 : memref<8x120xi32, #tpu.memory_space<hbm>>) target(%dma_start3A_20 : memref<8x120xi32, #tpu.memory_space<vmem>>) target_semaphore(%arg19 : memref<!tpu.dma_semaphore, #tpu.memory_space<semaphore_mem>>)
      %dma_start3A_23 = arith.constant 0 : i32
      %dma_start3A_24 = arith.constant 0 : i32
      %dma_start3A_25 = arith.constant 0 : i32
      %dma_start3A_26 = arith.constant 0 : i32
      %dma_start3A_27 = tpu.memref_slice %arg9[%dma_start3A_24, %dma_start3A_25, %dma_start3A_26] : memref<4x120x128xf32, #tpu.memory_space<vmem>> -> memref<1x120x128xf32, #tpu.memory_space<vmem>>
      %dma_start3A_28 = tpu.memref_squeeze %dma_start3A_27 : memref<1x120x128xf32, #tpu.memory_space<vmem>> -> memref<120x128xf32, #tpu.memory_space<vmem>>
      %dma_start3A_29 = arith.constant 0 : i32
      %dma_start3A_30 = tpu.memref_slice %arg7[%dma_start3A_23, %dma_start3A_29] : memref<168x120xi32, #tpu.memory_space<vmem>> -> memref<1x120xi32, #tpu.memory_space<vmem>>
      %dma_start3A_31 = tpu.memref_squeeze %dma_start3A_30 : memref<1x120xi32, #tpu.memory_space<vmem>> -> memref<120xi32, #tpu.memory_space<vmem>>
      %dma_start3A_32 = arith.constant 0 : i32
      %dma_start3A_33 = arith.constant 0 : i32
      %dma_start3A_34 = tpu.memref_slice %arg2[%dma_start3A_32, %dma_start3A_33] : memref<10240x128xf32, #tpu.memory_space<hbm>> -> memref<10240x128xf32, #tpu.memory_space<hbm>>
      tpu.enqueue_indirect_dma source(%dma_start3A_34 : memref<10240x128xf32, #tpu.memory_space<hbm>>) target(%dma_start3A_28 : memref<120x128xf32, #tpu.memory_space<vmem>>) offsets(%dma_start3A_31 : memref<120xi32, #tpu.memory_space<vmem>>) semaphore(%arg11 : memref<!tpu.dma_semaphore, #tpu.memory_space<semaphore_mem>>)
      %dma_start3A_35 = arith.constant 1 : i32
      %dma_start3A_36 = arith.constant 1 : i32
      %dma_start3A_37 = arith.constant 0 : i32
      %dma_start3A_38 = arith.constant 0 : i32
      %dma_start3A_39 = tpu.memref_slice %arg9[%dma_start3A_36, %dma_start3A_37, %dma_start3A_38] : memref<4x120x128xf32, #tpu.memory_space<vmem>> -> memref<1x120x128xf32, #tpu.memory_space<vmem>>
      %dma_start3A_40 = tpu.memref_squeeze %dma_start3A_39 : memref<1x120x128xf32, #tpu.memory_space<vmem>> -> memref<120x128xf32, #tpu.memory_space<vmem>>
      %dma_start3A_41 = arith.constant 0 : i32
      %dma_start3A_42 = tpu.memref_slice %arg7[%dma_start3A_35, %dma_start3A_41] : memref<168x120xi32, #tpu.memory_space<vmem>> -> memref<1x120xi32, #tpu.memory_space<vmem>>
      %dma_start3A_43 = tpu.memref_squeeze %dma_start3A_42 : memref<1x120xi32, #tpu.memory_space<vmem>> -> memref<120xi32, #tpu.memory_space<vmem>>
      %dma_start3A_44 = arith.constant 0 : i32
      %dma_start3A_45 = arith.constant 0 : i32
      %dma_start3A_46 = tpu.memref_slice %arg2[%dma_start3A_44, %dma_start3A_45] : memref<10240x128xf32, #tpu.memory_space<hbm>> -> memref<10240x128xf32, #tpu.memory_space<hbm>>
      tpu.enqueue_indirect_dma source(%dma_start3A_46 : memref<10240x128xf32, #tpu.memory_space<hbm>>) target(%dma_start3A_40 : memref<120x128xf32, #tpu.memory_space<vmem>>) offsets(%dma_start3A_43 : memref<120xi32, #tpu.memory_space<vmem>>) semaphore(%arg12 : memref<!tpu.dma_semaphore, #tpu.memory_space<semaphore_mem>>)
      %dma_start3A_47 = arith.constant 2 : i32
      %dma_start3A_48 = arith.constant 2 : i32
      %dma_start3A_49 = arith.constant 0 : i32
      %dma_start3A_50 = arith.constant 0 : i32
      %dma_start3A_51 = tpu.memref_slice %arg9[%dma_start3A_48, %dma_start3A_49, %dma_start3A_50] : memref<4x120x128xf32, #tpu.memory_space<vmem>> -> memref<1x120x128xf32, #tpu.memory_space<vmem>>
      %dma_start3A_52 = tpu.memref_squeeze %dma_start3A_51 : memref<1x120x128xf32, #tpu.memory_space<vmem>> -> memref<120x128xf32, #tpu.memory_space<vmem>>
      %dma_start3A_53 = arith.constant 0 : i32
      %dma_start3A_54 = tpu.memref_slice %arg7[%dma_start3A_47, %dma_start3A_53] : memref<168x120xi32, #tpu.memory_space<vmem>> -> memref<1x120xi32, #tpu.memory_space<vmem>>
      %dma_start3A_55 = tpu.memref_squeeze %dma_start3A_54 : memref<1x120xi32, #tpu.memory_space<vmem>> -> memref<120xi32, #tpu.memory_space<vmem>>
      %dma_start3A_56 = arith.constant 0 : i32
      %dma_start3A_57 = arith.constant 0 : i32
      %dma_start3A_58 = tpu.memref_slice %arg2[%dma_start3A_56, %dma_start3A_57] : memref<10240x128xf32, #tpu.memory_space<hbm>> -> memref<10240x128xf32, #tpu.memory_space<hbm>>
      tpu.enqueue_indirect_dma source(%dma_start3A_58 : memref<10240x128xf32, #tpu.memory_space<hbm>>) target(%dma_start3A_52 : memref<120x128xf32, #tpu.memory_space<vmem>>) offsets(%dma_start3A_55 : memref<120xi32, #tpu.memory_space<vmem>>) semaphore(%arg13 : memref<!tpu.dma_semaphore, #tpu.memory_space<semaphore_mem>>)
      %dma_start3A_59 = arith.constant 3 : i32
      %dma_start3A_60 = arith.constant 3 : i32
      %dma_start3A_61 = arith.constant 0 : i32
      %dma_start3A_62 = arith.constant 0 : i32
      %dma_start3A_63 = tpu.memref_slice %arg9[%dma_start3A_60, %dma_start3A_61, %dma_start3A_62] : memref<4x120x128xf32, #tpu.memory_space<vmem>> -> memref<1x120x128xf32, #tpu.memory_space<vmem>>
      %dma_start3A_64 = tpu.memref_squeeze %dma_start3A_63 : memref<1x120x128xf32, #tpu.memory_space<vmem>> -> memref<120x128xf32, #tpu.memory_space<vmem>>
      %dma_start3A_65 = arith.constant 0 : i32
      %dma_start3A_66 = tpu.memref_slice %arg7[%dma_start3A_59, %dma_start3A_65] : memref<168x120xi32, #tpu.memory_space<vmem>> -> memref<1x120xi32, #tpu.memory_space<vmem>>
      %dma_start3A_67 = tpu.memref_squeeze %dma_start3A_66 : memref<1x120xi32, #tpu.memory_space<vmem>> -> memref<120xi32, #tpu.memory_space<vmem>>
      %dma_start3A_68 = arith.constant 0 : i32
      %dma_start3A_69 = arith.constant 0 : i32
      %dma_start3A_70 = tpu.memref_slice %arg2[%dma_start3A_68, %dma_start3A_69] : memref<10240x128xf32, #tpu.memory_space<hbm>> -> memref<10240x128xf32, #tpu.memory_space<hbm>>
      tpu.enqueue_indirect_dma source(%dma_start3A_70 : memref<10240x128xf32, #tpu.memory_space<hbm>>) target(%dma_start3A_64 : memref<120x128xf32, #tpu.memory_space<vmem>>) offsets(%dma_start3A_67 : memref<120xi32, #tpu.memory_space<vmem>>) semaphore(%arg14 : memref<!tpu.dma_semaphore, #tpu.memory_space<semaphore_mem>>)
      %scan3A = arith.constant 0 : i32
      %scan3A_71 = arith.constant 21 : i32
      %scan3A_72 = arith.addi %scan3A, %scan3A_71 : i32
      %scan3A_73 = arith.constant 1 : i32
      scf.for %scan3A_75 = %scan3A to %scan3A_72 step %scan3A_73  : i32 {
        %mul3A_76 = arith.constant 8 : i32
        %mul3A_77 = arith.muli %scan3A_75, %mul3A_76 : i32
        %add3A_78 = arith.constant 0 : i32
        %add3A_79 = arith.addi %add3A_78, %mul3A_77 : i32
        %jit3A = arith.constant 8 : i32
        %div3A = arith.divsi %add3A_79, %jit3A : i32
        %sign3A = arith.constant 0 : i32
        %sign3A_80 = arith.cmpi sgt, %add3A_79, %sign3A : i32
        %sign3A_81 = arith.extui %sign3A_80 : i1 to i32
        %sign3A_82 = arith.constant 0 : i32
        %sign3A_83 = arith.cmpi slt, %add3A_79, %sign3A_82 : i32
        %sign3A_84 = arith.extui %sign3A_83 : i1 to i32
        %sign3A_85 = arith.subi %sign3A_81, %sign3A_84 : i32
        %sign3A_86 = arith.constant 0 : i32
        %sign3A_87 = arith.cmpi sgt, %jit3A, %sign3A_86 : i32
        %sign3A_88 = arith.extui %sign3A_87 : i1 to i32
        %sign3A_89 = arith.constant 0 : i32
        %sign3A_90 = arith.cmpi slt, %jit3A, %sign3A_89 : i32
        %sign3A_91 = arith.extui %sign3A_90 : i1 to i32
        %sign3A_92 = arith.subi %sign3A_88, %sign3A_91 : i32
        %ne3A = arith.cmpi ne, %sign3A_85, %sign3A_92 : i32
        %rem3A = arith.remsi %add3A_79, %jit3A : i32
        %ne3A_93 = arith.constant 0 : i32
        %ne3A_94 = arith.cmpi ne, %rem3A, %ne3A_93 : i32
        %and3A_95 = arith.andi %ne3A, %ne3A_94 : i1
        %sub3A = arith.constant 1 : i32
        %sub3A_96 = arith.subi %div3A, %sub3A : i32
        %select_n3A = arith.select %and3A_95, %sub3A_96, %div3A : i32
        %jit3A_97 = arith.constant 2 : i32
        %eq3A_98 = arith.constant 0 : i32
        %eq3A_99 = arith.cmpi eq, %jit3A_97, %eq3A_98 : i32
        %jit3A_100 = arith.constant 1 : i32
        %select_n3A_101 = arith.select %eq3A_99, %jit3A_100, %jit3A_97 : i32
        %rem3A_102 = arith.remsi %select_n3A, %select_n3A_101 : i32
        %ne3A_103 = arith.constant 0 : i32
        %ne3A_104 = arith.cmpi ne, %rem3A_102, %ne3A_103 : i32
        %lt3A_105 = arith.constant 0 : i32
        %lt3A_106 = arith.cmpi slt, %rem3A_102, %lt3A_105 : i32
        %lt3A_107 = arith.constant 0 : i32
        %lt3A_108 = arith.cmpi slt, %select_n3A_101, %lt3A_107 : i32
        %ne3A_109 = arith.xori %lt3A_106, %lt3A_108 : i1
        %and3A_110 = arith.andi %ne3A_109, %ne3A_104 : i1
        %add3A_111 = arith.addi %rem3A_102, %select_n3A_101 : i32
        %select_n3A_112 = arith.select %and3A_110, %add3A_111, %rem3A_102 : i32
        %ge3A = arith.constant 8 : i32
        %ge3A_113 = arith.cmpi sge, %add3A_79, %ge3A : i32
        %convert_element_type3A_114 = arith.extui %ge3A_113 : i1 to i32
        %cond3A_115 = arith.constant 0 : i32
        %cond3A_116 = arith.cmpi ne, %convert_element_type3A_114, %cond3A_115 : i32
        scf.if %cond3A_116 {
          %dma_wait3A_539 = arith.constant 0 : i32
          %dma_wait3A_540 = arith.constant 0 : i32
          %dma_wait3A_541 = tpu.memref_slice %arg8[%dma_wait3A_539, %dma_wait3A_540] : memref<16x120xi32, #tpu.memory_space<vmem>> -> memref<8x120xi32, #tpu.memory_space<vmem>>
          %dma_wait3A_542 = arith.constant 0 : i32
          %dma_wait3A_543 = tpu.memref_slice %arg4[%mul3A_8, %dma_wait3A_542] : memref<2688x120xi32, #tpu.memory_space<hbm>> -> memref<8x120xi32, #tpu.memory_space<hbm>>
          %dma_wait3A_544 = arith.constant 0 : i32
          %dma_wait3A_545 = arith.constant 0 : i32
          %dma_wait3A_546 = tpu.memref_slice %arg8[%dma_wait3A_544, %dma_wait3A_545] : memref<16x120xi32, #tpu.memory_space<vmem>> -> memref<8x120xi32, #tpu.memory_space<vmem>>
          %dma_wait3A_547 = arith.constant 0 : i32
          %dma_wait3A_548 = tpu.memref_slice %arg4[%mul3A_8, %dma_wait3A_547] : memref<2688x120xi32, #tpu.memory_space<hbm>> -> memref<8x120xi32, #tpu.memory_space<hbm>>
          tpu.wait_dma2 semaphore(%arg19 : memref<!tpu.dma_semaphore, #tpu.memory_space<semaphore_mem>>) src(%dma_wait3A_548 : memref<8x120xi32, #tpu.memory_space<hbm>>) dst(%dma_wait3A_546 : memref<8x120xi32, #tpu.memory_space<vmem>>)
        } else {
        }
        %add3A_117 = arith.constant 0 : i32
        %add3A_118 = arith.addi %add3A_79, %add3A_117 : i32
        %dma_wait3A = arith.constant 0 : i32
        %dma_wait3A_119 = arith.constant 0 : i32
        %dma_wait3A_120 = arith.constant 0 : i32
        %dma_wait3A_121 = tpu.memref_slice %arg9[%dma_wait3A, %dma_wait3A_119, %dma_wait3A_120] : memref<4x120x128xf32, #tpu.memory_space<vmem>> -> memref<1x120x128xf32, #tpu.memory_space<vmem>>
        %dma_wait3A_122 = tpu.memref_squeeze %dma_wait3A_121 : memref<1x120x128xf32, #tpu.memory_space<vmem>> -> memref<120x128xf32, #tpu.memory_space<vmem>>
        %dma_wait3A_123 = arith.constant 0 : i32
        %dma_wait3A_124 = tpu.memref_slice %arg7[%add3A_118, %dma_wait3A_123] : memref<168x120xi32, #tpu.memory_space<vmem>> -> memref<1x120xi32, #tpu.memory_space<vmem>>
        %dma_wait3A_125 = tpu.memref_squeeze %dma_wait3A_124 : memref<1x120xi32, #tpu.memory_space<vmem>> -> memref<120xi32, #tpu.memory_space<vmem>>
        %dma_wait3A_126 = arith.constant 0 : i32
        %dma_wait3A_127 = arith.constant 0 : i32
        %dma_wait3A_128 = tpu.memref_slice %arg2[%dma_wait3A_126, %dma_wait3A_127] : memref<10240x128xf32, #tpu.memory_space<hbm>> -> memref<10240x128xf32, #tpu.memory_space<hbm>>
        tpu.wait_indirect_dma semaphore(%arg11 : memref<!tpu.dma_semaphore, #tpu.memory_space<semaphore_mem>>) src(%dma_wait3A_128 : memref<10240x128xf32, #tpu.memory_space<hbm>>) dst(%dma_wait3A_122 : memref<120x128xf32, #tpu.memory_space<vmem>>)
        %mul3A_129 = arith.constant 8 : i32
        %mul3A_130 = arith.muli %select_n3A_112, %mul3A_129 : i32
        %add3A_131 = arith.constant 0 : i32
        %add3A_132 = arith.addi %mul3A_130, %add3A_131 : i32
        %dma_start3A_133 = arith.constant 0 : i32
        %dma_start3A_134 = arith.constant 0 : i32
        %dma_start3A_135 = arith.constant 0 : i32
        %dma_start3A_136 = tpu.memref_slice %arg9[%dma_start3A_133, %dma_start3A_134, %dma_start3A_135] : memref<4x120x128xf32, #tpu.memory_space<vmem>> -> memref<1x120x128xf32, #tpu.memory_space<vmem>>
        %dma_start3A_137 = tpu.memref_squeeze %dma_start3A_136 : memref<1x120x128xf32, #tpu.memory_space<vmem>> -> memref<120x128xf32, #tpu.memory_space<vmem>>
        %dma_start3A_138 = arith.constant 0 : i32
        %dma_start3A_139 = tpu.memref_slice %arg8[%add3A_132, %dma_start3A_138] : memref<16x120xi32, #tpu.memory_space<vmem>> -> memref<1x120xi32, #tpu.memory_space<vmem>>
        %dma_start3A_140 = tpu.memref_squeeze %dma_start3A_139 : memref<1x120xi32, #tpu.memory_space<vmem>> -> memref<120xi32, #tpu.memory_space<vmem>>
        %dma_start3A_141 = arith.constant 0 : i32
        %dma_start3A_142 = arith.constant 0 : i32
        %dma_start3A_143 = tpu.memref_slice %arg10[%dma_start3A_141, %dma_start3A_142] : memref<5120x128xf32, #tpu.memory_space<vmem_shared>> -> memref<5120x128xf32, #tpu.memory_space<vmem_shared>>
        tpu.enqueue_indirect_dma source(%dma_start3A_137 : memref<120x128xf32, #tpu.memory_space<vmem>>) target(%dma_start3A_143 : memref<5120x128xf32, #tpu.memory_space<vmem_shared>>) offsets(%dma_start3A_140 : memref<120xi32, #tpu.memory_space<vmem>>) semaphore(%arg15 : memref<!tpu.dma_semaphore, #tpu.memory_space<semaphore_mem>>) {add = true}
        %add3A_144 = arith.constant 1 : i32
        %add3A_145 = arith.addi %add3A_79, %add3A_144 : i32
        %dma_wait3A_146 = arith.constant 1 : i32
        %dma_wait3A_147 = arith.constant 0 : i32
        %dma_wait3A_148 = arith.constant 0 : i32
        %dma_wait3A_149 = tpu.memref_slice %arg9[%dma_wait3A_146, %dma_wait3A_147, %dma_wait3A_148] : memref<4x120x128xf32, #tpu.memory_space<vmem>> -> memref<1x120x128xf32, #tpu.memory_space<vmem>>
        %dma_wait3A_150 = tpu.memref_squeeze %dma_wait3A_149 : memref<1x120x128xf32, #tpu.memory_space<vmem>> -> memref<120x128xf32, #tpu.memory_space<vmem>>
        %dma_wait3A_151 = arith.constant 0 : i32
        %dma_wait3A_152 = tpu.memref_slice %arg7[%add3A_145, %dma_wait3A_151] : memref<168x120xi32, #tpu.memory_space<vmem>> -> memref<1x120xi32, #tpu.memory_space<vmem>>
        %dma_wait3A_153 = tpu.memref_squeeze %dma_wait3A_152 : memref<1x120xi32, #tpu.memory_space<vmem>> -> memref<120xi32, #tpu.memory_space<vmem>>
        %dma_wait3A_154 = arith.constant 0 : i32
        %dma_wait3A_155 = arith.constant 0 : i32
        %dma_wait3A_156 = tpu.memref_slice %arg2[%dma_wait3A_154, %dma_wait3A_155] : memref<10240x128xf32, #tpu.memory_space<hbm>> -> memref<10240x128xf32, #tpu.memory_space<hbm>>
        tpu.wait_indirect_dma semaphore(%arg12 : memref<!tpu.dma_semaphore, #tpu.memory_space<semaphore_mem>>) src(%dma_wait3A_156 : memref<10240x128xf32, #tpu.memory_space<hbm>>) dst(%dma_wait3A_150 : memref<120x128xf32, #tpu.memory_space<vmem>>)
        %mul3A_157 = arith.constant 8 : i32
        %mul3A_158 = arith.muli %select_n3A_112, %mul3A_157 : i32
        %add3A_159 = arith.constant 1 : i32
        %add3A_160 = arith.addi %mul3A_158, %add3A_159 : i32
        %dma_start3A_161 = arith.constant 1 : i32
        %dma_start3A_162 = arith.constant 0 : i32
        %dma_start3A_163 = arith.constant 0 : i32
        %dma_start3A_164 = tpu.memref_slice %arg9[%dma_start3A_161, %dma_start3A_162, %dma_start3A_163] : memref<4x120x128xf32, #tpu.memory_space<vmem>> -> memref<1x120x128xf32, #tpu.memory_space<vmem>>
        %dma_start3A_165 = tpu.memref_squeeze %dma_start3A_164 : memref<1x120x128xf32, #tpu.memory_space<vmem>> -> memref<120x128xf32, #tpu.memory_space<vmem>>
        %dma_start3A_166 = arith.constant 0 : i32
        %dma_start3A_167 = tpu.memref_slice %arg8[%add3A_160, %dma_start3A_166] : memref<16x120xi32, #tpu.memory_space<vmem>> -> memref<1x120xi32, #tpu.memory_space<vmem>>
        %dma_start3A_168 = tpu.memref_squeeze %dma_start3A_167 : memref<1x120xi32, #tpu.memory_space<vmem>> -> memref<120xi32, #tpu.memory_space<vmem>>
        %dma_start3A_169 = arith.constant 0 : i32
        %dma_start3A_170 = arith.constant 0 : i32
        %dma_start3A_171 = tpu.memref_slice %arg10[%dma_start3A_169, %dma_start3A_170] : memref<5120x128xf32, #tpu.memory_space<vmem_shared>> -> memref<5120x128xf32, #tpu.memory_space<vmem_shared>>
        tpu.enqueue_indirect_dma source(%dma_start3A_165 : memref<120x128xf32, #tpu.memory_space<vmem>>) target(%dma_start3A_171 : memref<5120x128xf32, #tpu.memory_space<vmem_shared>>) offsets(%dma_start3A_168 : memref<120xi32, #tpu.memory_space<vmem>>) semaphore(%arg16 : memref<!tpu.dma_semaphore, #tpu.memory_space<semaphore_mem>>) {add = true}
        %add3A_172 = arith.constant 2 : i32
        %add3A_173 = arith.addi %add3A_79, %add3A_172 : i32
        %dma_wait3A_174 = arith.constant 2 : i32
        %dma_wait3A_175 = arith.constant 0 : i32
        %dma_wait3A_176 = arith.constant 0 : i32
        %dma_wait3A_177 = tpu.memref_slice %arg9[%dma_wait3A_174, %dma_wait3A_175, %dma_wait3A_176] : memref<4x120x128xf32, #tpu.memory_space<vmem>> -> memref<1x120x128xf32, #tpu.memory_space<vmem>>
        %dma_wait3A_178 = tpu.memref_squeeze %dma_wait3A_177 : memref<1x120x128xf32, #tpu.memory_space<vmem>> -> memref<120x128xf32, #tpu.memory_space<vmem>>
        %dma_wait3A_179 = arith.constant 0 : i32
        %dma_wait3A_180 = tpu.memref_slice %arg7[%add3A_173, %dma_wait3A_179] : memref<168x120xi32, #tpu.memory_space<vmem>> -> memref<1x120xi32, #tpu.memory_space<vmem>>
        %dma_wait3A_181 = tpu.memref_squeeze %dma_wait3A_180 : memref<1x120xi32, #tpu.memory_space<vmem>> -> memref<120xi32, #tpu.memory_space<vmem>>
        %dma_wait3A_182 = arith.constant 0 : i32
        %dma_wait3A_183 = arith.constant 0 : i32
        %dma_wait3A_184 = tpu.memref_slice %arg2[%dma_wait3A_182, %dma_wait3A_183] : memref<10240x128xf32, #tpu.memory_space<hbm>> -> memref<10240x128xf32, #tpu.memory_space<hbm>>
        tpu.wait_indirect_dma semaphore(%arg13 : memref<!tpu.dma_semaphore, #tpu.memory_space<semaphore_mem>>) src(%dma_wait3A_184 : memref<10240x128xf32, #tpu.memory_space<hbm>>) dst(%dma_wait3A_178 : memref<120x128xf32, #tpu.memory_space<vmem>>)
        %mul3A_185 = arith.constant 8 : i32
        %mul3A_186 = arith.muli %select_n3A_112, %mul3A_185 : i32
        %add3A_187 = arith.constant 2 : i32
        %add3A_188 = arith.addi %mul3A_186, %add3A_187 : i32
        %dma_start3A_189 = arith.constant 2 : i32
        %dma_start3A_190 = arith.constant 0 : i32
        %dma_start3A_191 = arith.constant 0 : i32
        %dma_start3A_192 = tpu.memref_slice %arg9[%dma_start3A_189, %dma_start3A_190, %dma_start3A_191] : memref<4x120x128xf32, #tpu.memory_space<vmem>> -> memref<1x120x128xf32, #tpu.memory_space<vmem>>
        %dma_start3A_193 = tpu.memref_squeeze %dma_start3A_192 : memref<1x120x128xf32, #tpu.memory_space<vmem>> -> memref<120x128xf32, #tpu.memory_space<vmem>>
        %dma_start3A_194 = arith.constant 0 : i32
        %dma_start3A_195 = tpu.memref_slice %arg8[%add3A_188, %dma_start3A_194] : memref<16x120xi32, #tpu.memory_space<vmem>> -> memref<1x120xi32, #tpu.memory_space<vmem>>
        %dma_start3A_196 = tpu.memref_squeeze %dma_start3A_195 : memref<1x120xi32, #tpu.memory_space<vmem>> -> memref<120xi32, #tpu.memory_space<vmem>>
        %dma_start3A_197 = arith.constant 0 : i32
        %dma_start3A_198 = arith.constant 0 : i32
        %dma_start3A_199 = tpu.memref_slice %arg10[%dma_start3A_197, %dma_start3A_198] : memref<5120x128xf32, #tpu.memory_space<vmem_shared>> -> memref<5120x128xf32, #tpu.memory_space<vmem_shared>>
        tpu.enqueue_indirect_dma source(%dma_start3A_193 : memref<120x128xf32, #tpu.memory_space<vmem>>) target(%dma_start3A_199 : memref<5120x128xf32, #tpu.memory_space<vmem_shared>>) offsets(%dma_start3A_196 : memref<120xi32, #tpu.memory_space<vmem>>) semaphore(%arg17 : memref<!tpu.dma_semaphore, #tpu.memory_space<semaphore_mem>>) {add = true}
        %add3A_200 = arith.constant 3 : i32
        %add3A_201 = arith.addi %add3A_79, %add3A_200 : i32
        %dma_wait3A_202 = arith.constant 3 : i32
        %dma_wait3A_203 = arith.constant 0 : i32
        %dma_wait3A_204 = arith.constant 0 : i32
        %dma_wait3A_205 = tpu.memref_slice %arg9[%dma_wait3A_202, %dma_wait3A_203, %dma_wait3A_204] : memref<4x120x128xf32, #tpu.memory_space<vmem>> -> memref<1x120x128xf32, #tpu.memory_space<vmem>>
        %dma_wait3A_206 = tpu.memref_squeeze %dma_wait3A_205 : memref<1x120x128xf32, #tpu.memory_space<vmem>> -> memref<120x128xf32, #tpu.memory_space<vmem>>
        %dma_wait3A_207 = arith.constant 0 : i32
        %dma_wait3A_208 = tpu.memref_slice %arg7[%add3A_201, %dma_wait3A_207] : memref<168x120xi32, #tpu.memory_space<vmem>> -> memref<1x120xi32, #tpu.memory_space<vmem>>
        %dma_wait3A_209 = tpu.memref_squeeze %dma_wait3A_208 : memref<1x120xi32, #tpu.memory_space<vmem>> -> memref<120xi32, #tpu.memory_space<vmem>>
        %dma_wait3A_210 = arith.constant 0 : i32
        %dma_wait3A_211 = arith.constant 0 : i32
        %dma_wait3A_212 = tpu.memref_slice %arg2[%dma_wait3A_210, %dma_wait3A_211] : memref<10240x128xf32, #tpu.memory_space<hbm>> -> memref<10240x128xf32, #tpu.memory_space<hbm>>
        tpu.wait_indirect_dma semaphore(%arg14 : memref<!tpu.dma_semaphore, #tpu.memory_space<semaphore_mem>>) src(%dma_wait3A_212 : memref<10240x128xf32, #tpu.memory_space<hbm>>) dst(%dma_wait3A_206 : memref<120x128xf32, #tpu.memory_space<vmem>>)
        %mul3A_213 = arith.constant 8 : i32
        %mul3A_214 = arith.muli %select_n3A_112, %mul3A_213 : i32
        %add3A_215 = arith.constant 3 : i32
        %add3A_216 = arith.addi %mul3A_214, %add3A_215 : i32
        %dma_start3A_217 = arith.constant 3 : i32
        %dma_start3A_218 = arith.constant 0 : i32
        %dma_start3A_219 = arith.constant 0 : i32
        %dma_start3A_220 = tpu.memref_slice %arg9[%dma_start3A_217, %dma_start3A_218, %dma_start3A_219] : memref<4x120x128xf32, #tpu.memory_space<vmem>> -> memref<1x120x128xf32, #tpu.memory_space<vmem>>
        %dma_start3A_221 = tpu.memref_squeeze %dma_start3A_220 : memref<1x120x128xf32, #tpu.memory_space<vmem>> -> memref<120x128xf32, #tpu.memory_space<vmem>>
        %dma_start3A_222 = arith.constant 0 : i32
        %dma_start3A_223 = tpu.memref_slice %arg8[%add3A_216, %dma_start3A_222] : memref<16x120xi32, #tpu.memory_space<vmem>> -> memref<1x120xi32, #tpu.memory_space<vmem>>
        %dma_start3A_224 = tpu.memref_squeeze %dma_start3A_223 : memref<1x120xi32, #tpu.memory_space<vmem>> -> memref<120xi32, #tpu.memory_space<vmem>>
        %dma_start3A_225 = arith.constant 0 : i32
        %dma_start3A_226 = arith.constant 0 : i32
        %dma_start3A_227 = tpu.memref_slice %arg10[%dma_start3A_225, %dma_start3A_226] : memref<5120x128xf32, #tpu.memory_space<vmem_shared>> -> memref<5120x128xf32, #tpu.memory_space<vmem_shared>>
        tpu.enqueue_indirect_dma source(%dma_start3A_221 : memref<120x128xf32, #tpu.memory_space<vmem>>) target(%dma_start3A_227 : memref<5120x128xf32, #tpu.memory_space<vmem_shared>>) offsets(%dma_start3A_224 : memref<120xi32, #tpu.memory_space<vmem>>) semaphore(%arg18 : memref<!tpu.dma_semaphore, #tpu.memory_space<semaphore_mem>>) {add = true}
        %add3A_228 = arith.constant 0 : i32
        %add3A_229 = arith.addi %add3A_79, %add3A_228 : i32
        %mul3A_230 = arith.constant 8 : i32
        %mul3A_231 = arith.muli %select_n3A_112, %mul3A_230 : i32
        %add3A_232 = arith.constant 0 : i32
        %add3A_233 = arith.addi %mul3A_231, %add3A_232 : i32
        %dma_wait3A_234 = arith.constant 0 : i32
        %dma_wait3A_235 = arith.constant 0 : i32
        %dma_wait3A_236 = arith.constant 0 : i32
        %dma_wait3A_237 = tpu.memref_slice %arg9[%dma_wait3A_234, %dma_wait3A_235, %dma_wait3A_236] : memref<4x120x128xf32, #tpu.memory_space<vmem>> -> memref<1x120x128xf32, #tpu.memory_space<vmem>>
        %dma_wait3A_238 = tpu.memref_squeeze %dma_wait3A_237 : memref<1x120x128xf32, #tpu.memory_space<vmem>> -> memref<120x128xf32, #tpu.memory_space<vmem>>
        %dma_wait3A_239 = arith.constant 0 : i32
        %dma_wait3A_240 = tpu.memref_slice %arg8[%add3A_233, %dma_wait3A_239] : memref<16x120xi32, #tpu.memory_space<vmem>> -> memref<1x120xi32, #tpu.memory_space<vmem>>
        %dma_wait3A_241 = tpu.memref_squeeze %dma_wait3A_240 : memref<1x120xi32, #tpu.memory_space<vmem>> -> memref<120xi32, #tpu.memory_space<vmem>>
        %dma_wait3A_242 = arith.constant 0 : i32
        %dma_wait3A_243 = arith.constant 0 : i32
        %dma_wait3A_244 = tpu.memref_slice %arg10[%dma_wait3A_242, %dma_wait3A_243] : memref<5120x128xf32, #tpu.memory_space<vmem_shared>> -> memref<5120x128xf32, #tpu.memory_space<vmem_shared>>
        tpu.wait_indirect_dma semaphore(%arg15 : memref<!tpu.dma_semaphore, #tpu.memory_space<semaphore_mem>>) src(%dma_wait3A_238 : memref<120x128xf32, #tpu.memory_space<vmem>>) dst(%dma_wait3A_244 : memref<5120x128xf32, #tpu.memory_space<vmem_shared>>)
        %add3A_245 = arith.constant 4 : i32
        %add3A_246 = arith.addi %add3A_229, %add3A_245 : i32
        %lt3A_247 = arith.constant 168 : i32
        %lt3A_248 = arith.cmpi slt, %add3A_246, %lt3A_247 : i32
        %convert_element_type3A_249 = arith.extui %lt3A_248 : i1 to i32
        %cond3A_250 = arith.constant 0 : i32
        %cond3A_251 = arith.cmpi ne, %convert_element_type3A_249, %cond3A_250 : i32
        scf.if %cond3A_251 {
          %add3A_539 = arith.constant 4 : i32
          %add3A_540 = arith.addi %add3A_229, %add3A_539 : i32
          %dma_start3A_541 = arith.constant 0 : i32
          %dma_start3A_542 = arith.constant 0 : i32
          %dma_start3A_543 = arith.constant 0 : i32
          %dma_start3A_544 = tpu.memref_slice %arg9[%dma_start3A_541, %dma_start3A_542, %dma_start3A_543] : memref<4x120x128xf32, #tpu.memory_space<vmem>> -> memref<1x120x128xf32, #tpu.memory_space<vmem>>
          %dma_start3A_545 = tpu.memref_squeeze %dma_start3A_544 : memref<1x120x128xf32, #tpu.memory_space<vmem>> -> memref<120x128xf32, #tpu.memory_space<vmem>>
          %dma_start3A_546 = arith.constant 0 : i32
          %dma_start3A_547 = tpu.memref_slice %arg7[%add3A_540, %dma_start3A_546] : memref<168x120xi32, #tpu.memory_space<vmem>> -> memref<1x120xi32, #tpu.memory_space<vmem>>
          %dma_start3A_548 = tpu.memref_squeeze %dma_start3A_547 : memref<1x120xi32, #tpu.memory_space<vmem>> -> memref<120xi32, #tpu.memory_space<vmem>>
          %dma_start3A_549 = arith.constant 0 : i32
          %dma_start3A_550 = arith.constant 0 : i32
          %dma_start3A_551 = tpu.memref_slice %arg2[%dma_start3A_549, %dma_start3A_550] : memref<10240x128xf32, #tpu.memory_space<hbm>> -> memref<10240x128xf32, #tpu.memory_space<hbm>>
          tpu.enqueue_indirect_dma source(%dma_start3A_551 : memref<10240x128xf32, #tpu.memory_space<hbm>>) target(%dma_start3A_545 : memref<120x128xf32, #tpu.memory_space<vmem>>) offsets(%dma_start3A_548 : memref<120xi32, #tpu.memory_space<vmem>>) semaphore(%arg11 : memref<!tpu.dma_semaphore, #tpu.memory_space<semaphore_mem>>)
        } else {
        }
        %add3A_252 = arith.constant 1 : i32
        %add3A_253 = arith.addi %add3A_79, %add3A_252 : i32
        %mul3A_254 = arith.constant 8 : i32
        %mul3A_255 = arith.muli %select_n3A_112, %mul3A_254 : i32
        %add3A_256 = arith.constant 1 : i32
        %add3A_257 = arith.addi %mul3A_255, %add3A_256 : i32
        %dma_wait3A_258 = arith.constant 1 : i32
        %dma_wait3A_259 = arith.constant 0 : i32
        %dma_wait3A_260 = arith.constant 0 : i32
        %dma_wait3A_261 = tpu.memref_slice %arg9[%dma_wait3A_258, %dma_wait3A_259, %dma_wait3A_260] : memref<4x120x128xf32, #tpu.memory_space<vmem>> -> memref<1x120x128xf32, #tpu.memory_space<vmem>>
        %dma_wait3A_262 = tpu.memref_squeeze %dma_wait3A_261 : memref<1x120x128xf32, #tpu.memory_space<vmem>> -> memref<120x128xf32, #tpu.memory_space<vmem>>
        %dma_wait3A_263 = arith.constant 0 : i32
        %dma_wait3A_264 = tpu.memref_slice %arg8[%add3A_257, %dma_wait3A_263] : memref<16x120xi32, #tpu.memory_space<vmem>> -> memref<1x120xi32, #tpu.memory_space<vmem>>
        %dma_wait3A_265 = tpu.memref_squeeze %dma_wait3A_264 : memref<1x120xi32, #tpu.memory_space<vmem>> -> memref<120xi32, #tpu.memory_space<vmem>>
        %dma_wait3A_266 = arith.constant 0 : i32
        %dma_wait3A_267 = arith.constant 0 : i32
        %dma_wait3A_268 = tpu.memref_slice %arg10[%dma_wait3A_266, %dma_wait3A_267] : memref<5120x128xf32, #tpu.memory_space<vmem_shared>> -> memref<5120x128xf32, #tpu.memory_space<vmem_shared>>
        tpu.wait_indirect_dma semaphore(%arg16 : memref<!tpu.dma_semaphore, #tpu.memory_space<semaphore_mem>>) src(%dma_wait3A_262 : memref<120x128xf32, #tpu.memory_space<vmem>>) dst(%dma_wait3A_268 : memref<5120x128xf32, #tpu.memory_space<vmem_shared>>)
        %add3A_269 = arith.constant 4 : i32
        %add3A_270 = arith.addi %add3A_253, %add3A_269 : i32
        %lt3A_271 = arith.constant 168 : i32
        %lt3A_272 = arith.cmpi slt, %add3A_270, %lt3A_271 : i32
        %convert_element_type3A_273 = arith.extui %lt3A_272 : i1 to i32
        %cond3A_274 = arith.constant 0 : i32
        %cond3A_275 = arith.cmpi ne, %convert_element_type3A_273, %cond3A_274 : i32
        scf.if %cond3A_275 {
          %add3A_539 = arith.constant 4 : i32
          %add3A_540 = arith.addi %add3A_253, %add3A_539 : i32
          %dma_start3A_541 = arith.constant 1 : i32
          %dma_start3A_542 = arith.constant 0 : i32
          %dma_start3A_543 = arith.constant 0 : i32
          %dma_start3A_544 = tpu.memref_slice %arg9[%dma_start3A_541, %dma_start3A_542, %dma_start3A_543] : memref<4x120x128xf32, #tpu.memory_space<vmem>> -> memref<1x120x128xf32, #tpu.memory_space<vmem>>
          %dma_start3A_545 = tpu.memref_squeeze %dma_start3A_544 : memref<1x120x128xf32, #tpu.memory_space<vmem>> -> memref<120x128xf32, #tpu.memory_space<vmem>>
          %dma_start3A_546 = arith.constant 0 : i32
          %dma_start3A_547 = tpu.memref_slice %arg7[%add3A_540, %dma_start3A_546] : memref<168x120xi32, #tpu.memory_space<vmem>> -> memref<1x120xi32, #tpu.memory_space<vmem>>
          %dma_start3A_548 = tpu.memref_squeeze %dma_start3A_547 : memref<1x120xi32, #tpu.memory_space<vmem>> -> memref<120xi32, #tpu.memory_space<vmem>>
          %dma_start3A_549 = arith.constant 0 : i32
          %dma_start3A_550 = arith.constant 0 : i32
          %dma_start3A_551 = tpu.memref_slice %arg2[%dma_start3A_549, %dma_start3A_550] : memref<10240x128xf32, #tpu.memory_space<hbm>> -> memref<10240x128xf32, #tpu.memory_space<hbm>>
          tpu.enqueue_indirect_dma source(%dma_start3A_551 : memref<10240x128xf32, #tpu.memory_space<hbm>>) target(%dma_start3A_545 : memref<120x128xf32, #tpu.memory_space<vmem>>) offsets(%dma_start3A_548 : memref<120xi32, #tpu.memory_space<vmem>>) semaphore(%arg12 : memref<!tpu.dma_semaphore, #tpu.memory_space<semaphore_mem>>)
        } else {
        }
        %add3A_276 = arith.constant 2 : i32
        %add3A_277 = arith.addi %add3A_79, %add3A_276 : i32
        %mul3A_278 = arith.constant 8 : i32
        %mul3A_279 = arith.muli %select_n3A_112, %mul3A_278 : i32
        %add3A_280 = arith.constant 2 : i32
        %add3A_281 = arith.addi %mul3A_279, %add3A_280 : i32
        %dma_wait3A_282 = arith.constant 2 : i32
        %dma_wait3A_283 = arith.constant 0 : i32
        %dma_wait3A_284 = arith.constant 0 : i32
        %dma_wait3A_285 = tpu.memref_slice %arg9[%dma_wait3A_282, %dma_wait3A_283, %dma_wait3A_284] : memref<4x120x128xf32, #tpu.memory_space<vmem>> -> memref<1x120x128xf32, #tpu.memory_space<vmem>>
        %dma_wait3A_286 = tpu.memref_squeeze %dma_wait3A_285 : memref<1x120x128xf32, #tpu.memory_space<vmem>> -> memref<120x128xf32, #tpu.memory_space<vmem>>
        %dma_wait3A_287 = arith.constant 0 : i32
        %dma_wait3A_288 = tpu.memref_slice %arg8[%add3A_281, %dma_wait3A_287] : memref<16x120xi32, #tpu.memory_space<vmem>> -> memref<1x120xi32, #tpu.memory_space<vmem>>
        %dma_wait3A_289 = tpu.memref_squeeze %dma_wait3A_288 : memref<1x120xi32, #tpu.memory_space<vmem>> -> memref<120xi32, #tpu.memory_space<vmem>>
        %dma_wait3A_290 = arith.constant 0 : i32
        %dma_wait3A_291 = arith.constant 0 : i32
        %dma_wait3A_292 = tpu.memref_slice %arg10[%dma_wait3A_290, %dma_wait3A_291] : memref<5120x128xf32, #tpu.memory_space<vmem_shared>> -> memref<5120x128xf32, #tpu.memory_space<vmem_shared>>
        tpu.wait_indirect_dma semaphore(%arg17 : memref<!tpu.dma_semaphore, #tpu.memory_space<semaphore_mem>>) src(%dma_wait3A_286 : memref<120x128xf32, #tpu.memory_space<vmem>>) dst(%dma_wait3A_292 : memref<5120x128xf32, #tpu.memory_space<vmem_shared>>)
        %add3A_293 = arith.constant 4 : i32
        %add3A_294 = arith.addi %add3A_277, %add3A_293 : i32
        %lt3A_295 = arith.constant 168 : i32
        %lt3A_296 = arith.cmpi slt, %add3A_294, %lt3A_295 : i32
        %convert_element_type3A_297 = arith.extui %lt3A_296 : i1 to i32
        %cond3A_298 = arith.constant 0 : i32
        %cond3A_299 = arith.cmpi ne, %convert_element_type3A_297, %cond3A_298 : i32
        scf.if %cond3A_299 {
          %add3A_539 = arith.constant 4 : i32
          %add3A_540 = arith.addi %add3A_277, %add3A_539 : i32
          %dma_start3A_541 = arith.constant 2 : i32
          %dma_start3A_542 = arith.constant 0 : i32
          %dma_start3A_543 = arith.constant 0 : i32
          %dma_start3A_544 = tpu.memref_slice %arg9[%dma_start3A_541, %dma_start3A_542, %dma_start3A_543] : memref<4x120x128xf32, #tpu.memory_space<vmem>> -> memref<1x120x128xf32, #tpu.memory_space<vmem>>
          %dma_start3A_545 = tpu.memref_squeeze %dma_start3A_544 : memref<1x120x128xf32, #tpu.memory_space<vmem>> -> memref<120x128xf32, #tpu.memory_space<vmem>>
          %dma_start3A_546 = arith.constant 0 : i32
          %dma_start3A_547 = tpu.memref_slice %arg7[%add3A_540, %dma_start3A_546] : memref<168x120xi32, #tpu.memory_space<vmem>> -> memref<1x120xi32, #tpu.memory_space<vmem>>
          %dma_start3A_548 = tpu.memref_squeeze %dma_start3A_547 : memref<1x120xi32, #tpu.memory_space<vmem>> -> memref<120xi32, #tpu.memory_space<vmem>>
          %dma_start3A_549 = arith.constant 0 : i32
          %dma_start3A_550 = arith.constant 0 : i32
          %dma_start3A_551 = tpu.memref_slice %arg2[%dma_start3A_549, %dma_start3A_550] : memref<10240x128xf32, #tpu.memory_space<hbm>> -> memref<10240x128xf32, #tpu.memory_space<hbm>>
          tpu.enqueue_indirect_dma source(%dma_start3A_551 : memref<10240x128xf32, #tpu.memory_space<hbm>>) target(%dma_start3A_545 : memref<120x128xf32, #tpu.memory_space<vmem>>) offsets(%dma_start3A_548 : memref<120xi32, #tpu.memory_space<vmem>>) semaphore(%arg13 : memref<!tpu.dma_semaphore, #tpu.memory_space<semaphore_mem>>)
        } else {
        }
        %add3A_300 = arith.constant 3 : i32
        %add3A_301 = arith.addi %add3A_79, %add3A_300 : i32
        %mul3A_302 = arith.constant 8 : i32
        %mul3A_303 = arith.muli %select_n3A_112, %mul3A_302 : i32
        %add3A_304 = arith.constant 3 : i32
        %add3A_305 = arith.addi %mul3A_303, %add3A_304 : i32
        %dma_wait3A_306 = arith.constant 3 : i32
        %dma_wait3A_307 = arith.constant 0 : i32
        %dma_wait3A_308 = arith.constant 0 : i32
        %dma_wait3A_309 = tpu.memref_slice %arg9[%dma_wait3A_306, %dma_wait3A_307, %dma_wait3A_308] : memref<4x120x128xf32, #tpu.memory_space<vmem>> -> memref<1x120x128xf32, #tpu.memory_space<vmem>>
        %dma_wait3A_310 = tpu.memref_squeeze %dma_wait3A_309 : memref<1x120x128xf32, #tpu.memory_space<vmem>> -> memref<120x128xf32, #tpu.memory_space<vmem>>
        %dma_wait3A_311 = arith.constant 0 : i32
        %dma_wait3A_312 = tpu.memref_slice %arg8[%add3A_305, %dma_wait3A_311] : memref<16x120xi32, #tpu.memory_space<vmem>> -> memref<1x120xi32, #tpu.memory_space<vmem>>
        %dma_wait3A_313 = tpu.memref_squeeze %dma_wait3A_312 : memref<1x120xi32, #tpu.memory_space<vmem>> -> memref<120xi32, #tpu.memory_space<vmem>>
        %dma_wait3A_314 = arith.constant 0 : i32
        %dma_wait3A_315 = arith.constant 0 : i32
        %dma_wait3A_316 = tpu.memref_slice %arg10[%dma_wait3A_314, %dma_wait3A_315] : memref<5120x128xf32, #tpu.memory_space<vmem_shared>> -> memref<5120x128xf32, #tpu.memory_space<vmem_shared>>
        tpu.wait_indirect_dma semaphore(%arg18 : memref<!tpu.dma_semaphore, #tpu.memory_space<semaphore_mem>>) src(%dma_wait3A_310 : memref<120x128xf32, #tpu.memory_space<vmem>>) dst(%dma_wait3A_316 : memref<5120x128xf32, #tpu.memory_space<vmem_shared>>)
        %add3A_317 = arith.constant 4 : i32
        %add3A_318 = arith.addi %add3A_301, %add3A_317 : i32
        %lt3A_319 = arith.constant 168 : i32
        %lt3A_320 = arith.cmpi slt, %add3A_318, %lt3A_319 : i32
        %convert_element_type3A_321 = arith.extui %lt3A_320 : i1 to i32
        %cond3A_322 = arith.constant 0 : i32
        %cond3A_323 = arith.cmpi ne, %convert_element_type3A_321, %cond3A_322 : i32
        scf.if %cond3A_323 {
          %add3A_539 = arith.constant 4 : i32
          %add3A_540 = arith.addi %add3A_301, %add3A_539 : i32
          %dma_start3A_541 = arith.constant 3 : i32
          %dma_start3A_542 = arith.constant 0 : i32
          %dma_start3A_543 = arith.constant 0 : i32
          %dma_start3A_544 = tpu.memref_slice %arg9[%dma_start3A_541, %dma_start3A_542, %dma_start3A_543] : memref<4x120x128xf32, #tpu.memory_space<vmem>> -> memref<1x120x128xf32, #tpu.memory_space<vmem>>
          %dma_start3A_545 = tpu.memref_squeeze %dma_start3A_544 : memref<1x120x128xf32, #tpu.memory_space<vmem>> -> memref<120x128xf32, #tpu.memory_space<vmem>>
          %dma_start3A_546 = arith.constant 0 : i32
          %dma_start3A_547 = tpu.memref_slice %arg7[%add3A_540, %dma_start3A_546] : memref<168x120xi32, #tpu.memory_space<vmem>> -> memref<1x120xi32, #tpu.memory_space<vmem>>
          %dma_start3A_548 = tpu.memref_squeeze %dma_start3A_547 : memref<1x120xi32, #tpu.memory_space<vmem>> -> memref<120xi32, #tpu.memory_space<vmem>>
          %dma_start3A_549 = arith.constant 0 : i32
          %dma_start3A_550 = arith.constant 0 : i32
          %dma_start3A_551 = tpu.memref_slice %arg2[%dma_start3A_549, %dma_start3A_550] : memref<10240x128xf32, #tpu.memory_space<hbm>> -> memref<10240x128xf32, #tpu.memory_space<hbm>>
          tpu.enqueue_indirect_dma source(%dma_start3A_551 : memref<10240x128xf32, #tpu.memory_space<hbm>>) target(%dma_start3A_545 : memref<120x128xf32, #tpu.memory_space<vmem>>) offsets(%dma_start3A_548 : memref<120xi32, #tpu.memory_space<vmem>>) semaphore(%arg14 : memref<!tpu.dma_semaphore, #tpu.memory_space<semaphore_mem>>)
        } else {
        }
        %add3A_324 = arith.constant 4 : i32
        %add3A_325 = arith.addi %add3A_79, %add3A_324 : i32
        %dma_wait3A_326 = arith.constant 0 : i32
        %dma_wait3A_327 = arith.constant 0 : i32
        %dma_wait3A_328 = arith.constant 0 : i32
        %dma_wait3A_329 = tpu.memref_slice %arg9[%dma_wait3A_326, %dma_wait3A_327, %dma_wait3A_328] : memref<4x120x128xf32, #tpu.memory_space<vmem>> -> memref<1x120x128xf32, #tpu.memory_space<vmem>>
        %dma_wait3A_330 = tpu.memref_squeeze %dma_wait3A_329 : memref<1x120x128xf32, #tpu.memory_space<vmem>> -> memref<120x128xf32, #tpu.memory_space<vmem>>
        %dma_wait3A_331 = arith.constant 0 : i32
        %dma_wait3A_332 = tpu.memref_slice %arg7[%add3A_325, %dma_wait3A_331] : memref<168x120xi32, #tpu.memory_space<vmem>> -> memref<1x120xi32, #tpu.memory_space<vmem>>
        %dma_wait3A_333 = tpu.memref_squeeze %dma_wait3A_332 : memref<1x120xi32, #tpu.memory_space<vmem>> -> memref<120xi32, #tpu.memory_space<vmem>>
        %dma_wait3A_334 = arith.constant 0 : i32
        %dma_wait3A_335 = arith.constant 0 : i32
        %dma_wait3A_336 = tpu.memref_slice %arg2[%dma_wait3A_334, %dma_wait3A_335] : memref<10240x128xf32, #tpu.memory_space<hbm>> -> memref<10240x128xf32, #tpu.memory_space<hbm>>
        tpu.wait_indirect_dma semaphore(%arg11 : memref<!tpu.dma_semaphore, #tpu.memory_space<semaphore_mem>>) src(%dma_wait3A_336 : memref<10240x128xf32, #tpu.memory_space<hbm>>) dst(%dma_wait3A_330 : memref<120x128xf32, #tpu.memory_space<vmem>>)
        %mul3A_337 = arith.constant 8 : i32
        %mul3A_338 = arith.muli %select_n3A_112, %mul3A_337 : i32
        %add3A_339 = arith.constant 4 : i32
        %add3A_340 = arith.addi %mul3A_338, %add3A_339 : i32
        %dma_start3A_341 = arith.constant 0 : i32
        %dma_start3A_342 = arith.constant 0 : i32
        %dma_start3A_343 = arith.constant 0 : i32
        %dma_start3A_344 = tpu.memref_slice %arg9[%dma_start3A_341, %dma_start3A_342, %dma_start3A_343] : memref<4x120x128xf32, #tpu.memory_space<vmem>> -> memref<1x120x128xf32, #tpu.memory_space<vmem>>
        %dma_start3A_345 = tpu.memref_squeeze %dma_start3A_344 : memref<1x120x128xf32, #tpu.memory_space<vmem>> -> memref<120x128xf32, #tpu.memory_space<vmem>>
        %dma_start3A_346 = arith.constant 0 : i32
        %dma_start3A_347 = tpu.memref_slice %arg8[%add3A_340, %dma_start3A_346] : memref<16x120xi32, #tpu.memory_space<vmem>> -> memref<1x120xi32, #tpu.memory_space<vmem>>
        %dma_start3A_348 = tpu.memref_squeeze %dma_start3A_347 : memref<1x120xi32, #tpu.memory_space<vmem>> -> memref<120xi32, #tpu.memory_space<vmem>>
        %dma_start3A_349 = arith.constant 0 : i32
        %dma_start3A_350 = arith.constant 0 : i32
        %dma_start3A_351 = tpu.memref_slice %arg10[%dma_start3A_349, %dma_start3A_350] : memref<5120x128xf32, #tpu.memory_space<vmem_shared>> -> memref<5120x128xf32, #tpu.memory_space<vmem_shared>>
        tpu.enqueue_indirect_dma source(%dma_start3A_345 : memref<120x128xf32, #tpu.memory_space<vmem>>) target(%dma_start3A_351 : memref<5120x128xf32, #tpu.memory_space<vmem_shared>>) offsets(%dma_start3A_348 : memref<120xi32, #tpu.memory_space<vmem>>) semaphore(%arg15 : memref<!tpu.dma_semaphore, #tpu.memory_space<semaphore_mem>>) {add = true}
        %add3A_352 = arith.constant 5 : i32
        %add3A_353 = arith.addi %add3A_79, %add3A_352 : i32
        %dma_wait3A_354 = arith.constant 1 : i32
        %dma_wait3A_355 = arith.constant 0 : i32
        %dma_wait3A_356 = arith.constant 0 : i32
        %dma_wait3A_357 = tpu.memref_slice %arg9[%dma_wait3A_354, %dma_wait3A_355, %dma_wait3A_356] : memref<4x120x128xf32, #tpu.memory_space<vmem>> -> memref<1x120x128xf32, #tpu.memory_space<vmem>>
        %dma_wait3A_358 = tpu.memref_squeeze %dma_wait3A_357 : memref<1x120x128xf32, #tpu.memory_space<vmem>> -> memref<120x128xf32, #tpu.memory_space<vmem>>
        %dma_wait3A_359 = arith.constant 0 : i32
        %dma_wait3A_360 = tpu.memref_slice %arg7[%add3A_353, %dma_wait3A_359] : memref<168x120xi32, #tpu.memory_space<vmem>> -> memref<1x120xi32, #tpu.memory_space<vmem>>
        %dma_wait3A_361 = tpu.memref_squeeze %dma_wait3A_360 : memref<1x120xi32, #tpu.memory_space<vmem>> -> memref<120xi32, #tpu.memory_space<vmem>>
        %dma_wait3A_362 = arith.constant 0 : i32
        %dma_wait3A_363 = arith.constant 0 : i32
        %dma_wait3A_364 = tpu.memref_slice %arg2[%dma_wait3A_362, %dma_wait3A_363] : memref<10240x128xf32, #tpu.memory_space<hbm>> -> memref<10240x128xf32, #tpu.memory_space<hbm>>
        tpu.wait_indirect_dma semaphore(%arg12 : memref<!tpu.dma_semaphore, #tpu.memory_space<semaphore_mem>>) src(%dma_wait3A_364 : memref<10240x128xf32, #tpu.memory_space<hbm>>) dst(%dma_wait3A_358 : memref<120x128xf32, #tpu.memory_space<vmem>>)
        %mul3A_365 = arith.constant 8 : i32
        %mul3A_366 = arith.muli %select_n3A_112, %mul3A_365 : i32
        %add3A_367 = arith.constant 5 : i32
        %add3A_368 = arith.addi %mul3A_366, %add3A_367 : i32
        %dma_start3A_369 = arith.constant 1 : i32
        %dma_start3A_370 = arith.constant 0 : i32
        %dma_start3A_371 = arith.constant 0 : i32
        %dma_start3A_372 = tpu.memref_slice %arg9[%dma_start3A_369, %dma_start3A_370, %dma_start3A_371] : memref<4x120x128xf32, #tpu.memory_space<vmem>> -> memref<1x120x128xf32, #tpu.memory_space<vmem>>
        %dma_start3A_373 = tpu.memref_squeeze %dma_start3A_372 : memref<1x120x128xf32, #tpu.memory_space<vmem>> -> memref<120x128xf32, #tpu.memory_space<vmem>>
        %dma_start3A_374 = arith.constant 0 : i32
        %dma_start3A_375 = tpu.memref_slice %arg8[%add3A_368, %dma_start3A_374] : memref<16x120xi32, #tpu.memory_space<vmem>> -> memref<1x120xi32, #tpu.memory_space<vmem>>
        %dma_start3A_376 = tpu.memref_squeeze %dma_start3A_375 : memref<1x120xi32, #tpu.memory_space<vmem>> -> memref<120xi32, #tpu.memory_space<vmem>>
        %dma_start3A_377 = arith.constant 0 : i32
        %dma_start3A_378 = arith.constant 0 : i32
        %dma_start3A_379 = tpu.memref_slice %arg10[%dma_start3A_377, %dma_start3A_378] : memref<5120x128xf32, #tpu.memory_space<vmem_shared>> -> memref<5120x128xf32, #tpu.memory_space<vmem_shared>>
        tpu.enqueue_indirect_dma source(%dma_start3A_373 : memref<120x128xf32, #tpu.memory_space<vmem>>) target(%dma_start3A_379 : memref<5120x128xf32, #tpu.memory_space<vmem_shared>>) offsets(%dma_start3A_376 : memref<120xi32, #tpu.memory_space<vmem>>) semaphore(%arg16 : memref<!tpu.dma_semaphore, #tpu.memory_space<semaphore_mem>>) {add = true}
        %add3A_380 = arith.constant 6 : i32
        %add3A_381 = arith.addi %add3A_79, %add3A_380 : i32
        %dma_wait3A_382 = arith.constant 2 : i32
        %dma_wait3A_383 = arith.constant 0 : i32
        %dma_wait3A_384 = arith.constant 0 : i32
        %dma_wait3A_385 = tpu.memref_slice %arg9[%dma_wait3A_382, %dma_wait3A_383, %dma_wait3A_384] : memref<4x120x128xf32, #tpu.memory_space<vmem>> -> memref<1x120x128xf32, #tpu.memory_space<vmem>>
        %dma_wait3A_386 = tpu.memref_squeeze %dma_wait3A_385 : memref<1x120x128xf32, #tpu.memory_space<vmem>> -> memref<120x128xf32, #tpu.memory_space<vmem>>
        %dma_wait3A_387 = arith.constant 0 : i32
        %dma_wait3A_388 = tpu.memref_slice %arg7[%add3A_381, %dma_wait3A_387] : memref<168x120xi32, #tpu.memory_space<vmem>> -> memref<1x120xi32, #tpu.memory_space<vmem>>
        %dma_wait3A_389 = tpu.memref_squeeze %dma_wait3A_388 : memref<1x120xi32, #tpu.memory_space<vmem>> -> memref<120xi32, #tpu.memory_space<vmem>>
        %dma_wait3A_390 = arith.constant 0 : i32
        %dma_wait3A_391 = arith.constant 0 : i32
        %dma_wait3A_392 = tpu.memref_slice %arg2[%dma_wait3A_390, %dma_wait3A_391] : memref<10240x128xf32, #tpu.memory_space<hbm>> -> memref<10240x128xf32, #tpu.memory_space<hbm>>
        tpu.wait_indirect_dma semaphore(%arg13 : memref<!tpu.dma_semaphore, #tpu.memory_space<semaphore_mem>>) src(%dma_wait3A_392 : memref<10240x128xf32, #tpu.memory_space<hbm>>) dst(%dma_wait3A_386 : memref<120x128xf32, #tpu.memory_space<vmem>>)
        %mul3A_393 = arith.constant 8 : i32
        %mul3A_394 = arith.muli %select_n3A_112, %mul3A_393 : i32
        %add3A_395 = arith.constant 6 : i32
        %add3A_396 = arith.addi %mul3A_394, %add3A_395 : i32
        %dma_start3A_397 = arith.constant 2 : i32
        %dma_start3A_398 = arith.constant 0 : i32
        %dma_start3A_399 = arith.constant 0 : i32
        %dma_start3A_400 = tpu.memref_slice %arg9[%dma_start3A_397, %dma_start3A_398, %dma_start3A_399] : memref<4x120x128xf32, #tpu.memory_space<vmem>> -> memref<1x120x128xf32, #tpu.memory_space<vmem>>
        %dma_start3A_401 = tpu.memref_squeeze %dma_start3A_400 : memref<1x120x128xf32, #tpu.memory_space<vmem>> -> memref<120x128xf32, #tpu.memory_space<vmem>>
        %dma_start3A_402 = arith.constant 0 : i32
        %dma_start3A_403 = tpu.memref_slice %arg8[%add3A_396, %dma_start3A_402] : memref<16x120xi32, #tpu.memory_space<vmem>> -> memref<1x120xi32, #tpu.memory_space<vmem>>
        %dma_start3A_404 = tpu.memref_squeeze %dma_start3A_403 : memref<1x120xi32, #tpu.memory_space<vmem>> -> memref<120xi32, #tpu.memory_space<vmem>>
        %dma_start3A_405 = arith.constant 0 : i32
        %dma_start3A_406 = arith.constant 0 : i32
        %dma_start3A_407 = tpu.memref_slice %arg10[%dma_start3A_405, %dma_start3A_406] : memref<5120x128xf32, #tpu.memory_space<vmem_shared>> -> memref<5120x128xf32, #tpu.memory_space<vmem_shared>>
        tpu.enqueue_indirect_dma source(%dma_start3A_401 : memref<120x128xf32, #tpu.memory_space<vmem>>) target(%dma_start3A_407 : memref<5120x128xf32, #tpu.memory_space<vmem_shared>>) offsets(%dma_start3A_404 : memref<120xi32, #tpu.memory_space<vmem>>) semaphore(%arg17 : memref<!tpu.dma_semaphore, #tpu.memory_space<semaphore_mem>>) {add = true}
        %add3A_408 = arith.constant 7 : i32
        %add3A_409 = arith.addi %add3A_79, %add3A_408 : i32
        %dma_wait3A_410 = arith.constant 3 : i32
        %dma_wait3A_411 = arith.constant 0 : i32
        %dma_wait3A_412 = arith.constant 0 : i32
        %dma_wait3A_413 = tpu.memref_slice %arg9[%dma_wait3A_410, %dma_wait3A_411, %dma_wait3A_412] : memref<4x120x128xf32, #tpu.memory_space<vmem>> -> memref<1x120x128xf32, #tpu.memory_space<vmem>>
        %dma_wait3A_414 = tpu.memref_squeeze %dma_wait3A_413 : memref<1x120x128xf32, #tpu.memory_space<vmem>> -> memref<120x128xf32, #tpu.memory_space<vmem>>
        %dma_wait3A_415 = arith.constant 0 : i32
        %dma_wait3A_416 = tpu.memref_slice %arg7[%add3A_409, %dma_wait3A_415] : memref<168x120xi32, #tpu.memory_space<vmem>> -> memref<1x120xi32, #tpu.memory_space<vmem>>
        %dma_wait3A_417 = tpu.memref_squeeze %dma_wait3A_416 : memref<1x120xi32, #tpu.memory_space<vmem>> -> memref<120xi32, #tpu.memory_space<vmem>>
        %dma_wait3A_418 = arith.constant 0 : i32
        %dma_wait3A_419 = arith.constant 0 : i32
        %dma_wait3A_420 = tpu.memref_slice %arg2[%dma_wait3A_418, %dma_wait3A_419] : memref<10240x128xf32, #tpu.memory_space<hbm>> -> memref<10240x128xf32, #tpu.memory_space<hbm>>
        tpu.wait_indirect_dma semaphore(%arg14 : memref<!tpu.dma_semaphore, #tpu.memory_space<semaphore_mem>>) src(%dma_wait3A_420 : memref<10240x128xf32, #tpu.memory_space<hbm>>) dst(%dma_wait3A_414 : memref<120x128xf32, #tpu.memory_space<vmem>>)
        %mul3A_421 = arith.constant 8 : i32
        %mul3A_422 = arith.muli %select_n3A_112, %mul3A_421 : i32
        %add3A_423 = arith.constant 7 : i32
        %add3A_424 = arith.addi %mul3A_422, %add3A_423 : i32
        %dma_start3A_425 = arith.constant 3 : i32
        %dma_start3A_426 = arith.constant 0 : i32
        %dma_start3A_427 = arith.constant 0 : i32
        %dma_start3A_428 = tpu.memref_slice %arg9[%dma_start3A_425, %dma_start3A_426, %dma_start3A_427] : memref<4x120x128xf32, #tpu.memory_space<vmem>> -> memref<1x120x128xf32, #tpu.memory_space<vmem>>
        %dma_start3A_429 = tpu.memref_squeeze %dma_start3A_428 : memref<1x120x128xf32, #tpu.memory_space<vmem>> -> memref<120x128xf32, #tpu.memory_space<vmem>>
        %dma_start3A_430 = arith.constant 0 : i32
        %dma_start3A_431 = tpu.memref_slice %arg8[%add3A_424, %dma_start3A_430] : memref<16x120xi32, #tpu.memory_space<vmem>> -> memref<1x120xi32, #tpu.memory_space<vmem>>
        %dma_start3A_432 = tpu.memref_squeeze %dma_start3A_431 : memref<1x120xi32, #tpu.memory_space<vmem>> -> memref<120xi32, #tpu.memory_space<vmem>>
        %dma_start3A_433 = arith.constant 0 : i32
        %dma_start3A_434 = arith.constant 0 : i32
        %dma_start3A_435 = tpu.memref_slice %arg10[%dma_start3A_433, %dma_start3A_434] : memref<5120x128xf32, #tpu.memory_space<vmem_shared>> -> memref<5120x128xf32, #tpu.memory_space<vmem_shared>>
        tpu.enqueue_indirect_dma source(%dma_start3A_429 : memref<120x128xf32, #tpu.memory_space<vmem>>) target(%dma_start3A_435 : memref<5120x128xf32, #tpu.memory_space<vmem_shared>>) offsets(%dma_start3A_432 : memref<120xi32, #tpu.memory_space<vmem>>) semaphore(%arg18 : memref<!tpu.dma_semaphore, #tpu.memory_space<semaphore_mem>>) {add = true}
        %add3A_436 = arith.constant 4 : i32
        %add3A_437 = arith.addi %add3A_79, %add3A_436 : i32
        %mul3A_438 = arith.constant 8 : i32
        %mul3A_439 = arith.muli %select_n3A_112, %mul3A_438 : i32
        %add3A_440 = arith.constant 4 : i32
        %add3A_441 = arith.addi %mul3A_439, %add3A_440 : i32
        %dma_wait3A_442 = arith.constant 0 : i32
        %dma_wait3A_443 = arith.constant 0 : i32
        %dma_wait3A_444 = arith.constant 0 : i32
        %dma_wait3A_445 = tpu.memref_slice %arg9[%dma_wait3A_442, %dma_wait3A_443, %dma_wait3A_444] : memref<4x120x128xf32, #tpu.memory_space<vmem>> -> memref<1x120x128xf32, #tpu.memory_space<vmem>>
        %dma_wait3A_446 = tpu.memref_squeeze %dma_wait3A_445 : memref<1x120x128xf32, #tpu.memory_space<vmem>> -> memref<120x128xf32, #tpu.memory_space<vmem>>
        %dma_wait3A_447 = arith.constant 0 : i32
        %dma_wait3A_448 = tpu.memref_slice %arg8[%add3A_441, %dma_wait3A_447] : memref<16x120xi32, #tpu.memory_space<vmem>> -> memref<1x120xi32, #tpu.memory_space<vmem>>
        %dma_wait3A_449 = tpu.memref_squeeze %dma_wait3A_448 : memref<1x120xi32, #tpu.memory_space<vmem>> -> memref<120xi32, #tpu.memory_space<vmem>>
        %dma_wait3A_450 = arith.constant 0 : i32
        %dma_wait3A_451 = arith.constant 0 : i32
        %dma_wait3A_452 = tpu.memref_slice %arg10[%dma_wait3A_450, %dma_wait3A_451] : memref<5120x128xf32, #tpu.memory_space<vmem_shared>> -> memref<5120x128xf32, #tpu.memory_space<vmem_shared>>
        tpu.wait_indirect_dma semaphore(%arg15 : memref<!tpu.dma_semaphore, #tpu.memory_space<semaphore_mem>>) src(%dma_wait3A_446 : memref<120x128xf32, #tpu.memory_space<vmem>>) dst(%dma_wait3A_452 : memref<5120x128xf32, #tpu.memory_space<vmem_shared>>)
        %add3A_453 = arith.constant 4 : i32
        %add3A_454 = arith.addi %add3A_437, %add3A_453 : i32
        %lt3A_455 = arith.constant 168 : i32
        %lt3A_456 = arith.cmpi slt, %add3A_454, %lt3A_455 : i32
        %convert_element_type3A_457 = arith.extui %lt3A_456 : i1 to i32
        %cond3A_458 = arith.constant 0 : i32
        %cond3A_459 = arith.cmpi ne, %convert_element_type3A_457, %cond3A_458 : i32
        scf.if %cond3A_459 {
          %add3A_539 = arith.constant 4 : i32
          %add3A_540 = arith.addi %add3A_437, %add3A_539 : i32
          %dma_start3A_541 = arith.constant 0 : i32
          %dma_start3A_542 = arith.constant 0 : i32
          %dma_start3A_543 = arith.constant 0 : i32
          %dma_start3A_544 = tpu.memref_slice %arg9[%dma_start3A_541, %dma_start3A_542, %dma_start3A_543] : memref<4x120x128xf32, #tpu.memory_space<vmem>> -> memref<1x120x128xf32, #tpu.memory_space<vmem>>
          %dma_start3A_545 = tpu.memref_squeeze %dma_start3A_544 : memref<1x120x128xf32, #tpu.memory_space<vmem>> -> memref<120x128xf32, #tpu.memory_space<vmem>>
          %dma_start3A_546 = arith.constant 0 : i32
          %dma_start3A_547 = tpu.memref_slice %arg7[%add3A_540, %dma_start3A_546] : memref<168x120xi32, #tpu.memory_space<vmem>> -> memref<1x120xi32, #tpu.memory_space<vmem>>
          %dma_start3A_548 = tpu.memref_squeeze %dma_start3A_547 : memref<1x120xi32, #tpu.memory_space<vmem>> -> memref<120xi32, #tpu.memory_space<vmem>>
          %dma_start3A_549 = arith.constant 0 : i32
          %dma_start3A_550 = arith.constant 0 : i32
          %dma_start3A_551 = tpu.memref_slice %arg2[%dma_start3A_549, %dma_start3A_550] : memref<10240x128xf32, #tpu.memory_space<hbm>> -> memref<10240x128xf32, #tpu.memory_space<hbm>>
          tpu.enqueue_indirect_dma source(%dma_start3A_551 : memref<10240x128xf32, #tpu.memory_space<hbm>>) target(%dma_start3A_545 : memref<120x128xf32, #tpu.memory_space<vmem>>) offsets(%dma_start3A_548 : memref<120xi32, #tpu.memory_space<vmem>>) semaphore(%arg11 : memref<!tpu.dma_semaphore, #tpu.memory_space<semaphore_mem>>)
        } else {
        }
        %add3A_460 = arith.constant 5 : i32
        %add3A_461 = arith.addi %add3A_79, %add3A_460 : i32
        %mul3A_462 = arith.constant 8 : i32
        %mul3A_463 = arith.muli %select_n3A_112, %mul3A_462 : i32
        %add3A_464 = arith.constant 5 : i32
        %add3A_465 = arith.addi %mul3A_463, %add3A_464 : i32
        %dma_wait3A_466 = arith.constant 1 : i32
        %dma_wait3A_467 = arith.constant 0 : i32
        %dma_wait3A_468 = arith.constant 0 : i32
        %dma_wait3A_469 = tpu.memref_slice %arg9[%dma_wait3A_466, %dma_wait3A_467, %dma_wait3A_468] : memref<4x120x128xf32, #tpu.memory_space<vmem>> -> memref<1x120x128xf32, #tpu.memory_space<vmem>>
        %dma_wait3A_470 = tpu.memref_squeeze %dma_wait3A_469 : memref<1x120x128xf32, #tpu.memory_space<vmem>> -> memref<120x128xf32, #tpu.memory_space<vmem>>
        %dma_wait3A_471 = arith.constant 0 : i32
        %dma_wait3A_472 = tpu.memref_slice %arg8[%add3A_465, %dma_wait3A_471] : memref<16x120xi32, #tpu.memory_space<vmem>> -> memref<1x120xi32, #tpu.memory_space<vmem>>
        %dma_wait3A_473 = tpu.memref_squeeze %dma_wait3A_472 : memref<1x120xi32, #tpu.memory_space<vmem>> -> memref<120xi32, #tpu.memory_space<vmem>>
        %dma_wait3A_474 = arith.constant 0 : i32
        %dma_wait3A_475 = arith.constant 0 : i32
        %dma_wait3A_476 = tpu.memref_slice %arg10[%dma_wait3A_474, %dma_wait3A_475] : memref<5120x128xf32, #tpu.memory_space<vmem_shared>> -> memref<5120x128xf32, #tpu.memory_space<vmem_shared>>
        tpu.wait_indirect_dma semaphore(%arg16 : memref<!tpu.dma_semaphore, #tpu.memory_space<semaphore_mem>>) src(%dma_wait3A_470 : memref<120x128xf32, #tpu.memory_space<vmem>>) dst(%dma_wait3A_476 : memref<5120x128xf32, #tpu.memory_space<vmem_shared>>)
        %add3A_477 = arith.constant 4 : i32
        %add3A_478 = arith.addi %add3A_461, %add3A_477 : i32
        %lt3A_479 = arith.constant 168 : i32
        %lt3A_480 = arith.cmpi slt, %add3A_478, %lt3A_479 : i32
        %convert_element_type3A_481 = arith.extui %lt3A_480 : i1 to i32
        %cond3A_482 = arith.constant 0 : i32
        %cond3A_483 = arith.cmpi ne, %convert_element_type3A_481, %cond3A_482 : i32
        scf.if %cond3A_483 {
          %add3A_539 = arith.constant 4 : i32
          %add3A_540 = arith.addi %add3A_461, %add3A_539 : i32
          %dma_start3A_541 = arith.constant 1 : i32
          %dma_start3A_542 = arith.constant 0 : i32
          %dma_start3A_543 = arith.constant 0 : i32
          %dma_start3A_544 = tpu.memref_slice %arg9[%dma_start3A_541, %dma_start3A_542, %dma_start3A_543] : memref<4x120x128xf32, #tpu.memory_space<vmem>> -> memref<1x120x128xf32, #tpu.memory_space<vmem>>
          %dma_start3A_545 = tpu.memref_squeeze %dma_start3A_544 : memref<1x120x128xf32, #tpu.memory_space<vmem>> -> memref<120x128xf32, #tpu.memory_space<vmem>>
          %dma_start3A_546 = arith.constant 0 : i32
          %dma_start3A_547 = tpu.memref_slice %arg7[%add3A_540, %dma_start3A_546] : memref<168x120xi32, #tpu.memory_space<vmem>> -> memref<1x120xi32, #tpu.memory_space<vmem>>
          %dma_start3A_548 = tpu.memref_squeeze %dma_start3A_547 : memref<1x120xi32, #tpu.memory_space<vmem>> -> memref<120xi32, #tpu.memory_space<vmem>>
          %dma_start3A_549 = arith.constant 0 : i32
          %dma_start3A_550 = arith.constant 0 : i32
          %dma_start3A_551 = tpu.memref_slice %arg2[%dma_start3A_549, %dma_start3A_550] : memref<10240x128xf32, #tpu.memory_space<hbm>> -> memref<10240x128xf32, #tpu.memory_space<hbm>>
          tpu.enqueue_indirect_dma source(%dma_start3A_551 : memref<10240x128xf32, #tpu.memory_space<hbm>>) target(%dma_start3A_545 : memref<120x128xf32, #tpu.memory_space<vmem>>) offsets(%dma_start3A_548 : memref<120xi32, #tpu.memory_space<vmem>>) semaphore(%arg12 : memref<!tpu.dma_semaphore, #tpu.memory_space<semaphore_mem>>)
        } else {
        }
        %add3A_484 = arith.constant 6 : i32
        %add3A_485 = arith.addi %add3A_79, %add3A_484 : i32
        %mul3A_486 = arith.constant 8 : i32
        %mul3A_487 = arith.muli %select_n3A_112, %mul3A_486 : i32
        %add3A_488 = arith.constant 6 : i32
        %add3A_489 = arith.addi %mul3A_487, %add3A_488 : i32
        %dma_wait3A_490 = arith.constant 2 : i32
        %dma_wait3A_491 = arith.constant 0 : i32
        %dma_wait3A_492 = arith.constant 0 : i32
        %dma_wait3A_493 = tpu.memref_slice %arg9[%dma_wait3A_490, %dma_wait3A_491, %dma_wait3A_492] : memref<4x120x128xf32, #tpu.memory_space<vmem>> -> memref<1x120x128xf32, #tpu.memory_space<vmem>>
        %dma_wait3A_494 = tpu.memref_squeeze %dma_wait3A_493 : memref<1x120x128xf32, #tpu.memory_space<vmem>> -> memref<120x128xf32, #tpu.memory_space<vmem>>
        %dma_wait3A_495 = arith.constant 0 : i32
        %dma_wait3A_496 = tpu.memref_slice %arg8[%add3A_489, %dma_wait3A_495] : memref<16x120xi32, #tpu.memory_space<vmem>> -> memref<1x120xi32, #tpu.memory_space<vmem>>
        %dma_wait3A_497 = tpu.memref_squeeze %dma_wait3A_496 : memref<1x120xi32, #tpu.memory_space<vmem>> -> memref<120xi32, #tpu.memory_space<vmem>>
        %dma_wait3A_498 = arith.constant 0 : i32
        %dma_wait3A_499 = arith.constant 0 : i32
        %dma_wait3A_500 = tpu.memref_slice %arg10[%dma_wait3A_498, %dma_wait3A_499] : memref<5120x128xf32, #tpu.memory_space<vmem_shared>> -> memref<5120x128xf32, #tpu.memory_space<vmem_shared>>
        tpu.wait_indirect_dma semaphore(%arg17 : memref<!tpu.dma_semaphore, #tpu.memory_space<semaphore_mem>>) src(%dma_wait3A_494 : memref<120x128xf32, #tpu.memory_space<vmem>>) dst(%dma_wait3A_500 : memref<5120x128xf32, #tpu.memory_space<vmem_shared>>)
        %add3A_501 = arith.constant 4 : i32
        %add3A_502 = arith.addi %add3A_485, %add3A_501 : i32
        %lt3A_503 = arith.constant 168 : i32
        %lt3A_504 = arith.cmpi slt, %add3A_502, %lt3A_503 : i32
        %convert_element_type3A_505 = arith.extui %lt3A_504 : i1 to i32
        %cond3A_506 = arith.constant 0 : i32
        %cond3A_507 = arith.cmpi ne, %convert_element_type3A_505, %cond3A_506 : i32
        scf.if %cond3A_507 {
          %add3A_539 = arith.constant 4 : i32
          %add3A_540 = arith.addi %add3A_485, %add3A_539 : i32
          %dma_start3A_541 = arith.constant 2 : i32
          %dma_start3A_542 = arith.constant 0 : i32
          %dma_start3A_543 = arith.constant 0 : i32
          %dma_start3A_544 = tpu.memref_slice %arg9[%dma_start3A_541, %dma_start3A_542, %dma_start3A_543] : memref<4x120x128xf32, #tpu.memory_space<vmem>> -> memref<1x120x128xf32, #tpu.memory_space<vmem>>
          %dma_start3A_545 = tpu.memref_squeeze %dma_start3A_544 : memref<1x120x128xf32, #tpu.memory_space<vmem>> -> memref<120x128xf32, #tpu.memory_space<vmem>>
          %dma_start3A_546 = arith.constant 0 : i32
          %dma_start3A_547 = tpu.memref_slice %arg7[%add3A_540, %dma_start3A_546] : memref<168x120xi32, #tpu.memory_space<vmem>> -> memref<1x120xi32, #tpu.memory_space<vmem>>
          %dma_start3A_548 = tpu.memref_squeeze %dma_start3A_547 : memref<1x120xi32, #tpu.memory_space<vmem>> -> memref<120xi32, #tpu.memory_space<vmem>>
          %dma_start3A_549 = arith.constant 0 : i32
          %dma_start3A_550 = arith.constant 0 : i32
          %dma_start3A_551 = tpu.memref_slice %arg2[%dma_start3A_549, %dma_start3A_550] : memref<10240x128xf32, #tpu.memory_space<hbm>> -> memref<10240x128xf32, #tpu.memory_space<hbm>>
          tpu.enqueue_indirect_dma source(%dma_start3A_551 : memref<10240x128xf32, #tpu.memory_space<hbm>>) target(%dma_start3A_545 : memref<120x128xf32, #tpu.memory_space<vmem>>) offsets(%dma_start3A_548 : memref<120xi32, #tpu.memory_space<vmem>>) semaphore(%arg13 : memref<!tpu.dma_semaphore, #tpu.memory_space<semaphore_mem>>)
        } else {
        }
        %add3A_508 = arith.constant 7 : i32
        %add3A_509 = arith.addi %add3A_79, %add3A_508 : i32
        %mul3A_510 = arith.constant 8 : i32
        %mul3A_511 = arith.muli %select_n3A_112, %mul3A_510 : i32
        %add3A_512 = arith.constant 7 : i32
        %add3A_513 = arith.addi %mul3A_511, %add3A_512 : i32
        %dma_wait3A_514 = arith.constant 3 : i32
        %dma_wait3A_515 = arith.constant 0 : i32
        %dma_wait3A_516 = arith.constant 0 : i32
        %dma_wait3A_517 = tpu.memref_slice %arg9[%dma_wait3A_514, %dma_wait3A_515, %dma_wait3A_516] : memref<4x120x128xf32, #tpu.memory_space<vmem>> -> memref<1x120x128xf32, #tpu.memory_space<vmem>>
        %dma_wait3A_518 = tpu.memref_squeeze %dma_wait3A_517 : memref<1x120x128xf32, #tpu.memory_space<vmem>> -> memref<120x128xf32, #tpu.memory_space<vmem>>
        %dma_wait3A_519 = arith.constant 0 : i32
        %dma_wait3A_520 = tpu.memref_slice %arg8[%add3A_513, %dma_wait3A_519] : memref<16x120xi32, #tpu.memory_space<vmem>> -> memref<1x120xi32, #tpu.memory_space<vmem>>
        %dma_wait3A_521 = tpu.memref_squeeze %dma_wait3A_520 : memref<1x120xi32, #tpu.memory_space<vmem>> -> memref<120xi32, #tpu.memory_space<vmem>>
        %dma_wait3A_522 = arith.constant 0 : i32
        %dma_wait3A_523 = arith.constant 0 : i32
        %dma_wait3A_524 = tpu.memref_slice %arg10[%dma_wait3A_522, %dma_wait3A_523] : memref<5120x128xf32, #tpu.memory_space<vmem_shared>> -> memref<5120x128xf32, #tpu.memory_space<vmem_shared>>
        tpu.wait_indirect_dma semaphore(%arg18 : memref<!tpu.dma_semaphore, #tpu.memory_space<semaphore_mem>>) src(%dma_wait3A_518 : memref<120x128xf32, #tpu.memory_space<vmem>>) dst(%dma_wait3A_524 : memref<5120x128xf32, #tpu.memory_space<vmem_shared>>)
        %add3A_525 = arith.constant 4 : i32
        %add3A_526 = arith.addi %add3A_509, %add3A_525 : i32
        %lt3A_527 = arith.constant 168 : i32
        %lt3A_528 = arith.cmpi slt, %add3A_526, %lt3A_527 : i32
        %convert_element_type3A_529 = arith.extui %lt3A_528 : i1 to i32
        %cond3A_530 = arith.constant 0 : i32
        %cond3A_531 = arith.cmpi ne, %convert_element_type3A_529, %cond3A_530 : i32
        scf.if %cond3A_531 {
          %add3A_539 = arith.constant 4 : i32
          %add3A_540 = arith.addi %add3A_509, %add3A_539 : i32
          %dma_start3A_541 = arith.constant 3 : i32
          %dma_start3A_542 = arith.constant 0 : i32
          %dma_start3A_543 = arith.constant 0 : i32
          %dma_start3A_544 = tpu.memref_slice %arg9[%dma_start3A_541, %dma_start3A_542, %dma_start3A_543] : memref<4x120x128xf32, #tpu.memory_space<vmem>> -> memref<1x120x128xf32, #tpu.memory_space<vmem>>
          %dma_start3A_545 = tpu.memref_squeeze %dma_start3A_544 : memref<1x120x128xf32, #tpu.memory_space<vmem>> -> memref<120x128xf32, #tpu.memory_space<vmem>>
          %dma_start3A_546 = arith.constant 0 : i32
          %dma_start3A_547 = tpu.memref_slice %arg7[%add3A_540, %dma_start3A_546] : memref<168x120xi32, #tpu.memory_space<vmem>> -> memref<1x120xi32, #tpu.memory_space<vmem>>
          %dma_start3A_548 = tpu.memref_squeeze %dma_start3A_547 : memref<1x120xi32, #tpu.memory_space<vmem>> -> memref<120xi32, #tpu.memory_space<vmem>>
          %dma_start3A_549 = arith.constant 0 : i32
          %dma_start3A_550 = arith.constant 0 : i32
          %dma_start3A_551 = tpu.memref_slice %arg2[%dma_start3A_549, %dma_start3A_550] : memref<10240x128xf32, #tpu.memory_space<hbm>> -> memref<10240x128xf32, #tpu.memory_space<hbm>>
          tpu.enqueue_indirect_dma source(%dma_start3A_551 : memref<10240x128xf32, #tpu.memory_space<hbm>>) target(%dma_start3A_545 : memref<120x128xf32, #tpu.memory_space<vmem>>) offsets(%dma_start3A_548 : memref<120xi32, #tpu.memory_space<vmem>>) semaphore(%arg14 : memref<!tpu.dma_semaphore, #tpu.memory_space<semaphore_mem>>)
        } else {
        }
        %add3A_532 = arith.constant 16 : i32
        %add3A_533 = arith.addi %add3A_79, %add3A_532 : i32
        %lt3A_534 = arith.constant 168 : i32
        %lt3A_535 = arith.cmpi slt, %add3A_533, %lt3A_534 : i32
        %convert_element_type3A_536 = arith.extui %lt3A_535 : i1 to i32
        %cond3A_537 = arith.constant 0 : i32
        %cond3A_538 = arith.cmpi ne, %convert_element_type3A_536, %cond3A_537 : i32
        scf.if %cond3A_538 {
          %add3A_539 = arith.addi %mul3A_8, %add3A_79 : i32
          %add3A_540 = arith.constant 16 : i32
          %add3A_541 = arith.addi %add3A_539, %add3A_540 : i32
          %mul3A_542 = arith.constant 8 : i32
          %mul3A_543 = arith.muli %select_n3A_112, %mul3A_542 : i32
          %dma_start3A_544 = arith.constant 0 : i32
          %dma_start3A_545 = tpu.memref_slice %arg8[%mul3A_543, %dma_start3A_544] : memref<16x120xi32, #tpu.memory_space<vmem>> -> memref<8x120xi32, #tpu.memory_space<vmem>>
          %dma_start3A_546 = arith.constant 0 : i32
          %dma_start3A_547 = tpu.memref_slice %arg4[%add3A_541, %dma_start3A_546] : memref<2688x120xi32, #tpu.memory_space<hbm>> -> memref<8x120xi32, #tpu.memory_space<hbm>>
          %dma_start3A_548 = arith.constant 0 : i32
          %dma_start3A_549 = tpu.memref_slice %arg8[%mul3A_543, %dma_start3A_548] : memref<16x120xi32, #tpu.memory_space<vmem>> -> memref<8x120xi32, #tpu.memory_space<vmem>>
          %dma_start3A_550 = arith.constant 0 : i32
          %dma_start3A_551 = tpu.memref_slice %arg4[%add3A_541, %dma_start3A_550] : memref<2688x120xi32, #tpu.memory_space<hbm>> -> memref<8x120xi32, #tpu.memory_space<hbm>>
          tpu.enqueue_dma source(%dma_start3A_551 : memref<8x120xi32, #tpu.memory_space<hbm>>) target(%dma_start3A_549 : memref<8x120xi32, #tpu.memory_space<vmem>>) target_semaphore(%arg19 : memref<!tpu.dma_semaphore, #tpu.memory_space<semaphore_mem>>)
        } else {
        }
      }
      %scan3A_74 = arith.constant 21 : i32
    } else {
    }
    %barrier3A = arith.constant 0 : index
    tpu.barrier barrier_id(%barrier3A)
    %eq3A_2 = arith.constant 0 : i32
    %eq3A_3 = arith.cmpi eq, %arg0, %eq3A_2 : i32
    %lt3A = arith.constant 5 : i32
    %lt3A_4 = arith.cmpi slt, %arg1, %lt3A : i32
    %and3A = arith.andi %eq3A_3, %lt3A_4 : i1
    %convert_element_type3A_5 = arith.extui %and3A : i1 to i32
    %cond3A_6 = arith.constant 0 : i32
    %cond3A_7 = arith.cmpi ne, %convert_element_type3A_5, %cond3A_6 : i32
    scf.if %cond3A_7 {
      %mul3A = arith.constant 1000 : i32
      %mul3A_8 = arith.muli %arg1, %mul3A : i32
      %mul3A_9 = arith.constant 1000 : i32
      %mul3A_10 = arith.muli %arg1, %mul3A_9 : i32
      %run_scoped3A = arith.constant 0 : i32
      "tpu.region"() ({
        %run_scoped3A_11 = tpu.sem_alloc : memref<!tpu.dma_semaphore, #tpu.memory_space<semaphore_mem>>
        %dma_start3A = arith.constant 0 : i32
        %dma_start3A_12 = arith.constant 0 : i32
        %dma_start3A_13 = tpu.memref_slice %arg6[%run_scoped3A, %dma_start3A, %dma_start3A_12] : memref<1x5000x128xf32, #tpu.memory_space<hbm>> -> memref<1x5000x128xf32, #tpu.memory_space<hbm>>
        %dma_start3A_14 = tpu.memref_squeeze %dma_start3A_13 : memref<1x5000x128xf32, #tpu.memory_space<hbm>> -> memref<5000x128xf32, #tpu.memory_space<hbm>>
        %dma_start3A_15 = arith.constant 0 : i32
        %dma_start3A_16 = tpu.memref_slice %dma_start3A_14[%mul3A_10, %dma_start3A_15] : memref<5000x128xf32, #tpu.memory_space<hbm>> -> memref<1000x128xf32, #tpu.memory_space<hbm>>
        %dma_start3A_17 = arith.constant 0 : i32
        %dma_start3A_18 = tpu.memref_slice %arg10[%mul3A_8, %dma_start3A_17] : memref<5120x128xf32, #tpu.memory_space<vmem_shared>> -> memref<1000x128xf32, #tpu.memory_space<vmem_shared>>
        tpu.enqueue_dma source(%dma_start3A_18 : memref<1000x128xf32, #tpu.memory_space<vmem_shared>>) target(%dma_start3A_16 : memref<1000x128xf32, #tpu.memory_space<hbm>>) target_semaphore(%run_scoped3A_11 : memref<!tpu.dma_semaphore, #tpu.memory_space<semaphore_mem>>)
        %dma_wait3A = arith.constant 0 : i32
        %dma_wait3A_19 = arith.constant 0 : i32
        %dma_wait3A_20 = tpu.memref_slice %arg6[%run_scoped3A, %dma_wait3A, %dma_wait3A_19] : memref<1x5000x128xf32, #tpu.memory_space<hbm>> -> memref<1x5000x128xf32, #tpu.memory_space<hbm>>
        %dma_wait3A_21 = tpu.memref_squeeze %dma_wait3A_20 : memref<1x5000x128xf32, #tpu.memory_space<hbm>> -> memref<5000x128xf32, #tpu.memory_space<hbm>>
        %dma_wait3A_22 = arith.constant 0 : i32
        %dma_wait3A_23 = tpu.memref_slice %dma_wait3A_21[%mul3A_10, %dma_wait3A_22] : memref<5000x128xf32, #tpu.memory_space<hbm>> -> memref<1000x128xf32, #tpu.memory_space<hbm>>
        %dma_wait3A_24 = arith.constant 0 : i32
        %dma_wait3A_25 = tpu.memref_slice %arg10[%mul3A_8, %dma_wait3A_24] : memref<5120x128xf32, #tpu.memory_space<vmem_shared>> -> memref<1000x128xf32, #tpu.memory_space<vmem_shared>>
        tpu.wait_dma2 semaphore(%run_scoped3A_11 : memref<!tpu.dma_semaphore, #tpu.memory_space<semaphore_mem>>) src(%dma_wait3A_25 : memref<1000x128xf32, #tpu.memory_space<vmem_shared>>) dst(%dma_wait3A_23 : memref<1000x128xf32, #tpu.memory_space<hbm>>)
        tpu.yield
      }) : () -> ()
    } else {
    }
    return
  }
}

#map = affine_map<(d0, d1) -> (0, 0)>
#map1 = affine_map<(d0, d1) -> (0, 0, 0)>
module attributes {stable_mosaic.version = 14 : i64} {
  func.func @k(%arg0: i32, %arg1: i32, %arg2: memref<10240x128xf32, #tpu.memory_space<hbm>>, %arg3: memref<2688x120xi32, #tpu.memory_space<hbm>>, %arg4: memref<2688x120xi32, #tpu.memory_space<hbm>>, %arg5: memref<5120x128xf32, #tpu.memory_space<hbm>>, %arg6: memref<1x5000x128xf32, #tpu.memory_space<hbm>>, %arg7: memref<168x120xi32, #tpu.memory_space<vmem>>, %arg8: memref<16x120xi32, #tpu.memory_space<vmem>>, %arg9: memref<4x120x128xf32, #tpu.memory_space<vmem>>, %arg10: memref<5120x128xf32, #tpu.memory_space<vmem_shared>>, %arg11: memref<!tpu.dma_semaphore, #tpu.memory_space<semaphore_mem>>, %arg12: memref<!tpu.dma_semaphore, #tpu.memory_space<semaphore_mem>>, %arg13: memref<!tpu.dma_semaphore, #tpu.memory_space<semaphore_mem>>, %arg14: memref<!tpu.dma_semaphore, #tpu.memory_space<semaphore_mem>>, %arg15: memref<!tpu.dma_semaphore, #tpu.memory_space<semaphore_mem>>, %arg16: memref<!tpu.dma_semaphore, #tpu.memory_space<semaphore_mem>>, %arg17: memref<!tpu.dma_semaphore, #tpu.memory_space<semaphore_mem>>, %arg18: memref<!tpu.dma_semaphore, #tpu.memory_space<semaphore_mem>>, %arg19: memref<!tpu.dma_semaphore, #tpu.memory_space<semaphore_mem>>) attributes {dimension_semantics = [#tpu.dimension_semantics<core_parallel>, #tpu.dimension_semantics<subcore_parallel>], iteration_bounds = array<i64: 2, 16>, scalar_prefetch = 0 : i64, scratch_operands = 13 : i64, tpu.core_type = #tpu.core_type<sc_vector_subcore>, window_params = [{transform_indices = #map}, {transform_indices = #map}, {transform_indices = #map}, {transform_indices = #map}, {transform_indices = #map1}]} {
    %eq3A = arith.constant 0 : i32
    %eq3A_0 = arith.cmpi eq, %arg0, %eq3A : i32
    %convert_element_type3A = arith.extui %eq3A_0 : i1 to i32
    %cond3A = arith.constant 0 : i32
    %cond3A_1 = arith.cmpi ne, %convert_element_type3A, %cond3A : i32
    scf.if %cond3A_1 {
      %mul3A = arith.constant 168 : i32
      %mul3A_8 = arith.muli %arg1, %mul3A : i32
      %mul3A_9 = arith.constant 320 : i32
      %mul3A_10 = arith.muli %arg1, %mul3A_9 : i32
      %mul3A_11 = arith.constant 320 : i32
      %mul3A_12 = arith.muli %arg1, %mul3A_11 : i32
      "tpu.region"() ({
        %run_scoped3A = tpu.sem_alloc : memref<!tpu.dma_semaphore, #tpu.memory_space<semaphore_mem>>
        %dma_start3A_75 = arith.constant 0 : i32
        %dma_start3A_76 = tpu.memref_slice %arg10[%mul3A_12, %dma_start3A_75] : memref<5120x128xf32, #tpu.memory_space<vmem_shared>> -> memref<320x128xf32, #tpu.memory_space<vmem_shared>>
        %dma_start3A_77 = arith.constant 0 : i32
        %dma_start3A_78 = tpu.memref_slice %arg5[%mul3A_10, %dma_start3A_77] : memref<5120x128xf32, #tpu.memory_space<hbm>> -> memref<320x128xf32, #tpu.memory_space<hbm>>
        tpu.enqueue_dma source(%dma_start3A_78 : memref<320x128xf32, #tpu.memory_space<hbm>>) target(%dma_start3A_76 : memref<320x128xf32, #tpu.memory_space<vmem_shared>>) target_semaphore(%run_scoped3A : memref<!tpu.dma_semaphore, #tpu.memory_space<semaphore_mem>>)
        %dma_wait3A = arith.constant 0 : i32
        %dma_wait3A_79 = tpu.memref_slice %arg10[%mul3A_12, %dma_wait3A] : memref<5120x128xf32, #tpu.memory_space<vmem_shared>> -> memref<320x128xf32, #tpu.memory_space<vmem_shared>>
        %dma_wait3A_80 = arith.constant 0 : i32
        %dma_wait3A_81 = tpu.memref_slice %arg5[%mul3A_10, %dma_wait3A_80] : memref<5120x128xf32, #tpu.memory_space<hbm>> -> memref<320x128xf32, #tpu.memory_space<hbm>>
        tpu.wait_dma2 semaphore(%run_scoped3A : memref<!tpu.dma_semaphore, #tpu.memory_space<semaphore_mem>>) src(%dma_wait3A_81 : memref<320x128xf32, #tpu.memory_space<hbm>>) dst(%dma_wait3A_79 : memref<320x128xf32, #tpu.memory_space<vmem_shared>>)
        tpu.yield
      }) : () -> ()
      "tpu.region"() ({
        %run_scoped3A = tpu.sem_alloc : memref<!tpu.dma_semaphore, #tpu.memory_space<semaphore_mem>>
        %dma_start3A_75 = arith.constant 0 : i32
        %dma_start3A_76 = tpu.memref_slice %arg3[%mul3A_8, %dma_start3A_75] : memref<2688x120xi32, #tpu.memory_space<hbm>> -> memref<168x120xi32, #tpu.memory_space<hbm>>
        %dma_start3A_77 = arith.constant 0 : i32
        %dma_start3A_78 = tpu.memref_slice %arg3[%mul3A_8, %dma_start3A_77] : memref<2688x120xi32, #tpu.memory_space<hbm>> -> memref<168x120xi32, #tpu.memory_space<hbm>>
        tpu.enqueue_dma source(%dma_start3A_78 : memref<168x120xi32, #tpu.memory_space<hbm>>) target(%arg7 : memref<168x120xi32, #tpu.memory_space<vmem>>) target_semaphore(%run_scoped3A : memref<!tpu.dma_semaphore, #tpu.memory_space<semaphore_mem>>)
        %dma_wait3A = arith.constant 0 : i32
        %dma_wait3A_79 = tpu.memref_slice %arg3[%mul3A_8, %dma_wait3A] : memref<2688x120xi32, #tpu.memory_space<hbm>> -> memref<168x120xi32, #tpu.memory_space<hbm>>
        %dma_wait3A_80 = arith.constant 0 : i32
        %dma_wait3A_81 = tpu.memref_slice %arg3[%mul3A_8, %dma_wait3A_80] : memref<2688x120xi32, #tpu.memory_space<hbm>> -> memref<168x120xi32, #tpu.memory_space<hbm>>
        tpu.wait_dma2 semaphore(%run_scoped3A : memref<!tpu.dma_semaphore, #tpu.memory_space<semaphore_mem>>) src(%dma_wait3A_81 : memref<168x120xi32, #tpu.memory_space<hbm>>) dst(%arg7 : memref<168x120xi32, #tpu.memory_space<vmem>>)
        tpu.yield
      }) : () -> ()
      "tpu.region"() ({
        %run_scoped3A = tpu.sem_alloc : memref<!tpu.dma_semaphore, #tpu.memory_space<semaphore_mem>>
        %dma_start3A_75 = arith.constant 0 : i32
        %dma_start3A_76 = arith.constant 0 : i32
        %dma_start3A_77 = tpu.memref_slice %arg8[%dma_start3A_75, %dma_start3A_76] : memref<16x120xi32, #tpu.memory_space<vmem>> -> memref<8x120xi32, #tpu.memory_space<vmem>>
        %dma_start3A_78 = arith.constant 0 : i32
        %dma_start3A_79 = tpu.memref_slice %arg4[%mul3A_8, %dma_start3A_78] : memref<2688x120xi32, #tpu.memory_space<hbm>> -> memref<8x120xi32, #tpu.memory_space<hbm>>
        %dma_start3A_80 = arith.constant 0 : i32
        %dma_start3A_81 = arith.constant 0 : i32
        %dma_start3A_82 = tpu.memref_slice %arg8[%dma_start3A_80, %dma_start3A_81] : memref<16x120xi32, #tpu.memory_space<vmem>> -> memref<8x120xi32, #tpu.memory_space<vmem>>
        %dma_start3A_83 = arith.constant 0 : i32
        %dma_start3A_84 = tpu.memref_slice %arg4[%mul3A_8, %dma_start3A_83] : memref<2688x120xi32, #tpu.memory_space<hbm>> -> memref<8x120xi32, #tpu.memory_space<hbm>>
        tpu.enqueue_dma source(%dma_start3A_84 : memref<8x120xi32, #tpu.memory_space<hbm>>) target(%dma_start3A_82 : memref<8x120xi32, #tpu.memory_space<vmem>>) target_semaphore(%run_scoped3A : memref<!tpu.dma_semaphore, #tpu.memory_space<semaphore_mem>>)
        %dma_wait3A = arith.constant 0 : i32
        %dma_wait3A_85 = arith.constant 0 : i32
        %dma_wait3A_86 = tpu.memref_slice %arg8[%dma_wait3A, %dma_wait3A_85] : memref<16x120xi32, #tpu.memory_space<vmem>> -> memref<8x120xi32, #tpu.memory_space<vmem>>
        %dma_wait3A_87 = arith.constant 0 : i32
        %dma_wait3A_88 = tpu.memref_slice %arg4[%mul3A_8, %dma_wait3A_87] : memref<2688x120xi32, #tpu.memory_space<hbm>> -> memref<8x120xi32, #tpu.memory_space<hbm>>
        %dma_wait3A_89 = arith.constant 0 : i32
        %dma_wait3A_90 = arith.constant 0 : i32
        %dma_wait3A_91 = tpu.memref_slice %arg8[%dma_wait3A_89, %dma_wait3A_90] : memref<16x120xi32, #tpu.memory_space<vmem>> -> memref<8x120xi32, #tpu.memory_space<vmem>>
        %dma_wait3A_92 = arith.constant 0 : i32
        %dma_wait3A_93 = tpu.memref_slice %arg4[%mul3A_8, %dma_wait3A_92] : memref<2688x120xi32, #tpu.memory_space<hbm>> -> memref<8x120xi32, #tpu.memory_space<hbm>>
        tpu.wait_dma2 semaphore(%run_scoped3A : memref<!tpu.dma_semaphore, #tpu.memory_space<semaphore_mem>>) src(%dma_wait3A_93 : memref<8x120xi32, #tpu.memory_space<hbm>>) dst(%dma_wait3A_91 : memref<8x120xi32, #tpu.memory_space<vmem>>)
        tpu.yield
      }) : () -> ()
      %add3A = arith.constant 8 : i32
      %add3A_13 = arith.addi %mul3A_8, %add3A : i32
      %dma_start3A = arith.constant 8 : i32
      %dma_start3A_14 = arith.constant 0 : i32
      %dma_start3A_15 = tpu.memref_slice %arg8[%dma_start3A, %dma_start3A_14] : memref<16x120xi32, #tpu.memory_space<vmem>> -> memref<8x120xi32, #tpu.memory_space<vmem>>
      %dma_start3A_16 = arith.constant 0 : i32
      %dma_start3A_17 = tpu.memref_slice %arg4[%add3A_13, %dma_start3A_16] : memref<2688x120xi32, #tpu.memory_space<hbm>> -> memref<8x120xi32, #tpu.memory_space<hbm>>
      %dma_start3A_18 = arith.constant 8 : i32
      %dma_start3A_19 = arith.constant 0 : i32
      %dma_start3A_20 = tpu.memref_slice %arg8[%dma_start3A_18, %dma_start3A_19] : memref<16x120xi32, #tpu.memory_space<vmem>> -> memref<8x120xi32, #tpu.memory_space<vmem>>
      %dma_start3A_21 = arith.constant 0 : i32
      %dma_start3A_22 = tpu.memref_slice %arg4[%add3A_13, %dma_start3A_21] : memref<2688x120xi32, #tpu.memory_space<hbm>> -> memref<8x120xi32, #tpu.memory_space<hbm>>
      tpu.enqueue_dma source(%dma_start3A_22 : memref<8x120xi32, #tpu.memory_space<hbm>>) target(%dma_start3A_20 : memref<8x120xi32, #tpu.memory_space<vmem>>) target_semaphore(%arg19 : memref<!tpu.dma_semaphore, #tpu.memory_space<semaphore_mem>>)
      %dma_start3A_23 = arith.constant 0 : i32
      %dma_start3A_24 = arith.constant 0 : i32
      %dma_start3A_25 = arith.constant 0 : i32
      %dma_start3A_26 = arith.constant 0 : i32
      %dma_start3A_27 = tpu.memref_slice %arg9[%dma_start3A_24, %dma_start3A_25, %dma_start3A_26] : memref<4x120x128xf32, #tpu.memory_space<vmem>> -> memref<1x120x128xf32, #tpu.memory_space<vmem>>
      %dma_start3A_28 = tpu.memref_squeeze %dma_start3A_27 : memref<1x120x128xf32, #tpu.memory_space<vmem>> -> memref<120x128xf32, #tpu.memory_space<vmem>>
      %dma_start3A_29 = arith.constant 0 : i32
      %dma_start3A_30 = tpu.memref_slice %arg7[%dma_start3A_23, %dma_start3A_29] : memref<168x120xi32, #tpu.memory_space<vmem>> -> memref<1x120xi32, #tpu.memory_space<vmem>>
      %dma_start3A_31 = tpu.memref_squeeze %dma_start3A_30 : memref<1x120xi32, #tpu.memory_space<vmem>> -> memref<120xi32, #tpu.memory_space<vmem>>
      %dma_start3A_32 = arith.constant 0 : i32
      %dma_start3A_33 = arith.constant 0 : i32
      %dma_start3A_34 = tpu.memref_slice %arg2[%dma_start3A_32, %dma_start3A_33] : memref<10240x128xf32, #tpu.memory_space<hbm>> -> memref<10240x128xf32, #tpu.memory_space<hbm>>
      tpu.enqueue_indirect_dma source(%dma_start3A_34 : memref<10240x128xf32, #tpu.memory_space<hbm>>) target(%dma_start3A_28 : memref<120x128xf32, #tpu.memory_space<vmem>>) offsets(%dma_start3A_31 : memref<120xi32, #tpu.memory_space<vmem>>) semaphore(%arg11 : memref<!tpu.dma_semaphore, #tpu.memory_space<semaphore_mem>>)
      %dma_start3A_35 = arith.constant 1 : i32
      %dma_start3A_36 = arith.constant 1 : i32
      %dma_start3A_37 = arith.constant 0 : i32
      %dma_start3A_38 = arith.constant 0 : i32
      %dma_start3A_39 = tpu.memref_slice %arg9[%dma_start3A_36, %dma_start3A_37, %dma_start3A_38] : memref<4x120x128xf32, #tpu.memory_space<vmem>> -> memref<1x120x128xf32, #tpu.memory_space<vmem>>
      %dma_start3A_40 = tpu.memref_squeeze %dma_start3A_39 : memref<1x120x128xf32, #tpu.memory_space<vmem>> -> memref<120x128xf32, #tpu.memory_space<vmem>>
      %dma_start3A_41 = arith.constant 0 : i32
      %dma_start3A_42 = tpu.memref_slice %arg7[%dma_start3A_35, %dma_start3A_41] : memref<168x120xi32, #tpu.memory_space<vmem>> -> memref<1x120xi32, #tpu.memory_space<vmem>>
      %dma_start3A_43 = tpu.memref_squeeze %dma_start3A_42 : memref<1x120xi32, #tpu.memory_space<vmem>> -> memref<120xi32, #tpu.memory_space<vmem>>
      %dma_start3A_44 = arith.constant 0 : i32
      %dma_start3A_45 = arith.constant 0 : i32
      %dma_start3A_46 = tpu.memref_slice %arg2[%dma_start3A_44, %dma_start3A_45] : memref<10240x128xf32, #tpu.memory_space<hbm>> -> memref<10240x128xf32, #tpu.memory_space<hbm>>
      tpu.enqueue_indirect_dma source(%dma_start3A_46 : memref<10240x128xf32, #tpu.memory_space<hbm>>) target(%dma_start3A_40 : memref<120x128xf32, #tpu.memory_space<vmem>>) offsets(%dma_start3A_43 : memref<120xi32, #tpu.memory_space<vmem>>) semaphore(%arg12 : memref<!tpu.dma_semaphore, #tpu.memory_space<semaphore_mem>>)
      %dma_start3A_47 = arith.constant 2 : i32
      %dma_start3A_48 = arith.constant 2 : i32
      %dma_start3A_49 = arith.constant 0 : i32
      %dma_start3A_50 = arith.constant 0 : i32
      %dma_start3A_51 = tpu.memref_slice %arg9[%dma_start3A_48, %dma_start3A_49, %dma_start3A_50] : memref<4x120x128xf32, #tpu.memory_space<vmem>> -> memref<1x120x128xf32, #tpu.memory_space<vmem>>
      %dma_start3A_52 = tpu.memref_squeeze %dma_start3A_51 : memref<1x120x128xf32, #tpu.memory_space<vmem>> -> memref<120x128xf32, #tpu.memory_space<vmem>>
      %dma_start3A_53 = arith.constant 0 : i32
      %dma_start3A_54 = tpu.memref_slice %arg7[%dma_start3A_47, %dma_start3A_53] : memref<168x120xi32, #tpu.memory_space<vmem>> -> memref<1x120xi32, #tpu.memory_space<vmem>>
      %dma_start3A_55 = tpu.memref_squeeze %dma_start3A_54 : memref<1x120xi32, #tpu.memory_space<vmem>> -> memref<120xi32, #tpu.memory_space<vmem>>
      %dma_start3A_56 = arith.constant 0 : i32
      %dma_start3A_57 = arith.constant 0 : i32
      %dma_start3A_58 = tpu.memref_slice %arg2[%dma_start3A_56, %dma_start3A_57] : memref<10240x128xf32, #tpu.memory_space<hbm>> -> memref<10240x128xf32, #tpu.memory_space<hbm>>
      tpu.enqueue_indirect_dma source(%dma_start3A_58 : memref<10240x128xf32, #tpu.memory_space<hbm>>) target(%dma_start3A_52 : memref<120x128xf32, #tpu.memory_space<vmem>>) offsets(%dma_start3A_55 : memref<120xi32, #tpu.memory_space<vmem>>) semaphore(%arg13 : memref<!tpu.dma_semaphore, #tpu.memory_space<semaphore_mem>>)
      %dma_start3A_59 = arith.constant 3 : i32
      %dma_start3A_60 = arith.constant 3 : i32
      %dma_start3A_61 = arith.constant 0 : i32
      %dma_start3A_62 = arith.constant 0 : i32
      %dma_start3A_63 = tpu.memref_slice %arg9[%dma_start3A_60, %dma_start3A_61, %dma_start3A_62] : memref<4x120x128xf32, #tpu.memory_space<vmem>> -> memref<1x120x128xf32, #tpu.memory_space<vmem>>
      %dma_start3A_64 = tpu.memref_squeeze %dma_start3A_63 : memref<1x120x128xf32, #tpu.memory_space<vmem>> -> memref<120x128xf32, #tpu.memory_space<vmem>>
      %dma_start3A_65 = arith.constant 0 : i32
      %dma_start3A_66 = tpu.memref_slice %arg7[%dma_start3A_59, %dma_start3A_65] : memref<168x120xi32, #tpu.memory_space<vmem>> -> memref<1x120xi32, #tpu.memory_space<vmem>>
      %dma_start3A_67 = tpu.memref_squeeze %dma_start3A_66 : memref<1x120xi32, #tpu.memory_space<vmem>> -> memref<120xi32, #tpu.memory_space<vmem>>
      %dma_start3A_68 = arith.constant 0 : i32
      %dma_start3A_69 = arith.constant 0 : i32
      %dma_start3A_70 = tpu.memref_slice %arg2[%dma_start3A_68, %dma_start3A_69] : memref<10240x128xf32, #tpu.memory_space<hbm>> -> memref<10240x128xf32, #tpu.memory_space<hbm>>
      tpu.enqueue_indirect_dma source(%dma_start3A_70 : memref<10240x128xf32, #tpu.memory_space<hbm>>) target(%dma_start3A_64 : memref<120x128xf32, #tpu.memory_space<vmem>>) offsets(%dma_start3A_67 : memref<120xi32, #tpu.memory_space<vmem>>) semaphore(%arg14 : memref<!tpu.dma_semaphore, #tpu.memory_space<semaphore_mem>>)
      %scan3A = arith.constant 0 : i32
      %scan3A_71 = arith.constant 21 : i32
      %scan3A_72 = arith.addi %scan3A, %scan3A_71 : i32
      %scan3A_73 = arith.constant 1 : i32
      scf.for %scan3A_75 = %scan3A to %scan3A_72 step %scan3A_73  : i32 {
        %mul3A_76 = arith.constant 8 : i32
        %mul3A_77 = arith.muli %scan3A_75, %mul3A_76 : i32
        %add3A_78 = arith.constant 0 : i32
        %add3A_79 = arith.addi %add3A_78, %mul3A_77 : i32
        %jit3A = arith.constant 8 : i32
        %div3A = arith.divsi %add3A_79, %jit3A : i32
        %sign3A = arith.constant 0 : i32
        %sign3A_80 = arith.cmpi sgt, %add3A_79, %sign3A : i32
        %sign3A_81 = arith.extui %sign3A_80 : i1 to i32
        %sign3A_82 = arith.constant 0 : i32
        %sign3A_83 = arith.cmpi slt, %add3A_79, %sign3A_82 : i32
        %sign3A_84 = arith.extui %sign3A_83 : i1 to i32
        %sign3A_85 = arith.subi %sign3A_81, %sign3A_84 : i32
        %sign3A_86 = arith.constant 0 : i32
        %sign3A_87 = arith.cmpi sgt, %jit3A, %sign3A_86 : i32
        %sign3A_88 = arith.extui %sign3A_87 : i1 to i32
        %sign3A_89 = arith.constant 0 : i32
        %sign3A_90 = arith.cmpi slt, %jit3A, %sign3A_89 : i32
        %sign3A_91 = arith.extui %sign3A_90 : i1 to i32
        %sign3A_92 = arith.subi %sign3A_88, %sign3A_91 : i32
        %ne3A = arith.cmpi ne, %sign3A_85, %sign3A_92 : i32
        %rem3A = arith.remsi %add3A_79, %jit3A : i32
        %ne3A_93 = arith.constant 0 : i32
        %ne3A_94 = arith.cmpi ne, %rem3A, %ne3A_93 : i32
        %and3A_95 = arith.andi %ne3A, %ne3A_94 : i1
        %sub3A = arith.constant 1 : i32
        %sub3A_96 = arith.subi %div3A, %sub3A : i32
        %select_n3A = arith.select %and3A_95, %sub3A_96, %div3A : i32
        %jit3A_97 = arith.constant 2 : i32
        %eq3A_98 = arith.constant 0 : i32
        %eq3A_99 = arith.cmpi eq, %jit3A_97, %eq3A_98 : i32
        %jit3A_100 = arith.constant 1 : i32
        %select_n3A_101 = arith.select %eq3A_99, %jit3A_100, %jit3A_97 : i32
        %rem3A_102 = arith.remsi %select_n3A, %select_n3A_101 : i32
        %ne3A_103 = arith.constant 0 : i32
        %ne3A_104 = arith.cmpi ne, %rem3A_102, %ne3A_103 : i32
        %lt3A_105 = arith.constant 0 : i32
        %lt3A_106 = arith.cmpi slt, %rem3A_102, %lt3A_105 : i32
        %lt3A_107 = arith.constant 0 : i32
        %lt3A_108 = arith.cmpi slt, %select_n3A_101, %lt3A_107 : i32
        %ne3A_109 = arith.xori %lt3A_106, %lt3A_108 : i1
        %and3A_110 = arith.andi %ne3A_109, %ne3A_104 : i1
        %add3A_111 = arith.addi %rem3A_102, %select_n3A_101 : i32
        %select_n3A_112 = arith.select %and3A_110, %add3A_111, %rem3A_102 : i32
        %ge3A = arith.constant 8 : i32
        %ge3A_113 = arith.cmpi sge, %add3A_79, %ge3A : i32
        %convert_element_type3A_114 = arith.extui %ge3A_113 : i1 to i32
        %cond3A_115 = arith.constant 0 : i32
        %cond3A_116 = arith.cmpi ne, %convert_element_type3A_114, %cond3A_115 : i32
        scf.if %cond3A_116 {
          %dma_wait3A_539 = arith.constant 0 : i32
          %dma_wait3A_540 = arith.constant 0 : i32
          %dma_wait3A_541 = tpu.memref_slice %arg8[%dma_wait3A_539, %dma_wait3A_540] : memref<16x120xi32, #tpu.memory_space<vmem>> -> memref<8x120xi32, #tpu.memory_space<vmem>>
          %dma_wait3A_542 = arith.constant 0 : i32
          %dma_wait3A_543 = tpu.memref_slice %arg4[%mul3A_8, %dma_wait3A_542] : memref<2688x120xi32, #tpu.memory_space<hbm>> -> memref<8x120xi32, #tpu.memory_space<hbm>>
          %dma_wait3A_544 = arith.constant 0 : i32
          %dma_wait3A_545 = arith.constant 0 : i32
          %dma_wait3A_546 = tpu.memref_slice %arg8[%dma_wait3A_544, %dma_wait3A_545] : memref<16x120xi32, #tpu.memory_space<vmem>> -> memref<8x120xi32, #tpu.memory_space<vmem>>
          %dma_wait3A_547 = arith.constant 0 : i32
          %dma_wait3A_548 = tpu.memref_slice %arg4[%mul3A_8, %dma_wait3A_547] : memref<2688x120xi32, #tpu.memory_space<hbm>> -> memref<8x120xi32, #tpu.memory_space<hbm>>
          tpu.wait_dma2 semaphore(%arg19 : memref<!tpu.dma_semaphore, #tpu.memory_space<semaphore_mem>>) src(%dma_wait3A_548 : memref<8x120xi32, #tpu.memory_space<hbm>>) dst(%dma_wait3A_546 : memref<8x120xi32, #tpu.memory_space<vmem>>)
        } else {
        }
        %add3A_117 = arith.constant 0 : i32
        %add3A_118 = arith.addi %add3A_79, %add3A_117 : i32
        %dma_wait3A = arith.constant 0 : i32
        %dma_wait3A_119 = arith.constant 0 : i32
        %dma_wait3A_120 = arith.constant 0 : i32
        %dma_wait3A_121 = tpu.memref_slice %arg9[%dma_wait3A, %dma_wait3A_119, %dma_wait3A_120] : memref<4x120x128xf32, #tpu.memory_space<vmem>> -> memref<1x120x128xf32, #tpu.memory_space<vmem>>
        %dma_wait3A_122 = tpu.memref_squeeze %dma_wait3A_121 : memref<1x120x128xf32, #tpu.memory_space<vmem>> -> memref<120x128xf32, #tpu.memory_space<vmem>>
        %dma_wait3A_123 = arith.constant 0 : i32
        %dma_wait3A_124 = tpu.memref_slice %arg7[%add3A_118, %dma_wait3A_123] : memref<168x120xi32, #tpu.memory_space<vmem>> -> memref<1x120xi32, #tpu.memory_space<vmem>>
        %dma_wait3A_125 = tpu.memref_squeeze %dma_wait3A_124 : memref<1x120xi32, #tpu.memory_space<vmem>> -> memref<120xi32, #tpu.memory_space<vmem>>
        %dma_wait3A_126 = arith.constant 0 : i32
        %dma_wait3A_127 = arith.constant 0 : i32
        %dma_wait3A_128 = tpu.memref_slice %arg2[%dma_wait3A_126, %dma_wait3A_127] : memref<10240x128xf32, #tpu.memory_space<hbm>> -> memref<10240x128xf32, #tpu.memory_space<hbm>>
        tpu.wait_indirect_dma semaphore(%arg11 : memref<!tpu.dma_semaphore, #tpu.memory_space<semaphore_mem>>) src(%dma_wait3A_128 : memref<10240x128xf32, #tpu.memory_space<hbm>>) dst(%dma_wait3A_122 : memref<120x128xf32, #tpu.memory_space<vmem>>)
        %mul3A_129 = arith.constant 8 : i32
        %mul3A_130 = arith.muli %select_n3A_112, %mul3A_129 : i32
        %add3A_131 = arith.constant 0 : i32
        %add3A_132 = arith.addi %mul3A_130, %add3A_131 : i32
        %dma_start3A_133 = arith.constant 0 : i32
        %dma_start3A_134 = arith.constant 0 : i32
        %dma_start3A_135 = arith.constant 0 : i32
        %dma_start3A_136 = tpu.memref_slice %arg9[%dma_start3A_133, %dma_start3A_134, %dma_start3A_135] : memref<4x120x128xf32, #tpu.memory_space<vmem>> -> memref<1x120x128xf32, #tpu.memory_space<vmem>>
        %dma_start3A_137 = tpu.memref_squeeze %dma_start3A_136 : memref<1x120x128xf32, #tpu.memory_space<vmem>> -> memref<120x128xf32, #tpu.memory_space<vmem>>
        %dma_start3A_138 = arith.constant 0 : i32
        %dma_start3A_139 = tpu.memref_slice %arg8[%add3A_132, %dma_start3A_138] : memref<16x120xi32, #tpu.memory_space<vmem>> -> memref<1x120xi32, #tpu.memory_space<vmem>>
        %dma_start3A_140 = tpu.memref_squeeze %dma_start3A_139 : memref<1x120xi32, #tpu.memory_space<vmem>> -> memref<120xi32, #tpu.memory_space<vmem>>
        %dma_start3A_141 = arith.constant 0 : i32
        %dma_start3A_142 = arith.constant 0 : i32
        %dma_start3A_143 = tpu.memref_slice %arg10[%dma_start3A_141, %dma_start3A_142] : memref<5120x128xf32, #tpu.memory_space<vmem_shared>> -> memref<5120x128xf32, #tpu.memory_space<vmem_shared>>
        tpu.enqueue_indirect_dma source(%dma_start3A_137 : memref<120x128xf32, #tpu.memory_space<vmem>>) target(%dma_start3A_143 : memref<5120x128xf32, #tpu.memory_space<vmem_shared>>) offsets(%dma_start3A_140 : memref<120xi32, #tpu.memory_space<vmem>>) semaphore(%arg15 : memref<!tpu.dma_semaphore, #tpu.memory_space<semaphore_mem>>) {add = true}
        %add3A_144 = arith.constant 1 : i32
        %add3A_145 = arith.addi %add3A_79, %add3A_144 : i32
        %dma_wait3A_146 = arith.constant 1 : i32
        %dma_wait3A_147 = arith.constant 0 : i32
        %dma_wait3A_148 = arith.constant 0 : i32
        %dma_wait3A_149 = tpu.memref_slice %arg9[%dma_wait3A_146, %dma_wait3A_147, %dma_wait3A_148] : memref<4x120x128xf32, #tpu.memory_space<vmem>> -> memref<1x120x128xf32, #tpu.memory_space<vmem>>
        %dma_wait3A_150 = tpu.memref_squeeze %dma_wait3A_149 : memref<1x120x128xf32, #tpu.memory_space<vmem>> -> memref<120x128xf32, #tpu.memory_space<vmem>>
        %dma_wait3A_151 = arith.constant 0 : i32
        %dma_wait3A_152 = tpu.memref_slice %arg7[%add3A_145, %dma_wait3A_151] : memref<168x120xi32, #tpu.memory_space<vmem>> -> memref<1x120xi32, #tpu.memory_space<vmem>>
        %dma_wait3A_153 = tpu.memref_squeeze %dma_wait3A_152 : memref<1x120xi32, #tpu.memory_space<vmem>> -> memref<120xi32, #tpu.memory_space<vmem>>
        %dma_wait3A_154 = arith.constant 0 : i32
        %dma_wait3A_155 = arith.constant 0 : i32
        %dma_wait3A_156 = tpu.memref_slice %arg2[%dma_wait3A_154, %dma_wait3A_155] : memref<10240x128xf32, #tpu.memory_space<hbm>> -> memref<10240x128xf32, #tpu.memory_space<hbm>>
        tpu.wait_indirect_dma semaphore(%arg12 : memref<!tpu.dma_semaphore, #tpu.memory_space<semaphore_mem>>) src(%dma_wait3A_156 : memref<10240x128xf32, #tpu.memory_space<hbm>>) dst(%dma_wait3A_150 : memref<120x128xf32, #tpu.memory_space<vmem>>)
        %mul3A_157 = arith.constant 8 : i32
        %mul3A_158 = arith.muli %select_n3A_112, %mul3A_157 : i32
        %add3A_159 = arith.constant 1 : i32
        %add3A_160 = arith.addi %mul3A_158, %add3A_159 : i32
        %dma_start3A_161 = arith.constant 1 : i32
        %dma_start3A_162 = arith.constant 0 : i32
        %dma_start3A_163 = arith.constant 0 : i32
        %dma_start3A_164 = tpu.memref_slice %arg9[%dma_start3A_161, %dma_start3A_162, %dma_start3A_163] : memref<4x120x128xf32, #tpu.memory_space<vmem>> -> memref<1x120x128xf32, #tpu.memory_space<vmem>>
        %dma_start3A_165 = tpu.memref_squeeze %dma_start3A_164 : memref<1x120x128xf32, #tpu.memory_space<vmem>> -> memref<120x128xf32, #tpu.memory_space<vmem>>
        %dma_start3A_166 = arith.constant 0 : i32
        %dma_start3A_167 = tpu.memref_slice %arg8[%add3A_160, %dma_start3A_166] : memref<16x120xi32, #tpu.memory_space<vmem>> -> memref<1x120xi32, #tpu.memory_space<vmem>>
        %dma_start3A_168 = tpu.memref_squeeze %dma_start3A_167 : memref<1x120xi32, #tpu.memory_space<vmem>> -> memref<120xi32, #tpu.memory_space<vmem>>
        %dma_start3A_169 = arith.constant 0 : i32
        %dma_start3A_170 = arith.constant 0 : i32
        %dma_start3A_171 = tpu.memref_slice %arg10[%dma_start3A_169, %dma_start3A_170] : memref<5120x128xf32, #tpu.memory_space<vmem_shared>> -> memref<5120x128xf32, #tpu.memory_space<vmem_shared>>
        tpu.enqueue_indirect_dma source(%dma_start3A_165 : memref<120x128xf32, #tpu.memory_space<vmem>>) target(%dma_start3A_171 : memref<5120x128xf32, #tpu.memory_space<vmem_shared>>) offsets(%dma_start3A_168 : memref<120xi32, #tpu.memory_space<vmem>>) semaphore(%arg16 : memref<!tpu.dma_semaphore, #tpu.memory_space<semaphore_mem>>) {add = true}
        %add3A_172 = arith.constant 2 : i32
        %add3A_173 = arith.addi %add3A_79, %add3A_172 : i32
        %dma_wait3A_174 = arith.constant 2 : i32
        %dma_wait3A_175 = arith.constant 0 : i32
        %dma_wait3A_176 = arith.constant 0 : i32
        %dma_wait3A_177 = tpu.memref_slice %arg9[%dma_wait3A_174, %dma_wait3A_175, %dma_wait3A_176] : memref<4x120x128xf32, #tpu.memory_space<vmem>> -> memref<1x120x128xf32, #tpu.memory_space<vmem>>
        %dma_wait3A_178 = tpu.memref_squeeze %dma_wait3A_177 : memref<1x120x128xf32, #tpu.memory_space<vmem>> -> memref<120x128xf32, #tpu.memory_space<vmem>>
        %dma_wait3A_179 = arith.constant 0 : i32
        %dma_wait3A_180 = tpu.memref_slice %arg7[%add3A_173, %dma_wait3A_179] : memref<168x120xi32, #tpu.memory_space<vmem>> -> memref<1x120xi32, #tpu.memory_space<vmem>>
        %dma_wait3A_181 = tpu.memref_squeeze %dma_wait3A_180 : memref<1x120xi32, #tpu.memory_space<vmem>> -> memref<120xi32, #tpu.memory_space<vmem>>
        %dma_wait3A_182 = arith.constant 0 : i32
        %dma_wait3A_183 = arith.constant 0 : i32
        %dma_wait3A_184 = tpu.memref_slice %arg2[%dma_wait3A_182, %dma_wait3A_183] : memref<10240x128xf32, #tpu.memory_space<hbm>> -> memref<10240x128xf32, #tpu.memory_space<hbm>>
        tpu.wait_indirect_dma semaphore(%arg13 : memref<!tpu.dma_semaphore, #tpu.memory_space<semaphore_mem>>) src(%dma_wait3A_184 : memref<10240x128xf32, #tpu.memory_space<hbm>>) dst(%dma_wait3A_178 : memref<120x128xf32, #tpu.memory_space<vmem>>)
        %mul3A_185 = arith.constant 8 : i32
        %mul3A_186 = arith.muli %select_n3A_112, %mul3A_185 : i32
        %add3A_187 = arith.constant 2 : i32
        %add3A_188 = arith.addi %mul3A_186, %add3A_187 : i32
        %dma_start3A_189 = arith.constant 2 : i32
        %dma_start3A_190 = arith.constant 0 : i32
        %dma_start3A_191 = arith.constant 0 : i32
        %dma_start3A_192 = tpu.memref_slice %arg9[%dma_start3A_189, %dma_start3A_190, %dma_start3A_191] : memref<4x120x128xf32, #tpu.memory_space<vmem>> -> memref<1x120x128xf32, #tpu.memory_space<vmem>>
        %dma_start3A_193 = tpu.memref_squeeze %dma_start3A_192 : memref<1x120x128xf32, #tpu.memory_space<vmem>> -> memref<120x128xf32, #tpu.memory_space<vmem>>
        %dma_start3A_194 = arith.constant 0 : i32
        %dma_start3A_195 = tpu.memref_slice %arg8[%add3A_188, %dma_start3A_194] : memref<16x120xi32, #tpu.memory_space<vmem>> -> memref<1x120xi32, #tpu.memory_space<vmem>>
        %dma_start3A_196 = tpu.memref_squeeze %dma_start3A_195 : memref<1x120xi32, #tpu.memory_space<vmem>> -> memref<120xi32, #tpu.memory_space<vmem>>
        %dma_start3A_197 = arith.constant 0 : i32
        %dma_start3A_198 = arith.constant 0 : i32
        %dma_start3A_199 = tpu.memref_slice %arg10[%dma_start3A_197, %dma_start3A_198] : memref<5120x128xf32, #tpu.memory_space<vmem_shared>> -> memref<5120x128xf32, #tpu.memory_space<vmem_shared>>
        tpu.enqueue_indirect_dma source(%dma_start3A_193 : memref<120x128xf32, #tpu.memory_space<vmem>>) target(%dma_start3A_199 : memref<5120x128xf32, #tpu.memory_space<vmem_shared>>) offsets(%dma_start3A_196 : memref<120xi32, #tpu.memory_space<vmem>>) semaphore(%arg17 : memref<!tpu.dma_semaphore, #tpu.memory_space<semaphore_mem>>) {add = true}
        %add3A_200 = arith.constant 3 : i32
        %add3A_201 = arith.addi %add3A_79, %add3A_200 : i32
        %dma_wait3A_202 = arith.constant 3 : i32
        %dma_wait3A_203 = arith.constant 0 : i32
        %dma_wait3A_204 = arith.constant 0 : i32
        %dma_wait3A_205 = tpu.memref_slice %arg9[%dma_wait3A_202, %dma_wait3A_203, %dma_wait3A_204] : memref<4x120x128xf32, #tpu.memory_space<vmem>> -> memref<1x120x128xf32, #tpu.memory_space<vmem>>
        %dma_wait3A_206 = tpu.memref_squeeze %dma_wait3A_205 : memref<1x120x128xf32, #tpu.memory_space<vmem>> -> memref<120x128xf32, #tpu.memory_space<vmem>>
        %dma_wait3A_207 = arith.constant 0 : i32
        %dma_wait3A_208 = tpu.memref_slice %arg7[%add3A_201, %dma_wait3A_207] : memref<168x120xi32, #tpu.memory_space<vmem>> -> memref<1x120xi32, #tpu.memory_space<vmem>>
        %dma_wait3A_209 = tpu.memref_squeeze %dma_wait3A_208 : memref<1x120xi32, #tpu.memory_space<vmem>> -> memref<120xi32, #tpu.memory_space<vmem>>
        %dma_wait3A_210 = arith.constant 0 : i32
        %dma_wait3A_211 = arith.constant 0 : i32
        %dma_wait3A_212 = tpu.memref_slice %arg2[%dma_wait3A_210, %dma_wait3A_211] : memref<10240x128xf32, #tpu.memory_space<hbm>> -> memref<10240x128xf32, #tpu.memory_space<hbm>>
        tpu.wait_indirect_dma semaphore(%arg14 : memref<!tpu.dma_semaphore, #tpu.memory_space<semaphore_mem>>) src(%dma_wait3A_212 : memref<10240x128xf32, #tpu.memory_space<hbm>>) dst(%dma_wait3A_206 : memref<120x128xf32, #tpu.memory_space<vmem>>)
        %mul3A_213 = arith.constant 8 : i32
        %mul3A_214 = arith.muli %select_n3A_112, %mul3A_213 : i32
        %add3A_215 = arith.constant 3 : i32
        %add3A_216 = arith.addi %mul3A_214, %add3A_215 : i32
        %dma_start3A_217 = arith.constant 3 : i32
        %dma_start3A_218 = arith.constant 0 : i32
        %dma_start3A_219 = arith.constant 0 : i32
        %dma_start3A_220 = tpu.memref_slice %arg9[%dma_start3A_217, %dma_start3A_218, %dma_start3A_219] : memref<4x120x128xf32, #tpu.memory_space<vmem>> -> memref<1x120x128xf32, #tpu.memory_space<vmem>>
        %dma_start3A_221 = tpu.memref_squeeze %dma_start3A_220 : memref<1x120x128xf32, #tpu.memory_space<vmem>> -> memref<120x128xf32, #tpu.memory_space<vmem>>
        %dma_start3A_222 = arith.constant 0 : i32
        %dma_start3A_223 = tpu.memref_slice %arg8[%add3A_216, %dma_start3A_222] : memref<16x120xi32, #tpu.memory_space<vmem>> -> memref<1x120xi32, #tpu.memory_space<vmem>>
        %dma_start3A_224 = tpu.memref_squeeze %dma_start3A_223 : memref<1x120xi32, #tpu.memory_space<vmem>> -> memref<120xi32, #tpu.memory_space<vmem>>
        %dma_start3A_225 = arith.constant 0 : i32
        %dma_start3A_226 = arith.constant 0 : i32
        %dma_start3A_227 = tpu.memref_slice %arg10[%dma_start3A_225, %dma_start3A_226] : memref<5120x128xf32, #tpu.memory_space<vmem_shared>> -> memref<5120x128xf32, #tpu.memory_space<vmem_shared>>
        tpu.enqueue_indirect_dma source(%dma_start3A_221 : memref<120x128xf32, #tpu.memory_space<vmem>>) target(%dma_start3A_227 : memref<5120x128xf32, #tpu.memory_space<vmem_shared>>) offsets(%dma_start3A_224 : memref<120xi32, #tpu.memory_space<vmem>>) semaphore(%arg18 : memref<!tpu.dma_semaphore, #tpu.memory_space<semaphore_mem>>) {add = true}
        %add3A_228 = arith.constant 0 : i32
        %add3A_229 = arith.addi %add3A_79, %add3A_228 : i32
        %mul3A_230 = arith.constant 8 : i32
        %mul3A_231 = arith.muli %select_n3A_112, %mul3A_230 : i32
        %add3A_232 = arith.constant 0 : i32
        %add3A_233 = arith.addi %mul3A_231, %add3A_232 : i32
        %dma_wait3A_234 = arith.constant 0 : i32
        %dma_wait3A_235 = arith.constant 0 : i32
        %dma_wait3A_236 = arith.constant 0 : i32
        %dma_wait3A_237 = tpu.memref_slice %arg9[%dma_wait3A_234, %dma_wait3A_235, %dma_wait3A_236] : memref<4x120x128xf32, #tpu.memory_space<vmem>> -> memref<1x120x128xf32, #tpu.memory_space<vmem>>
        %dma_wait3A_238 = tpu.memref_squeeze %dma_wait3A_237 : memref<1x120x128xf32, #tpu.memory_space<vmem>> -> memref<120x128xf32, #tpu.memory_space<vmem>>
        %dma_wait3A_239 = arith.constant 0 : i32
        %dma_wait3A_240 = tpu.memref_slice %arg8[%add3A_233, %dma_wait3A_239] : memref<16x120xi32, #tpu.memory_space<vmem>> -> memref<1x120xi32, #tpu.memory_space<vmem>>
        %dma_wait3A_241 = tpu.memref_squeeze %dma_wait3A_240 : memref<1x120xi32, #tpu.memory_space<vmem>> -> memref<120xi32, #tpu.memory_space<vmem>>
        %dma_wait3A_242 = arith.constant 0 : i32
        %dma_wait3A_243 = arith.constant 0 : i32
        %dma_wait3A_244 = tpu.memref_slice %arg10[%dma_wait3A_242, %dma_wait3A_243] : memref<5120x128xf32, #tpu.memory_space<vmem_shared>> -> memref<5120x128xf32, #tpu.memory_space<vmem_shared>>
        tpu.wait_indirect_dma semaphore(%arg15 : memref<!tpu.dma_semaphore, #tpu.memory_space<semaphore_mem>>) src(%dma_wait3A_238 : memref<120x128xf32, #tpu.memory_space<vmem>>) dst(%dma_wait3A_244 : memref<5120x128xf32, #tpu.memory_space<vmem_shared>>)
        %add3A_245 = arith.constant 4 : i32
        %add3A_246 = arith.addi %add3A_229, %add3A_245 : i32
        %lt3A_247 = arith.constant 168 : i32
        %lt3A_248 = arith.cmpi slt, %add3A_246, %lt3A_247 : i32
        %convert_element_type3A_249 = arith.extui %lt3A_248 : i1 to i32
        %cond3A_250 = arith.constant 0 : i32
        %cond3A_251 = arith.cmpi ne, %convert_element_type3A_249, %cond3A_250 : i32
        scf.if %cond3A_251 {
          %add3A_539 = arith.constant 4 : i32
          %add3A_540 = arith.addi %add3A_229, %add3A_539 : i32
          %dma_start3A_541 = arith.constant 0 : i32
          %dma_start3A_542 = arith.constant 0 : i32
          %dma_start3A_543 = arith.constant 0 : i32
          %dma_start3A_544 = tpu.memref_slice %arg9[%dma_start3A_541, %dma_start3A_542, %dma_start3A_543] : memref<4x120x128xf32, #tpu.memory_space<vmem>> -> memref<1x120x128xf32, #tpu.memory_space<vmem>>
          %dma_start3A_545 = tpu.memref_squeeze %dma_start3A_544 : memref<1x120x128xf32, #tpu.memory_space<vmem>> -> memref<120x128xf32, #tpu.memory_space<vmem>>
          %dma_start3A_546 = arith.constant 0 : i32
          %dma_start3A_547 = tpu.memref_slice %arg7[%add3A_540, %dma_start3A_546] : memref<168x120xi32, #tpu.memory_space<vmem>> -> memref<1x120xi32, #tpu.memory_space<vmem>>
          %dma_start3A_548 = tpu.memref_squeeze %dma_start3A_547 : memref<1x120xi32, #tpu.memory_space<vmem>> -> memref<120xi32, #tpu.memory_space<vmem>>
          %dma_start3A_549 = arith.constant 0 : i32
          %dma_start3A_550 = arith.constant 0 : i32
          %dma_start3A_551 = tpu.memref_slice %arg2[%dma_start3A_549, %dma_start3A_550] : memref<10240x128xf32, #tpu.memory_space<hbm>> -> memref<10240x128xf32, #tpu.memory_space<hbm>>
          tpu.enqueue_indirect_dma source(%dma_start3A_551 : memref<10240x128xf32, #tpu.memory_space<hbm>>) target(%dma_start3A_545 : memref<120x128xf32, #tpu.memory_space<vmem>>) offsets(%dma_start3A_548 : memref<120xi32, #tpu.memory_space<vmem>>) semaphore(%arg11 : memref<!tpu.dma_semaphore, #tpu.memory_space<semaphore_mem>>)
        } else {
        }
        %add3A_252 = arith.constant 1 : i32
        %add3A_253 = arith.addi %add3A_79, %add3A_252 : i32
        %mul3A_254 = arith.constant 8 : i32
        %mul3A_255 = arith.muli %select_n3A_112, %mul3A_254 : i32
        %add3A_256 = arith.constant 1 : i32
        %add3A_257 = arith.addi %mul3A_255, %add3A_256 : i32
        %dma_wait3A_258 = arith.constant 1 : i32
        %dma_wait3A_259 = arith.constant 0 : i32
        %dma_wait3A_260 = arith.constant 0 : i32
        %dma_wait3A_261 = tpu.memref_slice %arg9[%dma_wait3A_258, %dma_wait3A_259, %dma_wait3A_260] : memref<4x120x128xf32, #tpu.memory_space<vmem>> -> memref<1x120x128xf32, #tpu.memory_space<vmem>>
        %dma_wait3A_262 = tpu.memref_squeeze %dma_wait3A_261 : memref<1x120x128xf32, #tpu.memory_space<vmem>> -> memref<120x128xf32, #tpu.memory_space<vmem>>
        %dma_wait3A_263 = arith.constant 0 : i32
        %dma_wait3A_264 = tpu.memref_slice %arg8[%add3A_257, %dma_wait3A_263] : memref<16x120xi32, #tpu.memory_space<vmem>> -> memref<1x120xi32, #tpu.memory_space<vmem>>
        %dma_wait3A_265 = tpu.memref_squeeze %dma_wait3A_264 : memref<1x120xi32, #tpu.memory_space<vmem>> -> memref<120xi32, #tpu.memory_space<vmem>>
        %dma_wait3A_266 = arith.constant 0 : i32
        %dma_wait3A_267 = arith.constant 0 : i32
        %dma_wait3A_268 = tpu.memref_slice %arg10[%dma_wait3A_266, %dma_wait3A_267] : memref<5120x128xf32, #tpu.memory_space<vmem_shared>> -> memref<5120x128xf32, #tpu.memory_space<vmem_shared>>
        tpu.wait_indirect_dma semaphore(%arg16 : memref<!tpu.dma_semaphore, #tpu.memory_space<semaphore_mem>>) src(%dma_wait3A_262 : memref<120x128xf32, #tpu.memory_space<vmem>>) dst(%dma_wait3A_268 : memref<5120x128xf32, #tpu.memory_space<vmem_shared>>)
        %add3A_269 = arith.constant 4 : i32
        %add3A_270 = arith.addi %add3A_253, %add3A_269 : i32
        %lt3A_271 = arith.constant 168 : i32
        %lt3A_272 = arith.cmpi slt, %add3A_270, %lt3A_271 : i32
        %convert_element_type3A_273 = arith.extui %lt3A_272 : i1 to i32
        %cond3A_274 = arith.constant 0 : i32
        %cond3A_275 = arith.cmpi ne, %convert_element_type3A_273, %cond3A_274 : i32
        scf.if %cond3A_275 {
          %add3A_539 = arith.constant 4 : i32
          %add3A_540 = arith.addi %add3A_253, %add3A_539 : i32
          %dma_start3A_541 = arith.constant 1 : i32
          %dma_start3A_542 = arith.constant 0 : i32
          %dma_start3A_543 = arith.constant 0 : i32
          %dma_start3A_544 = tpu.memref_slice %arg9[%dma_start3A_541, %dma_start3A_542, %dma_start3A_543] : memref<4x120x128xf32, #tpu.memory_space<vmem>> -> memref<1x120x128xf32, #tpu.memory_space<vmem>>
          %dma_start3A_545 = tpu.memref_squeeze %dma_start3A_544 : memref<1x120x128xf32, #tpu.memory_space<vmem>> -> memref<120x128xf32, #tpu.memory_space<vmem>>
          %dma_start3A_546 = arith.constant 0 : i32
          %dma_start3A_547 = tpu.memref_slice %arg7[%add3A_540, %dma_start3A_546] : memref<168x120xi32, #tpu.memory_space<vmem>> -> memref<1x120xi32, #tpu.memory_space<vmem>>
          %dma_start3A_548 = tpu.memref_squeeze %dma_start3A_547 : memref<1x120xi32, #tpu.memory_space<vmem>> -> memref<120xi32, #tpu.memory_space<vmem>>
          %dma_start3A_549 = arith.constant 0 : i32
          %dma_start3A_550 = arith.constant 0 : i32
          %dma_start3A_551 = tpu.memref_slice %arg2[%dma_start3A_549, %dma_start3A_550] : memref<10240x128xf32, #tpu.memory_space<hbm>> -> memref<10240x128xf32, #tpu.memory_space<hbm>>
          tpu.enqueue_indirect_dma source(%dma_start3A_551 : memref<10240x128xf32, #tpu.memory_space<hbm>>) target(%dma_start3A_545 : memref<120x128xf32, #tpu.memory_space<vmem>>) offsets(%dma_start3A_548 : memref<120xi32, #tpu.memory_space<vmem>>) semaphore(%arg12 : memref<!tpu.dma_semaphore, #tpu.memory_space<semaphore_mem>>)
        } else {
        }
        %add3A_276 = arith.constant 2 : i32
        %add3A_277 = arith.addi %add3A_79, %add3A_276 : i32
        %mul3A_278 = arith.constant 8 : i32
        %mul3A_279 = arith.muli %select_n3A_112, %mul3A_278 : i32
        %add3A_280 = arith.constant 2 : i32
        %add3A_281 = arith.addi %mul3A_279, %add3A_280 : i32
        %dma_wait3A_282 = arith.constant 2 : i32
        %dma_wait3A_283 = arith.constant 0 : i32
        %dma_wait3A_284 = arith.constant 0 : i32
        %dma_wait3A_285 = tpu.memref_slice %arg9[%dma_wait3A_282, %dma_wait3A_283, %dma_wait3A_284] : memref<4x120x128xf32, #tpu.memory_space<vmem>> -> memref<1x120x128xf32, #tpu.memory_space<vmem>>
        %dma_wait3A_286 = tpu.memref_squeeze %dma_wait3A_285 : memref<1x120x128xf32, #tpu.memory_space<vmem>> -> memref<120x128xf32, #tpu.memory_space<vmem>>
        %dma_wait3A_287 = arith.constant 0 : i32
        %dma_wait3A_288 = tpu.memref_slice %arg8[%add3A_281, %dma_wait3A_287] : memref<16x120xi32, #tpu.memory_space<vmem>> -> memref<1x120xi32, #tpu.memory_space<vmem>>
        %dma_wait3A_289 = tpu.memref_squeeze %dma_wait3A_288 : memref<1x120xi32, #tpu.memory_space<vmem>> -> memref<120xi32, #tpu.memory_space<vmem>>
        %dma_wait3A_290 = arith.constant 0 : i32
        %dma_wait3A_291 = arith.constant 0 : i32
        %dma_wait3A_292 = tpu.memref_slice %arg10[%dma_wait3A_290, %dma_wait3A_291] : memref<5120x128xf32, #tpu.memory_space<vmem_shared>> -> memref<5120x128xf32, #tpu.memory_space<vmem_shared>>
        tpu.wait_indirect_dma semaphore(%arg17 : memref<!tpu.dma_semaphore, #tpu.memory_space<semaphore_mem>>) src(%dma_wait3A_286 : memref<120x128xf32, #tpu.memory_space<vmem>>) dst(%dma_wait3A_292 : memref<5120x128xf32, #tpu.memory_space<vmem_shared>>)
        %add3A_293 = arith.constant 4 : i32
        %add3A_294 = arith.addi %add3A_277, %add3A_293 : i32
        %lt3A_295 = arith.constant 168 : i32
        %lt3A_296 = arith.cmpi slt, %add3A_294, %lt3A_295 : i32
        %convert_element_type3A_297 = arith.extui %lt3A_296 : i1 to i32
        %cond3A_298 = arith.constant 0 : i32
        %cond3A_299 = arith.cmpi ne, %convert_element_type3A_297, %cond3A_298 : i32
        scf.if %cond3A_299 {
          %add3A_539 = arith.constant 4 : i32
          %add3A_540 = arith.addi %add3A_277, %add3A_539 : i32
          %dma_start3A_541 = arith.constant 2 : i32
          %dma_start3A_542 = arith.constant 0 : i32
          %dma_start3A_543 = arith.constant 0 : i32
          %dma_start3A_544 = tpu.memref_slice %arg9[%dma_start3A_541, %dma_start3A_542, %dma_start3A_543] : memref<4x120x128xf32, #tpu.memory_space<vmem>> -> memref<1x120x128xf32, #tpu.memory_space<vmem>>
          %dma_start3A_545 = tpu.memref_squeeze %dma_start3A_544 : memref<1x120x128xf32, #tpu.memory_space<vmem>> -> memref<120x128xf32, #tpu.memory_space<vmem>>
          %dma_start3A_546 = arith.constant 0 : i32
          %dma_start3A_547 = tpu.memref_slice %arg7[%add3A_540, %dma_start3A_546] : memref<168x120xi32, #tpu.memory_space<vmem>> -> memref<1x120xi32, #tpu.memory_space<vmem>>
          %dma_start3A_548 = tpu.memref_squeeze %dma_start3A_547 : memref<1x120xi32, #tpu.memory_space<vmem>> -> memref<120xi32, #tpu.memory_space<vmem>>
          %dma_start3A_549 = arith.constant 0 : i32
          %dma_start3A_550 = arith.constant 0 : i32
          %dma_start3A_551 = tpu.memref_slice %arg2[%dma_start3A_549, %dma_start3A_550] : memref<10240x128xf32, #tpu.memory_space<hbm>> -> memref<10240x128xf32, #tpu.memory_space<hbm>>
          tpu.enqueue_indirect_dma source(%dma_start3A_551 : memref<10240x128xf32, #tpu.memory_space<hbm>>) target(%dma_start3A_545 : memref<120x128xf32, #tpu.memory_space<vmem>>) offsets(%dma_start3A_548 : memref<120xi32, #tpu.memory_space<vmem>>) semaphore(%arg13 : memref<!tpu.dma_semaphore, #tpu.memory_space<semaphore_mem>>)
        } else {
        }
        %add3A_300 = arith.constant 3 : i32
        %add3A_301 = arith.addi %add3A_79, %add3A_300 : i32
        %mul3A_302 = arith.constant 8 : i32
        %mul3A_303 = arith.muli %select_n3A_112, %mul3A_302 : i32
        %add3A_304 = arith.constant 3 : i32
        %add3A_305 = arith.addi %mul3A_303, %add3A_304 : i32
        %dma_wait3A_306 = arith.constant 3 : i32
        %dma_wait3A_307 = arith.constant 0 : i32
        %dma_wait3A_308 = arith.constant 0 : i32
        %dma_wait3A_309 = tpu.memref_slice %arg9[%dma_wait3A_306, %dma_wait3A_307, %dma_wait3A_308] : memref<4x120x128xf32, #tpu.memory_space<vmem>> -> memref<1x120x128xf32, #tpu.memory_space<vmem>>
        %dma_wait3A_310 = tpu.memref_squeeze %dma_wait3A_309 : memref<1x120x128xf32, #tpu.memory_space<vmem>> -> memref<120x128xf32, #tpu.memory_space<vmem>>
        %dma_wait3A_311 = arith.constant 0 : i32
        %dma_wait3A_312 = tpu.memref_slice %arg8[%add3A_305, %dma_wait3A_311] : memref<16x120xi32, #tpu.memory_space<vmem>> -> memref<1x120xi32, #tpu.memory_space<vmem>>
        %dma_wait3A_313 = tpu.memref_squeeze %dma_wait3A_312 : memref<1x120xi32, #tpu.memory_space<vmem>> -> memref<120xi32, #tpu.memory_space<vmem>>
        %dma_wait3A_314 = arith.constant 0 : i32
        %dma_wait3A_315 = arith.constant 0 : i32
        %dma_wait3A_316 = tpu.memref_slice %arg10[%dma_wait3A_314, %dma_wait3A_315] : memref<5120x128xf32, #tpu.memory_space<vmem_shared>> -> memref<5120x128xf32, #tpu.memory_space<vmem_shared>>
        tpu.wait_indirect_dma semaphore(%arg18 : memref<!tpu.dma_semaphore, #tpu.memory_space<semaphore_mem>>) src(%dma_wait3A_310 : memref<120x128xf32, #tpu.memory_space<vmem>>) dst(%dma_wait3A_316 : memref<5120x128xf32, #tpu.memory_space<vmem_shared>>)
        %add3A_317 = arith.constant 4 : i32
        %add3A_318 = arith.addi %add3A_301, %add3A_317 : i32
        %lt3A_319 = arith.constant 168 : i32
        %lt3A_320 = arith.cmpi slt, %add3A_318, %lt3A_319 : i32
        %convert_element_type3A_321 = arith.extui %lt3A_320 : i1 to i32
        %cond3A_322 = arith.constant 0 : i32
        %cond3A_323 = arith.cmpi ne, %convert_element_type3A_321, %cond3A_322 : i32
        scf.if %cond3A_323 {
          %add3A_539 = arith.constant 4 : i32
          %add3A_540 = arith.addi %add3A_301, %add3A_539 : i32
          %dma_start3A_541 = arith.constant 3 : i32
          %dma_start3A_542 = arith.constant 0 : i32
          %dma_start3A_543 = arith.constant 0 : i32
          %dma_start3A_544 = tpu.memref_slice %arg9[%dma_start3A_541, %dma_start3A_542, %dma_start3A_543] : memref<4x120x128xf32, #tpu.memory_space<vmem>> -> memref<1x120x128xf32, #tpu.memory_space<vmem>>
          %dma_start3A_545 = tpu.memref_squeeze %dma_start3A_544 : memref<1x120x128xf32, #tpu.memory_space<vmem>> -> memref<120x128xf32, #tpu.memory_space<vmem>>
          %dma_start3A_546 = arith.constant 0 : i32
          %dma_start3A_547 = tpu.memref_slice %arg7[%add3A_540, %dma_start3A_546] : memref<168x120xi32, #tpu.memory_space<vmem>> -> memref<1x120xi32, #tpu.memory_space<vmem>>
          %dma_start3A_548 = tpu.memref_squeeze %dma_start3A_547 : memref<1x120xi32, #tpu.memory_space<vmem>> -> memref<120xi32, #tpu.memory_space<vmem>>
          %dma_start3A_549 = arith.constant 0 : i32
          %dma_start3A_550 = arith.constant 0 : i32
          %dma_start3A_551 = tpu.memref_slice %arg2[%dma_start3A_549, %dma_start3A_550] : memref<10240x128xf32, #tpu.memory_space<hbm>> -> memref<10240x128xf32, #tpu.memory_space<hbm>>
          tpu.enqueue_indirect_dma source(%dma_start3A_551 : memref<10240x128xf32, #tpu.memory_space<hbm>>) target(%dma_start3A_545 : memref<120x128xf32, #tpu.memory_space<vmem>>) offsets(%dma_start3A_548 : memref<120xi32, #tpu.memory_space<vmem>>) semaphore(%arg14 : memref<!tpu.dma_semaphore, #tpu.memory_space<semaphore_mem>>)
        } else {
        }
        %add3A_324 = arith.constant 4 : i32
        %add3A_325 = arith.addi %add3A_79, %add3A_324 : i32
        %dma_wait3A_326 = arith.constant 0 : i32
        %dma_wait3A_327 = arith.constant 0 : i32
        %dma_wait3A_328 = arith.constant 0 : i32
        %dma_wait3A_329 = tpu.memref_slice %arg9[%dma_wait3A_326, %dma_wait3A_327, %dma_wait3A_328] : memref<4x120x128xf32, #tpu.memory_space<vmem>> -> memref<1x120x128xf32, #tpu.memory_space<vmem>>
        %dma_wait3A_330 = tpu.memref_squeeze %dma_wait3A_329 : memref<1x120x128xf32, #tpu.memory_space<vmem>> -> memref<120x128xf32, #tpu.memory_space<vmem>>
        %dma_wait3A_331 = arith.constant 0 : i32
        %dma_wait3A_332 = tpu.memref_slice %arg7[%add3A_325, %dma_wait3A_331] : memref<168x120xi32, #tpu.memory_space<vmem>> -> memref<1x120xi32, #tpu.memory_space<vmem>>
        %dma_wait3A_333 = tpu.memref_squeeze %dma_wait3A_332 : memref<1x120xi32, #tpu.memory_space<vmem>> -> memref<120xi32, #tpu.memory_space<vmem>>
        %dma_wait3A_334 = arith.constant 0 : i32
        %dma_wait3A_335 = arith.constant 0 : i32
        %dma_wait3A_336 = tpu.memref_slice %arg2[%dma_wait3A_334, %dma_wait3A_335] : memref<10240x128xf32, #tpu.memory_space<hbm>> -> memref<10240x128xf32, #tpu.memory_space<hbm>>
        tpu.wait_indirect_dma semaphore(%arg11 : memref<!tpu.dma_semaphore, #tpu.memory_space<semaphore_mem>>) src(%dma_wait3A_336 : memref<10240x128xf32, #tpu.memory_space<hbm>>) dst(%dma_wait3A_330 : memref<120x128xf32, #tpu.memory_space<vmem>>)
        %mul3A_337 = arith.constant 8 : i32
        %mul3A_338 = arith.muli %select_n3A_112, %mul3A_337 : i32
        %add3A_339 = arith.constant 4 : i32
        %add3A_340 = arith.addi %mul3A_338, %add3A_339 : i32
        %dma_start3A_341 = arith.constant 0 : i32
        %dma_start3A_342 = arith.constant 0 : i32
        %dma_start3A_343 = arith.constant 0 : i32
        %dma_start3A_344 = tpu.memref_slice %arg9[%dma_start3A_341, %dma_start3A_342, %dma_start3A_343] : memref<4x120x128xf32, #tpu.memory_space<vmem>> -> memref<1x120x128xf32, #tpu.memory_space<vmem>>
        %dma_start3A_345 = tpu.memref_squeeze %dma_start3A_344 : memref<1x120x128xf32, #tpu.memory_space<vmem>> -> memref<120x128xf32, #tpu.memory_space<vmem>>
        %dma_start3A_346 = arith.constant 0 : i32
        %dma_start3A_347 = tpu.memref_slice %arg8[%add3A_340, %dma_start3A_346] : memref<16x120xi32, #tpu.memory_space<vmem>> -> memref<1x120xi32, #tpu.memory_space<vmem>>
        %dma_start3A_348 = tpu.memref_squeeze %dma_start3A_347 : memref<1x120xi32, #tpu.memory_space<vmem>> -> memref<120xi32, #tpu.memory_space<vmem>>
        %dma_start3A_349 = arith.constant 0 : i32
        %dma_start3A_350 = arith.constant 0 : i32
        %dma_start3A_351 = tpu.memref_slice %arg10[%dma_start3A_349, %dma_start3A_350] : memref<5120x128xf32, #tpu.memory_space<vmem_shared>> -> memref<5120x128xf32, #tpu.memory_space<vmem_shared>>
        tpu.enqueue_indirect_dma source(%dma_start3A_345 : memref<120x128xf32, #tpu.memory_space<vmem>>) target(%dma_start3A_351 : memref<5120x128xf32, #tpu.memory_space<vmem_shared>>) offsets(%dma_start3A_348 : memref<120xi32, #tpu.memory_space<vmem>>) semaphore(%arg15 : memref<!tpu.dma_semaphore, #tpu.memory_space<semaphore_mem>>) {add = true}
        %add3A_352 = arith.constant 5 : i32
        %add3A_353 = arith.addi %add3A_79, %add3A_352 : i32
        %dma_wait3A_354 = arith.constant 1 : i32
        %dma_wait3A_355 = arith.constant 0 : i32
        %dma_wait3A_356 = arith.constant 0 : i32
        %dma_wait3A_357 = tpu.memref_slice %arg9[%dma_wait3A_354, %dma_wait3A_355, %dma_wait3A_356] : memref<4x120x128xf32, #tpu.memory_space<vmem>> -> memref<1x120x128xf32, #tpu.memory_space<vmem>>
        %dma_wait3A_358 = tpu.memref_squeeze %dma_wait3A_357 : memref<1x120x128xf32, #tpu.memory_space<vmem>> -> memref<120x128xf32, #tpu.memory_space<vmem>>
        %dma_wait3A_359 = arith.constant 0 : i32
        %dma_wait3A_360 = tpu.memref_slice %arg7[%add3A_353, %dma_wait3A_359] : memref<168x120xi32, #tpu.memory_space<vmem>> -> memref<1x120xi32, #tpu.memory_space<vmem>>
        %dma_wait3A_361 = tpu.memref_squeeze %dma_wait3A_360 : memref<1x120xi32, #tpu.memory_space<vmem>> -> memref<120xi32, #tpu.memory_space<vmem>>
        %dma_wait3A_362 = arith.constant 0 : i32
        %dma_wait3A_363 = arith.constant 0 : i32
        %dma_wait3A_364 = tpu.memref_slice %arg2[%dma_wait3A_362, %dma_wait3A_363] : memref<10240x128xf32, #tpu.memory_space<hbm>> -> memref<10240x128xf32, #tpu.memory_space<hbm>>
        tpu.wait_indirect_dma semaphore(%arg12 : memref<!tpu.dma_semaphore, #tpu.memory_space<semaphore_mem>>) src(%dma_wait3A_364 : memref<10240x128xf32, #tpu.memory_space<hbm>>) dst(%dma_wait3A_358 : memref<120x128xf32, #tpu.memory_space<vmem>>)
        %mul3A_365 = arith.constant 8 : i32
        %mul3A_366 = arith.muli %select_n3A_112, %mul3A_365 : i32
        %add3A_367 = arith.constant 5 : i32
        %add3A_368 = arith.addi %mul3A_366, %add3A_367 : i32
        %dma_start3A_369 = arith.constant 1 : i32
        %dma_start3A_370 = arith.constant 0 : i32
        %dma_start3A_371 = arith.constant 0 : i32
        %dma_start3A_372 = tpu.memref_slice %arg9[%dma_start3A_369, %dma_start3A_370, %dma_start3A_371] : memref<4x120x128xf32, #tpu.memory_space<vmem>> -> memref<1x120x128xf32, #tpu.memory_space<vmem>>
        %dma_start3A_373 = tpu.memref_squeeze %dma_start3A_372 : memref<1x120x128xf32, #tpu.memory_space<vmem>> -> memref<120x128xf32, #tpu.memory_space<vmem>>
        %dma_start3A_374 = arith.constant 0 : i32
        %dma_start3A_375 = tpu.memref_slice %arg8[%add3A_368, %dma_start3A_374] : memref<16x120xi32, #tpu.memory_space<vmem>> -> memref<1x120xi32, #tpu.memory_space<vmem>>
        %dma_start3A_376 = tpu.memref_squeeze %dma_start3A_375 : memref<1x120xi32, #tpu.memory_space<vmem>> -> memref<120xi32, #tpu.memory_space<vmem>>
        %dma_start3A_377 = arith.constant 0 : i32
        %dma_start3A_378 = arith.constant 0 : i32
        %dma_start3A_379 = tpu.memref_slice %arg10[%dma_start3A_377, %dma_start3A_378] : memref<5120x128xf32, #tpu.memory_space<vmem_shared>> -> memref<5120x128xf32, #tpu.memory_space<vmem_shared>>
        tpu.enqueue_indirect_dma source(%dma_start3A_373 : memref<120x128xf32, #tpu.memory_space<vmem>>) target(%dma_start3A_379 : memref<5120x128xf32, #tpu.memory_space<vmem_shared>>) offsets(%dma_start3A_376 : memref<120xi32, #tpu.memory_space<vmem>>) semaphore(%arg16 : memref<!tpu.dma_semaphore, #tpu.memory_space<semaphore_mem>>) {add = true}
        %add3A_380 = arith.constant 6 : i32
        %add3A_381 = arith.addi %add3A_79, %add3A_380 : i32
        %dma_wait3A_382 = arith.constant 2 : i32
        %dma_wait3A_383 = arith.constant 0 : i32
        %dma_wait3A_384 = arith.constant 0 : i32
        %dma_wait3A_385 = tpu.memref_slice %arg9[%dma_wait3A_382, %dma_wait3A_383, %dma_wait3A_384] : memref<4x120x128xf32, #tpu.memory_space<vmem>> -> memref<1x120x128xf32, #tpu.memory_space<vmem>>
        %dma_wait3A_386 = tpu.memref_squeeze %dma_wait3A_385 : memref<1x120x128xf32, #tpu.memory_space<vmem>> -> memref<120x128xf32, #tpu.memory_space<vmem>>
        %dma_wait3A_387 = arith.constant 0 : i32
        %dma_wait3A_388 = tpu.memref_slice %arg7[%add3A_381, %dma_wait3A_387] : memref<168x120xi32, #tpu.memory_space<vmem>> -> memref<1x120xi32, #tpu.memory_space<vmem>>
        %dma_wait3A_389 = tpu.memref_squeeze %dma_wait3A_388 : memref<1x120xi32, #tpu.memory_space<vmem>> -> memref<120xi32, #tpu.memory_space<vmem>>
        %dma_wait3A_390 = arith.constant 0 : i32
        %dma_wait3A_391 = arith.constant 0 : i32
        %dma_wait3A_392 = tpu.memref_slice %arg2[%dma_wait3A_390, %dma_wait3A_391] : memref<10240x128xf32, #tpu.memory_space<hbm>> -> memref<10240x128xf32, #tpu.memory_space<hbm>>
        tpu.wait_indirect_dma semaphore(%arg13 : memref<!tpu.dma_semaphore, #tpu.memory_space<semaphore_mem>>) src(%dma_wait3A_392 : memref<10240x128xf32, #tpu.memory_space<hbm>>) dst(%dma_wait3A_386 : memref<120x128xf32, #tpu.memory_space<vmem>>)
        %mul3A_393 = arith.constant 8 : i32
        %mul3A_394 = arith.muli %select_n3A_112, %mul3A_393 : i32
        %add3A_395 = arith.constant 6 : i32
        %add3A_396 = arith.addi %mul3A_394, %add3A_395 : i32
        %dma_start3A_397 = arith.constant 2 : i32
        %dma_start3A_398 = arith.constant 0 : i32
        %dma_start3A_399 = arith.constant 0 : i32
        %dma_start3A_400 = tpu.memref_slice %arg9[%dma_start3A_397, %dma_start3A_398, %dma_start3A_399] : memref<4x120x128xf32, #tpu.memory_space<vmem>> -> memref<1x120x128xf32, #tpu.memory_space<vmem>>
        %dma_start3A_401 = tpu.memref_squeeze %dma_start3A_400 : memref<1x120x128xf32, #tpu.memory_space<vmem>> -> memref<120x128xf32, #tpu.memory_space<vmem>>
        %dma_start3A_402 = arith.constant 0 : i32
        %dma_start3A_403 = tpu.memref_slice %arg8[%add3A_396, %dma_start3A_402] : memref<16x120xi32, #tpu.memory_space<vmem>> -> memref<1x120xi32, #tpu.memory_space<vmem>>
        %dma_start3A_404 = tpu.memref_squeeze %dma_start3A_403 : memref<1x120xi32, #tpu.memory_space<vmem>> -> memref<120xi32, #tpu.memory_space<vmem>>
        %dma_start3A_405 = arith.constant 0 : i32
        %dma_start3A_406 = arith.constant 0 : i32
        %dma_start3A_407 = tpu.memref_slice %arg10[%dma_start3A_405, %dma_start3A_406] : memref<5120x128xf32, #tpu.memory_space<vmem_shared>> -> memref<5120x128xf32, #tpu.memory_space<vmem_shared>>
        tpu.enqueue_indirect_dma source(%dma_start3A_401 : memref<120x128xf32, #tpu.memory_space<vmem>>) target(%dma_start3A_407 : memref<5120x128xf32, #tpu.memory_space<vmem_shared>>) offsets(%dma_start3A_404 : memref<120xi32, #tpu.memory_space<vmem>>) semaphore(%arg17 : memref<!tpu.dma_semaphore, #tpu.memory_space<semaphore_mem>>) {add = true}
        %add3A_408 = arith.constant 7 : i32
        %add3A_409 = arith.addi %add3A_79, %add3A_408 : i32
        %dma_wait3A_410 = arith.constant 3 : i32
        %dma_wait3A_411 = arith.constant 0 : i32
        %dma_wait3A_412 = arith.constant 0 : i32
        %dma_wait3A_413 = tpu.memref_slice %arg9[%dma_wait3A_410, %dma_wait3A_411, %dma_wait3A_412] : memref<4x120x128xf32, #tpu.memory_space<vmem>> -> memref<1x120x128xf32, #tpu.memory_space<vmem>>
        %dma_wait3A_414 = tpu.memref_squeeze %dma_wait3A_413 : memref<1x120x128xf32, #tpu.memory_space<vmem>> -> memref<120x128xf32, #tpu.memory_space<vmem>>
        %dma_wait3A_415 = arith.constant 0 : i32
        %dma_wait3A_416 = tpu.memref_slice %arg7[%add3A_409, %dma_wait3A_415] : memref<168x120xi32, #tpu.memory_space<vmem>> -> memref<1x120xi32, #tpu.memory_space<vmem>>
        %dma_wait3A_417 = tpu.memref_squeeze %dma_wait3A_416 : memref<1x120xi32, #tpu.memory_space<vmem>> -> memref<120xi32, #tpu.memory_space<vmem>>
        %dma_wait3A_418 = arith.constant 0 : i32
        %dma_wait3A_419 = arith.constant 0 : i32
        %dma_wait3A_420 = tpu.memref_slice %arg2[%dma_wait3A_418, %dma_wait3A_419] : memref<10240x128xf32, #tpu.memory_space<hbm>> -> memref<10240x128xf32, #tpu.memory_space<hbm>>
        tpu.wait_indirect_dma semaphore(%arg14 : memref<!tpu.dma_semaphore, #tpu.memory_space<semaphore_mem>>) src(%dma_wait3A_420 : memref<10240x128xf32, #tpu.memory_space<hbm>>) dst(%dma_wait3A_414 : memref<120x128xf32, #tpu.memory_space<vmem>>)
        %mul3A_421 = arith.constant 8 : i32
        %mul3A_422 = arith.muli %select_n3A_112, %mul3A_421 : i32
        %add3A_423 = arith.constant 7 : i32
        %add3A_424 = arith.addi %mul3A_422, %add3A_423 : i32
        %dma_start3A_425 = arith.constant 3 : i32
        %dma_start3A_426 = arith.constant 0 : i32
        %dma_start3A_427 = arith.constant 0 : i32
        %dma_start3A_428 = tpu.memref_slice %arg9[%dma_start3A_425, %dma_start3A_426, %dma_start3A_427] : memref<4x120x128xf32, #tpu.memory_space<vmem>> -> memref<1x120x128xf32, #tpu.memory_space<vmem>>
        %dma_start3A_429 = tpu.memref_squeeze %dma_start3A_428 : memref<1x120x128xf32, #tpu.memory_space<vmem>> -> memref<120x128xf32, #tpu.memory_space<vmem>>
        %dma_start3A_430 = arith.constant 0 : i32
        %dma_start3A_431 = tpu.memref_slice %arg8[%add3A_424, %dma_start3A_430] : memref<16x120xi32, #tpu.memory_space<vmem>> -> memref<1x120xi32, #tpu.memory_space<vmem>>
        %dma_start3A_432 = tpu.memref_squeeze %dma_start3A_431 : memref<1x120xi32, #tpu.memory_space<vmem>> -> memref<120xi32, #tpu.memory_space<vmem>>
        %dma_start3A_433 = arith.constant 0 : i32
        %dma_start3A_434 = arith.constant 0 : i32
        %dma_start3A_435 = tpu.memref_slice %arg10[%dma_start3A_433, %dma_start3A_434] : memref<5120x128xf32, #tpu.memory_space<vmem_shared>> -> memref<5120x128xf32, #tpu.memory_space<vmem_shared>>
        tpu.enqueue_indirect_dma source(%dma_start3A_429 : memref<120x128xf32, #tpu.memory_space<vmem>>) target(%dma_start3A_435 : memref<5120x128xf32, #tpu.memory_space<vmem_shared>>) offsets(%dma_start3A_432 : memref<120xi32, #tpu.memory_space<vmem>>) semaphore(%arg18 : memref<!tpu.dma_semaphore, #tpu.memory_space<semaphore_mem>>) {add = true}
        %add3A_436 = arith.constant 4 : i32
        %add3A_437 = arith.addi %add3A_79, %add3A_436 : i32
        %mul3A_438 = arith.constant 8 : i32
        %mul3A_439 = arith.muli %select_n3A_112, %mul3A_438 : i32
        %add3A_440 = arith.constant 4 : i32
        %add3A_441 = arith.addi %mul3A_439, %add3A_440 : i32
        %dma_wait3A_442 = arith.constant 0 : i32
        %dma_wait3A_443 = arith.constant 0 : i32
        %dma_wait3A_444 = arith.constant 0 : i32
        %dma_wait3A_445 = tpu.memref_slice %arg9[%dma_wait3A_442, %dma_wait3A_443, %dma_wait3A_444] : memref<4x120x128xf32, #tpu.memory_space<vmem>> -> memref<1x120x128xf32, #tpu.memory_space<vmem>>
        %dma_wait3A_446 = tpu.memref_squeeze %dma_wait3A_445 : memref<1x120x128xf32, #tpu.memory_space<vmem>> -> memref<120x128xf32, #tpu.memory_space<vmem>>
        %dma_wait3A_447 = arith.constant 0 : i32
        %dma_wait3A_448 = tpu.memref_slice %arg8[%add3A_441, %dma_wait3A_447] : memref<16x120xi32, #tpu.memory_space<vmem>> -> memref<1x120xi32, #tpu.memory_space<vmem>>
        %dma_wait3A_449 = tpu.memref_squeeze %dma_wait3A_448 : memref<1x120xi32, #tpu.memory_space<vmem>> -> memref<120xi32, #tpu.memory_space<vmem>>
        %dma_wait3A_450 = arith.constant 0 : i32
        %dma_wait3A_451 = arith.constant 0 : i32
        %dma_wait3A_452 = tpu.memref_slice %arg10[%dma_wait3A_450, %dma_wait3A_451] : memref<5120x128xf32, #tpu.memory_space<vmem_shared>> -> memref<5120x128xf32, #tpu.memory_space<vmem_shared>>
        tpu.wait_indirect_dma semaphore(%arg15 : memref<!tpu.dma_semaphore, #tpu.memory_space<semaphore_mem>>) src(%dma_wait3A_446 : memref<120x128xf32, #tpu.memory_space<vmem>>) dst(%dma_wait3A_452 : memref<5120x128xf32, #tpu.memory_space<vmem_shared>>)
        %add3A_453 = arith.constant 4 : i32
        %add3A_454 = arith.addi %add3A_437, %add3A_453 : i32
        %lt3A_455 = arith.constant 168 : i32
        %lt3A_456 = arith.cmpi slt, %add3A_454, %lt3A_455 : i32
        %convert_element_type3A_457 = arith.extui %lt3A_456 : i1 to i32
        %cond3A_458 = arith.constant 0 : i32
        %cond3A_459 = arith.cmpi ne, %convert_element_type3A_457, %cond3A_458 : i32
        scf.if %cond3A_459 {
          %add3A_539 = arith.constant 4 : i32
          %add3A_540 = arith.addi %add3A_437, %add3A_539 : i32
          %dma_start3A_541 = arith.constant 0 : i32
          %dma_start3A_542 = arith.constant 0 : i32
          %dma_start3A_543 = arith.constant 0 : i32
          %dma_start3A_544 = tpu.memref_slice %arg9[%dma_start3A_541, %dma_start3A_542, %dma_start3A_543] : memref<4x120x128xf32, #tpu.memory_space<vmem>> -> memref<1x120x128xf32, #tpu.memory_space<vmem>>
          %dma_start3A_545 = tpu.memref_squeeze %dma_start3A_544 : memref<1x120x128xf32, #tpu.memory_space<vmem>> -> memref<120x128xf32, #tpu.memory_space<vmem>>
          %dma_start3A_546 = arith.constant 0 : i32
          %dma_start3A_547 = tpu.memref_slice %arg7[%add3A_540, %dma_start3A_546] : memref<168x120xi32, #tpu.memory_space<vmem>> -> memref<1x120xi32, #tpu.memory_space<vmem>>
          %dma_start3A_548 = tpu.memref_squeeze %dma_start3A_547 : memref<1x120xi32, #tpu.memory_space<vmem>> -> memref<120xi32, #tpu.memory_space<vmem>>
          %dma_start3A_549 = arith.constant 0 : i32
          %dma_start3A_550 = arith.constant 0 : i32
          %dma_start3A_551 = tpu.memref_slice %arg2[%dma_start3A_549, %dma_start3A_550] : memref<10240x128xf32, #tpu.memory_space<hbm>> -> memref<10240x128xf32, #tpu.memory_space<hbm>>
          tpu.enqueue_indirect_dma source(%dma_start3A_551 : memref<10240x128xf32, #tpu.memory_space<hbm>>) target(%dma_start3A_545 : memref<120x128xf32, #tpu.memory_space<vmem>>) offsets(%dma_start3A_548 : memref<120xi32, #tpu.memory_space<vmem>>) semaphore(%arg11 : memref<!tpu.dma_semaphore, #tpu.memory_space<semaphore_mem>>)
        } else {
        }
        %add3A_460 = arith.constant 5 : i32
        %add3A_461 = arith.addi %add3A_79, %add3A_460 : i32
        %mul3A_462 = arith.constant 8 : i32
        %mul3A_463 = arith.muli %select_n3A_112, %mul3A_462 : i32
        %add3A_464 = arith.constant 5 : i32
        %add3A_465 = arith.addi %mul3A_463, %add3A_464 : i32
        %dma_wait3A_466 = arith.constant 1 : i32
        %dma_wait3A_467 = arith.constant 0 : i32
        %dma_wait3A_468 = arith.constant 0 : i32
        %dma_wait3A_469 = tpu.memref_slice %arg9[%dma_wait3A_466, %dma_wait3A_467, %dma_wait3A_468] : memref<4x120x128xf32, #tpu.memory_space<vmem>> -> memref<1x120x128xf32, #tpu.memory_space<vmem>>
        %dma_wait3A_470 = tpu.memref_squeeze %dma_wait3A_469 : memref<1x120x128xf32, #tpu.memory_space<vmem>> -> memref<120x128xf32, #tpu.memory_space<vmem>>
        %dma_wait3A_471 = arith.constant 0 : i32
        %dma_wait3A_472 = tpu.memref_slice %arg8[%add3A_465, %dma_wait3A_471] : memref<16x120xi32, #tpu.memory_space<vmem>> -> memref<1x120xi32, #tpu.memory_space<vmem>>
        %dma_wait3A_473 = tpu.memref_squeeze %dma_wait3A_472 : memref<1x120xi32, #tpu.memory_space<vmem>> -> memref<120xi32, #tpu.memory_space<vmem>>
        %dma_wait3A_474 = arith.constant 0 : i32
        %dma_wait3A_475 = arith.constant 0 : i32
        %dma_wait3A_476 = tpu.memref_slice %arg10[%dma_wait3A_474, %dma_wait3A_475] : memref<5120x128xf32, #tpu.memory_space<vmem_shared>> -> memref<5120x128xf32, #tpu.memory_space<vmem_shared>>
        tpu.wait_indirect_dma semaphore(%arg16 : memref<!tpu.dma_semaphore, #tpu.memory_space<semaphore_mem>>) src(%dma_wait3A_470 : memref<120x128xf32, #tpu.memory_space<vmem>>) dst(%dma_wait3A_476 : memref<5120x128xf32, #tpu.memory_space<vmem_shared>>)
        %add3A_477 = arith.constant 4 : i32
        %add3A_478 = arith.addi %add3A_461, %add3A_477 : i32
        %lt3A_479 = arith.constant 168 : i32
        %lt3A_480 = arith.cmpi slt, %add3A_478, %lt3A_479 : i32
        %convert_element_type3A_481 = arith.extui %lt3A_480 : i1 to i32
        %cond3A_482 = arith.constant 0 : i32
        %cond3A_483 = arith.cmpi ne, %convert_element_type3A_481, %cond3A_482 : i32
        scf.if %cond3A_483 {
          %add3A_539 = arith.constant 4 : i32
          %add3A_540 = arith.addi %add3A_461, %add3A_539 : i32
          %dma_start3A_541 = arith.constant 1 : i32
          %dma_start3A_542 = arith.constant 0 : i32
          %dma_start3A_543 = arith.constant 0 : i32
          %dma_start3A_544 = tpu.memref_slice %arg9[%dma_start3A_541, %dma_start3A_542, %dma_start3A_543] : memref<4x120x128xf32, #tpu.memory_space<vmem>> -> memref<1x120x128xf32, #tpu.memory_space<vmem>>
          %dma_start3A_545 = tpu.memref_squeeze %dma_start3A_544 : memref<1x120x128xf32, #tpu.memory_space<vmem>> -> memref<120x128xf32, #tpu.memory_space<vmem>>
          %dma_start3A_546 = arith.constant 0 : i32
          %dma_start3A_547 = tpu.memref_slice %arg7[%add3A_540, %dma_start3A_546] : memref<168x120xi32, #tpu.memory_space<vmem>> -> memref<1x120xi32, #tpu.memory_space<vmem>>
          %dma_start3A_548 = tpu.memref_squeeze %dma_start3A_547 : memref<1x120xi32, #tpu.memory_space<vmem>> -> memref<120xi32, #tpu.memory_space<vmem>>
          %dma_start3A_549 = arith.constant 0 : i32
          %dma_start3A_550 = arith.constant 0 : i32
          %dma_start3A_551 = tpu.memref_slice %arg2[%dma_start3A_549, %dma_start3A_550] : memref<10240x128xf32, #tpu.memory_space<hbm>> -> memref<10240x128xf32, #tpu.memory_space<hbm>>
          tpu.enqueue_indirect_dma source(%dma_start3A_551 : memref<10240x128xf32, #tpu.memory_space<hbm>>) target(%dma_start3A_545 : memref<120x128xf32, #tpu.memory_space<vmem>>) offsets(%dma_start3A_548 : memref<120xi32, #tpu.memory_space<vmem>>) semaphore(%arg12 : memref<!tpu.dma_semaphore, #tpu.memory_space<semaphore_mem>>)
        } else {
        }
        %add3A_484 = arith.constant 6 : i32
        %add3A_485 = arith.addi %add3A_79, %add3A_484 : i32
        %mul3A_486 = arith.constant 8 : i32
        %mul3A_487 = arith.muli %select_n3A_112, %mul3A_486 : i32
        %add3A_488 = arith.constant 6 : i32
        %add3A_489 = arith.addi %mul3A_487, %add3A_488 : i32
        %dma_wait3A_490 = arith.constant 2 : i32
        %dma_wait3A_491 = arith.constant 0 : i32
        %dma_wait3A_492 = arith.constant 0 : i32
        %dma_wait3A_493 = tpu.memref_slice %arg9[%dma_wait3A_490, %dma_wait3A_491, %dma_wait3A_492] : memref<4x120x128xf32, #tpu.memory_space<vmem>> -> memref<1x120x128xf32, #tpu.memory_space<vmem>>
        %dma_wait3A_494 = tpu.memref_squeeze %dma_wait3A_493 : memref<1x120x128xf32, #tpu.memory_space<vmem>> -> memref<120x128xf32, #tpu.memory_space<vmem>>
        %dma_wait3A_495 = arith.constant 0 : i32
        %dma_wait3A_496 = tpu.memref_slice %arg8[%add3A_489, %dma_wait3A_495] : memref<16x120xi32, #tpu.memory_space<vmem>> -> memref<1x120xi32, #tpu.memory_space<vmem>>
        %dma_wait3A_497 = tpu.memref_squeeze %dma_wait3A_496 : memref<1x120xi32, #tpu.memory_space<vmem>> -> memref<120xi32, #tpu.memory_space<vmem>>
        %dma_wait3A_498 = arith.constant 0 : i32
        %dma_wait3A_499 = arith.constant 0 : i32
        %dma_wait3A_500 = tpu.memref_slice %arg10[%dma_wait3A_498, %dma_wait3A_499] : memref<5120x128xf32, #tpu.memory_space<vmem_shared>> -> memref<5120x128xf32, #tpu.memory_space<vmem_shared>>
        tpu.wait_indirect_dma semaphore(%arg17 : memref<!tpu.dma_semaphore, #tpu.memory_space<semaphore_mem>>) src(%dma_wait3A_494 : memref<120x128xf32, #tpu.memory_space<vmem>>) dst(%dma_wait3A_500 : memref<5120x128xf32, #tpu.memory_space<vmem_shared>>)
        %add3A_501 = arith.constant 4 : i32
        %add3A_502 = arith.addi %add3A_485, %add3A_501 : i32
        %lt3A_503 = arith.constant 168 : i32
        %lt3A_504 = arith.cmpi slt, %add3A_502, %lt3A_503 : i32
        %convert_element_type3A_505 = arith.extui %lt3A_504 : i1 to i32
        %cond3A_506 = arith.constant 0 : i32
        %cond3A_507 = arith.cmpi ne, %convert_element_type3A_505, %cond3A_506 : i32
        scf.if %cond3A_507 {
          %add3A_539 = arith.constant 4 : i32
          %add3A_540 = arith.addi %add3A_485, %add3A_539 : i32
          %dma_start3A_541 = arith.constant 2 : i32
          %dma_start3A_542 = arith.constant 0 : i32
          %dma_start3A_543 = arith.constant 0 : i32
          %dma_start3A_544 = tpu.memref_slice %arg9[%dma_start3A_541, %dma_start3A_542, %dma_start3A_543] : memref<4x120x128xf32, #tpu.memory_space<vmem>> -> memref<1x120x128xf32, #tpu.memory_space<vmem>>
          %dma_start3A_545 = tpu.memref_squeeze %dma_start3A_544 : memref<1x120x128xf32, #tpu.memory_space<vmem>> -> memref<120x128xf32, #tpu.memory_space<vmem>>
          %dma_start3A_546 = arith.constant 0 : i32
          %dma_start3A_547 = tpu.memref_slice %arg7[%add3A_540, %dma_start3A_546] : memref<168x120xi32, #tpu.memory_space<vmem>> -> memref<1x120xi32, #tpu.memory_space<vmem>>
          %dma_start3A_548 = tpu.memref_squeeze %dma_start3A_547 : memref<1x120xi32, #tpu.memory_space<vmem>> -> memref<120xi32, #tpu.memory_space<vmem>>
          %dma_start3A_549 = arith.constant 0 : i32
          %dma_start3A_550 = arith.constant 0 : i32
          %dma_start3A_551 = tpu.memref_slice %arg2[%dma_start3A_549, %dma_start3A_550] : memref<10240x128xf32, #tpu.memory_space<hbm>> -> memref<10240x128xf32, #tpu.memory_space<hbm>>
          tpu.enqueue_indirect_dma source(%dma_start3A_551 : memref<10240x128xf32, #tpu.memory_space<hbm>>) target(%dma_start3A_545 : memref<120x128xf32, #tpu.memory_space<vmem>>) offsets(%dma_start3A_548 : memref<120xi32, #tpu.memory_space<vmem>>) semaphore(%arg13 : memref<!tpu.dma_semaphore, #tpu.memory_space<semaphore_mem>>)
        } else {
        }
        %add3A_508 = arith.constant 7 : i32
        %add3A_509 = arith.addi %add3A_79, %add3A_508 : i32
        %mul3A_510 = arith.constant 8 : i32
        %mul3A_511 = arith.muli %select_n3A_112, %mul3A_510 : i32
        %add3A_512 = arith.constant 7 : i32
        %add3A_513 = arith.addi %mul3A_511, %add3A_512 : i32
        %dma_wait3A_514 = arith.constant 3 : i32
        %dma_wait3A_515 = arith.constant 0 : i32
        %dma_wait3A_516 = arith.constant 0 : i32
        %dma_wait3A_517 = tpu.memref_slice %arg9[%dma_wait3A_514, %dma_wait3A_515, %dma_wait3A_516] : memref<4x120x128xf32, #tpu.memory_space<vmem>> -> memref<1x120x128xf32, #tpu.memory_space<vmem>>
        %dma_wait3A_518 = tpu.memref_squeeze %dma_wait3A_517 : memref<1x120x128xf32, #tpu.memory_space<vmem>> -> memref<120x128xf32, #tpu.memory_space<vmem>>
        %dma_wait3A_519 = arith.constant 0 : i32
        %dma_wait3A_520 = tpu.memref_slice %arg8[%add3A_513, %dma_wait3A_519] : memref<16x120xi32, #tpu.memory_space<vmem>> -> memref<1x120xi32, #tpu.memory_space<vmem>>
        %dma_wait3A_521 = tpu.memref_squeeze %dma_wait3A_520 : memref<1x120xi32, #tpu.memory_space<vmem>> -> memref<120xi32, #tpu.memory_space<vmem>>
        %dma_wait3A_522 = arith.constant 0 : i32
        %dma_wait3A_523 = arith.constant 0 : i32
        %dma_wait3A_524 = tpu.memref_slice %arg10[%dma_wait3A_522, %dma_wait3A_523] : memref<5120x128xf32, #tpu.memory_space<vmem_shared>> -> memref<5120x128xf32, #tpu.memory_space<vmem_shared>>
        tpu.wait_indirect_dma semaphore(%arg18 : memref<!tpu.dma_semaphore, #tpu.memory_space<semaphore_mem>>) src(%dma_wait3A_518 : memref<120x128xf32, #tpu.memory_space<vmem>>) dst(%dma_wait3A_524 : memref<5120x128xf32, #tpu.memory_space<vmem_shared>>)
        %add3A_525 = arith.constant 4 : i32
        %add3A_526 = arith.addi %add3A_509, %add3A_525 : i32
        %lt3A_527 = arith.constant 168 : i32
        %lt3A_528 = arith.cmpi slt, %add3A_526, %lt3A_527 : i32
        %convert_element_type3A_529 = arith.extui %lt3A_528 : i1 to i32
        %cond3A_530 = arith.constant 0 : i32
        %cond3A_531 = arith.cmpi ne, %convert_element_type3A_529, %cond3A_530 : i32
        scf.if %cond3A_531 {
          %add3A_539 = arith.constant 4 : i32
          %add3A_540 = arith.addi %add3A_509, %add3A_539 : i32
          %dma_start3A_541 = arith.constant 3 : i32
          %dma_start3A_542 = arith.constant 0 : i32
          %dma_start3A_543 = arith.constant 0 : i32
          %dma_start3A_544 = tpu.memref_slice %arg9[%dma_start3A_541, %dma_start3A_542, %dma_start3A_543] : memref<4x120x128xf32, #tpu.memory_space<vmem>> -> memref<1x120x128xf32, #tpu.memory_space<vmem>>
          %dma_start3A_545 = tpu.memref_squeeze %dma_start3A_544 : memref<1x120x128xf32, #tpu.memory_space<vmem>> -> memref<120x128xf32, #tpu.memory_space<vmem>>
          %dma_start3A_546 = arith.constant 0 : i32
          %dma_start3A_547 = tpu.memref_slice %arg7[%add3A_540, %dma_start3A_546] : memref<168x120xi32, #tpu.memory_space<vmem>> -> memref<1x120xi32, #tpu.memory_space<vmem>>
          %dma_start3A_548 = tpu.memref_squeeze %dma_start3A_547 : memref<1x120xi32, #tpu.memory_space<vmem>> -> memref<120xi32, #tpu.memory_space<vmem>>
          %dma_start3A_549 = arith.constant 0 : i32
          %dma_start3A_550 = arith.constant 0 : i32
          %dma_start3A_551 = tpu.memref_slice %arg2[%dma_start3A_549, %dma_start3A_550] : memref<10240x128xf32, #tpu.memory_space<hbm>> -> memref<10240x128xf32, #tpu.memory_space<hbm>>
          tpu.enqueue_indirect_dma source(%dma_start3A_551 : memref<10240x128xf32, #tpu.memory_space<hbm>>) target(%dma_start3A_545 : memref<120x128xf32, #tpu.memory_space<vmem>>) offsets(%dma_start3A_548 : memref<120xi32, #tpu.memory_space<vmem>>) semaphore(%arg14 : memref<!tpu.dma_semaphore, #tpu.memory_space<semaphore_mem>>)
        } else {
        }
        %add3A_532 = arith.constant 16 : i32
        %add3A_533 = arith.addi %add3A_79, %add3A_532 : i32
        %lt3A_534 = arith.constant 168 : i32
        %lt3A_535 = arith.cmpi slt, %add3A_533, %lt3A_534 : i32
        %convert_element_type3A_536 = arith.extui %lt3A_535 : i1 to i32
        %cond3A_537 = arith.constant 0 : i32
        %cond3A_538 = arith.cmpi ne, %convert_element_type3A_536, %cond3A_537 : i32
        scf.if %cond3A_538 {
          %add3A_539 = arith.addi %mul3A_8, %add3A_79 : i32
          %add3A_540 = arith.constant 16 : i32
          %add3A_541 = arith.addi %add3A_539, %add3A_540 : i32
          %mul3A_542 = arith.constant 8 : i32
          %mul3A_543 = arith.muli %select_n3A_112, %mul3A_542 : i32
          %dma_start3A_544 = arith.constant 0 : i32
          %dma_start3A_545 = tpu.memref_slice %arg8[%mul3A_543, %dma_start3A_544] : memref<16x120xi32, #tpu.memory_space<vmem>> -> memref<8x120xi32, #tpu.memory_space<vmem>>
          %dma_start3A_546 = arith.constant 0 : i32
          %dma_start3A_547 = tpu.memref_slice %arg4[%add3A_541, %dma_start3A_546] : memref<2688x120xi32, #tpu.memory_space<hbm>> -> memref<8x120xi32, #tpu.memory_space<hbm>>
          %dma_start3A_548 = arith.constant 0 : i32
          %dma_start3A_549 = tpu.memref_slice %arg8[%mul3A_543, %dma_start3A_548] : memref<16x120xi32, #tpu.memory_space<vmem>> -> memref<8x120xi32, #tpu.memory_space<vmem>>
          %dma_start3A_550 = arith.constant 0 : i32
          %dma_start3A_551 = tpu.memref_slice %arg4[%add3A_541, %dma_start3A_550] : memref<2688x120xi32, #tpu.memory_space<hbm>> -> memref<8x120xi32, #tpu.memory_space<hbm>>
          tpu.enqueue_dma source(%dma_start3A_551 : memref<8x120xi32, #tpu.memory_space<hbm>>) target(%dma_start3A_549 : memref<8x120xi32, #tpu.memory_space<vmem>>) target_semaphore(%arg19 : memref<!tpu.dma_semaphore, #tpu.memory_space<semaphore_mem>>)
        } else {
        }
      }
      %scan3A_74 = arith.constant 21 : i32
    } else {
    }
    %barrier3A = arith.constant 0 : index
    tpu.barrier barrier_id(%barrier3A)
    %eq3A_2 = arith.constant 0 : i32
    %eq3A_3 = arith.cmpi eq, %arg0, %eq3A_2 : i32
    %lt3A = arith.constant 5 : i32
    %lt3A_4 = arith.cmpi slt, %arg1, %lt3A : i32
    %and3A = arith.andi %eq3A_3, %lt3A_4 : i1
    %convert_element_type3A_5 = arith.extui %and3A : i1 to i32
    %cond3A_6 = arith.constant 0 : i32
    %cond3A_7 = arith.cmpi ne, %convert_element_type3A_5, %cond3A_6 : i32
    scf.if %cond3A_7 {
      %mul3A = arith.constant 1000 : i32
      %mul3A_8 = arith.muli %arg1, %mul3A : i32
      %mul3A_9 = arith.constant 1000 : i32
      %mul3A_10 = arith.muli %arg1, %mul3A_9 : i32
      %run_scoped3A = arith.constant 0 : i32
      "tpu.region"() ({
        %run_scoped3A_11 = tpu.sem_alloc : memref<!tpu.dma_semaphore, #tpu.memory_space<semaphore_mem>>
        %dma_start3A = arith.constant 0 : i32
        %dma_start3A_12 = arith.constant 0 : i32
        %dma_start3A_13 = tpu.memref_slice %arg6[%run_scoped3A, %dma_start3A, %dma_start3A_12] : memref<1x5000x128xf32, #tpu.memory_space<hbm>> -> memref<1x5000x128xf32, #tpu.memory_space<hbm>>
        %dma_start3A_14 = tpu.memref_squeeze %dma_start3A_13 : memref<1x5000x128xf32, #tpu.memory_space<hbm>> -> memref<5000x128xf32, #tpu.memory_space<hbm>>
        %dma_start3A_15 = arith.constant 0 : i32
        %dma_start3A_16 = tpu.memref_slice %dma_start3A_14[%mul3A_10, %dma_start3A_15] : memref<5000x128xf32, #tpu.memory_space<hbm>> -> memref<1000x128xf32, #tpu.memory_space<hbm>>
        %dma_start3A_17 = arith.constant 0 : i32
        %dma_start3A_18 = tpu.memref_slice %arg10[%mul3A_8, %dma_start3A_17] : memref<5120x128xf32, #tpu.memory_space<vmem_shared>> -> memref<1000x128xf32, #tpu.memory_space<vmem_shared>>
        tpu.enqueue_dma source(%dma_start3A_18 : memref<1000x128xf32, #tpu.memory_space<vmem_shared>>) target(%dma_start3A_16 : memref<1000x128xf32, #tpu.memory_space<hbm>>) target_semaphore(%run_scoped3A_11 : memref<!tpu.dma_semaphore, #tpu.memory_space<semaphore_mem>>)
        %dma_wait3A = arith.constant 0 : i32
        %dma_wait3A_19 = arith.constant 0 : i32
        %dma_wait3A_20 = tpu.memref_slice %arg6[%run_scoped3A, %dma_wait3A, %dma_wait3A_19] : memref<1x5000x128xf32, #tpu.memory_space<hbm>> -> memref<1x5000x128xf32, #tpu.memory_space<hbm>>
        %dma_wait3A_21 = tpu.memref_squeeze %dma_wait3A_20 : memref<1x5000x128xf32, #tpu.memory_space<hbm>> -> memref<5000x128xf32, #tpu.memory_space<hbm>>
        %dma_wait3A_22 = arith.constant 0 : i32
        %dma_wait3A_23 = tpu.memref_slice %dma_wait3A_21[%mul3A_10, %dma_wait3A_22] : memref<5000x128xf32, #tpu.memory_space<hbm>> -> memref<1000x128xf32, #tpu.memory_space<hbm>>
        %dma_wait3A_24 = arith.constant 0 : i32
        %dma_wait3A_25 = tpu.memref_slice %arg10[%mul3A_8, %dma_wait3A_24] : memref<5120x128xf32, #tpu.memory_space<vmem_shared>> -> memref<1000x128xf32, #tpu.memory_space<vmem_shared>>
        tpu.wait_dma2 semaphore(%run_scoped3A_11 : memref<!tpu.dma_semaphore, #tpu.memory_space<semaphore_mem>>) src(%dma_wait3A_25 : memref<1000x128xf32, #tpu.memory_space<vmem_shared>>) dst(%dma_wait3A_23 : memref<1000x128xf32, #tpu.memory_space<hbm>>)
        tpu.yield
      }) : () -> ()
    } else {
    }
    return
  }
}

module attributes {stable_mosaic.version = 14 : i64} {
  func.func @body(%arg0: i32, %arg1: memref<1000x128xf32, #tpu.memory_space<vmem>>, %arg2: memref<128x128xf32, #tpu.memory_space<vmem>>, %arg3: memref<1x128xf32, #tpu.memory_space<vmem>>, %arg4: memref<128x128xf32, #tpu.memory_space<vmem>>, %arg5: memref<1x128xf32, #tpu.memory_space<vmem>>, %arg6: memref<128x128xf32, #tpu.memory_space<vmem>>, %arg7: memref<1x128xf32, #tpu.memory_space<vmem>>, %arg8: memref<1000x128xf32, #tpu.memory_space<vmem>>) attributes {dimension_semantics = [#tpu.dimension_semantics<arbitrary>], iteration_bounds = array<i64: 5>, scalar_prefetch = 0 : i64, scratch_operands = 0 : i64, tpu.core_type = #tpu.core_type<tc>, window_params = [{transform_indices = @transform_0, window_bounds = array<i64: 1000, 128>}, {pipeline_mode = #tpu.pipeline_mode<synchronous>, transform_indices = @transform_1, window_bounds = array<i64: 128, 128>}, {pipeline_mode = #tpu.pipeline_mode<synchronous>, transform_indices = @transform_2, window_bounds = array<i64: 1, 128>}, {pipeline_mode = #tpu.pipeline_mode<synchronous>, transform_indices = @transform_3, window_bounds = array<i64: 128, 128>}, {pipeline_mode = #tpu.pipeline_mode<synchronous>, transform_indices = @transform_4, window_bounds = array<i64: 1, 128>}, {pipeline_mode = #tpu.pipeline_mode<synchronous>, transform_indices = @transform_5, window_bounds = array<i64: 128, 128>}, {pipeline_mode = #tpu.pipeline_mode<synchronous>, transform_indices = @transform_6, window_bounds = array<i64: 1, 128>}, {transform_indices = @transform_7, window_bounds = array<i64: 1000, 128>}]} {
    %get3A = arith.constant 0 : index
    %get3A_0 = arith.constant 0 : index
    %get3A_1 = vector.load %arg1[%get3A, %get3A_0] : memref<1000x128xf32, #tpu.memory_space<vmem>>, vector<1000x128xf32>
    %get3A_2 = arith.constant 0 : index
    %get3A_3 = arith.constant 0 : index
    %get3A_4 = vector.load %arg2[%get3A_2, %get3A_3] : memref<128x128xf32, #tpu.memory_space<vmem>>, vector<128x128xf32>
    %dot_general3A = arith.constant dense<0.000000e+00> : vector<1000x128xf32>
    %dot_general3A_5 = tpu.matmul %get3A_1, %get3A_4, %dot_general3A {dimension_numbers = #tpu.dot_dimension_numbers<[1], [0], [0], [1], [0, 0, 1, 1], [], []>, transpose_lhs_hint = false} : vector<1000x128xf32>, vector<128x128xf32>, vector<1000x128xf32> -> vector<1000x128xf32>
    %get3A_6 = arith.constant 0 : index
    %get3A_7 = arith.constant 0 : index
    %get3A_8 = vector.load %arg3[%get3A_6, %get3A_7] : memref<1x128xf32, #tpu.memory_space<vmem>>, vector<1x128xf32>
    %add3A = vector.broadcast %get3A_8 : vector<1x128xf32> to vector<1000x128xf32>
    %add3A_9 = arith.addf %dot_general3A_5, %add3A : vector<1000x128xf32>
    %max3A = arith.constant 0.000000e+00 : f32
    %max3A_10 = vector.broadcast %max3A : f32 to vector<1000x128xf32>
    %max3A_11 = arith.maximumf %add3A_9, %max3A_10 : vector<1000x128xf32>
    %get3A_12 = arith.constant 0 : index
    %get3A_13 = arith.constant 0 : index
    %get3A_14 = vector.load %arg4[%get3A_12, %get3A_13] : memref<128x128xf32, #tpu.memory_space<vmem>>, vector<128x128xf32>
    %dot_general3A_15 = arith.constant dense<0.000000e+00> : vector<1000x128xf32>
    %dot_general3A_16 = tpu.matmul %max3A_11, %get3A_14, %dot_general3A_15 {dimension_numbers = #tpu.dot_dimension_numbers<[1], [0], [0], [1], [0, 0, 1, 1], [], []>, transpose_lhs_hint = false} : vector<1000x128xf32>, vector<128x128xf32>, vector<1000x128xf32> -> vector<1000x128xf32>
    %get3A_17 = arith.constant 0 : index
    %get3A_18 = arith.constant 0 : index
    %get3A_19 = vector.load %arg5[%get3A_17, %get3A_18] : memref<1x128xf32, #tpu.memory_space<vmem>>, vector<1x128xf32>
    %add3A_20 = vector.broadcast %get3A_19 : vector<1x128xf32> to vector<1000x128xf32>
    %add3A_21 = arith.addf %dot_general3A_16, %add3A_20 : vector<1000x128xf32>
    %max3A_22 = arith.constant 0.000000e+00 : f32
    %max3A_23 = vector.broadcast %max3A_22 : f32 to vector<1000x128xf32>
    %max3A_24 = arith.maximumf %add3A_21, %max3A_23 : vector<1000x128xf32>
    %get3A_25 = arith.constant 0 : index
    %get3A_26 = arith.constant 0 : index
    %get3A_27 = vector.load %arg6[%get3A_25, %get3A_26] : memref<128x128xf32, #tpu.memory_space<vmem>>, vector<128x128xf32>
    %dot_general3A_28 = arith.constant dense<0.000000e+00> : vector<1000x128xf32>
    %dot_general3A_29 = tpu.matmul %max3A_24, %get3A_27, %dot_general3A_28 {dimension_numbers = #tpu.dot_dimension_numbers<[1], [0], [0], [1], [0, 0, 1, 1], [], []>, transpose_lhs_hint = false} : vector<1000x128xf32>, vector<128x128xf32>, vector<1000x128xf32> -> vector<1000x128xf32>
    %get3A_30 = arith.constant 0 : index
    %get3A_31 = arith.constant 0 : index
    %get3A_32 = vector.load %arg7[%get3A_30, %get3A_31] : memref<1x128xf32, #tpu.memory_space<vmem>>, vector<1x128xf32>
    %add3A_33 = vector.broadcast %get3A_32 : vector<1x128xf32> to vector<1000x128xf32>
    %add3A_34 = arith.addf %dot_general3A_29, %add3A_33 : vector<1000x128xf32>
    %swap3A = arith.constant 0 : index
    %swap3A_35 = arith.constant 0 : index
    %swap3A_36 = vector.load %arg8[%swap3A, %swap3A_35] : memref<1000x128xf32, #tpu.memory_space<vmem>>, vector<1000x128xf32>
    tpu.vector_store %arg8[%swap3A, %swap3A_35], %add3A_34 {strides = array<i32>} : memref<1000x128xf32, #tpu.memory_space<vmem>>, vector<1000x128xf32>,
    return
  }
  func.func @transform_0(%arg0: i32) -> (i32, i32) {
    %c0_i32 = arith.constant 0 : i32
    %c0_i32_0 = arith.constant 0 : i32
    return %arg0, %c0_i32 : i32, i32
  }
  func.func @transform_1(%arg0: i32) -> (i32, i32) {
    %c0_i32 = arith.constant 0 : i32
    %c0_i32_0 = arith.constant 0 : i32
    %c0_i32_1 = arith.constant 0 : i32
    return %c0_i32, %c0_i32_0 : i32, i32
  }
  func.func @transform_2(%arg0: i32) -> (i32, i32) {
    %c0_i32 = arith.constant 0 : i32
    %c0_i32_0 = arith.constant 0 : i32
    %c0_i32_1 = arith.constant 0 : i32
    return %c0_i32, %c0_i32_0 : i32, i32
  }
  func.func @transform_3(%arg0: i32) -> (i32, i32) {
    %c0_i32 = arith.constant 0 : i32
    %c0_i32_0 = arith.constant 0 : i32
    %c0_i32_1 = arith.constant 0 : i32
    return %c0_i32, %c0_i32_0 : i32, i32
  }
  func.func @transform_4(%arg0: i32) -> (i32, i32) {
    %c0_i32 = arith.constant 0 : i32
    %c0_i32_0 = arith.constant 0 : i32
    %c0_i32_1 = arith.constant 0 : i32
    return %c0_i32, %c0_i32_0 : i32, i32
  }
  func.func @transform_5(%arg0: i32) -> (i32, i32) {
    %c0_i32 = arith.constant 0 : i32
    %c0_i32_0 = arith.constant 0 : i32
    %c0_i32_1 = arith.constant 0 : i32
    return %c0_i32, %c0_i32_0 : i32, i32
  }
  func.func @transform_6(%arg0: i32) -> (i32, i32) {
    %c0_i32 = arith.constant 0 : i32
    %c0_i32_0 = arith.constant 0 : i32
    %c0_i32_1 = arith.constant 0 : i32
    return %c0_i32, %c0_i32_0 : i32, i32
  }
  func.func @transform_7(%arg0: i32) -> (i32, i32) {
    %c0_i32 = arith.constant 0 : i32
    %c0_i32_0 = arith.constant 0 : i32
    return %arg0, %c0_i32 : i32, i32
  }
}

module attributes {stable_mosaic.version = 14 : i64} {
  func.func @body(%arg0: i32, %arg1: memref<1000x128xf32, #tpu.memory_space<vmem>>, %arg2: memref<1000x128xf32, #tpu.memory_space<vmem>>, %arg3: memref<128x128xf32, #tpu.memory_space<vmem>>, %arg4: memref<128x128xf32, #tpu.memory_space<vmem>>, %arg5: memref<1x128xf32, #tpu.memory_space<vmem>>, %arg6: memref<128x128xf32, #tpu.memory_space<vmem>>, %arg7: memref<1x128xf32, #tpu.memory_space<vmem>>, %arg8: memref<128x128xf32, #tpu.memory_space<vmem>>, %arg9: memref<1x128xf32, #tpu.memory_space<vmem>>, %arg10: memref<128x128xf32, #tpu.memory_space<vmem>>, %arg11: memref<1x128xf32, #tpu.memory_space<vmem>>, %arg12: memref<128x128xf32, #tpu.memory_space<vmem>>, %arg13: memref<1x128xf32, #tpu.memory_space<vmem>>, %arg14: memref<128x128xf32, #tpu.memory_space<vmem>>, %arg15: memref<1x128xf32, #tpu.memory_space<vmem>>, %arg16: memref<1000x128xf32, #tpu.memory_space<vmem>>, %arg17: memref<1000x128xf32, #tpu.memory_space<vmem>>) attributes {dimension_semantics = [#tpu.dimension_semantics<arbitrary>], iteration_bounds = array<i64: 5>, scalar_prefetch = 0 : i64, scratch_operands = 0 : i64, tpu.core_type = #tpu.core_type<tc>, window_params = [{transform_indices = @transform_0, window_bounds = array<i64: 1000, 128>}, {transform_indices = @transform_1, window_bounds = array<i64: 1000, 128>}, {pipeline_mode = #tpu.pipeline_mode<synchronous>, transform_indices = @transform_2, window_bounds = array<i64: 128, 128>}, {pipeline_mode = #tpu.pipeline_mode<synchronous>, transform_indices = @transform_3, window_bounds = array<i64: 128, 128>}, {pipeline_mode = #tpu.pipeline_mode<synchronous>, transform_indices = @transform_4, window_bounds = array<i64: 1, 128>}, {pipeline_mode = #tpu.pipeline_mode<synchronous>, transform_indices = @transform_5, window_bounds = array<i64: 128, 128>}, {pipeline_mode = #tpu.pipeline_mode<synchronous>, transform_indices = @transform_6, window_bounds = array<i64: 1, 128>}, {pipeline_mode = #tpu.pipeline_mode<synchronous>, transform_indices = @transform_7, window_bounds = array<i64: 128, 128>}, {pipeline_mode = #tpu.pipeline_mode<synchronous>, transform_indices = @transform_8, window_bounds = array<i64: 1, 128>}, {pipeline_mode = #tpu.pipeline_mode<synchronous>, transform_indices = @transform_9, window_bounds = array<i64: 128, 128>}, {pipeline_mode = #tpu.pipeline_mode<synchronous>, transform_indices = @transform_10, window_bounds = array<i64: 1, 128>}, {pipeline_mode = #tpu.pipeline_mode<synchronous>, transform_indices = @transform_11, window_bounds = array<i64: 128, 128>}, {pipeline_mode = #tpu.pipeline_mode<synchronous>, transform_indices = @transform_12, window_bounds = array<i64: 1, 128>}, {pipeline_mode = #tpu.pipeline_mode<synchronous>, transform_indices = @transform_13, window_bounds = array<i64: 128, 128>}, {pipeline_mode = #tpu.pipeline_mode<synchronous>, transform_indices = @transform_14, window_bounds = array<i64: 1, 128>}, {transform_indices = @transform_15, window_bounds = array<i64: 1000, 128>}, {transform_indices = @transform_16, window_bounds = array<i64: 1000, 128>}]} {
    %get3A = arith.constant 0 : index
    %get3A_0 = arith.constant 0 : index
    %get3A_1 = vector.load %arg1[%get3A, %get3A_0] : memref<1000x128xf32, #tpu.memory_space<vmem>>, vector<1000x128xf32>
    %get3A_2 = arith.constant 0 : index
    %get3A_3 = arith.constant 0 : index
    %get3A_4 = vector.load %arg3[%get3A_2, %get3A_3] : memref<128x128xf32, #tpu.memory_space<vmem>>, vector<128x128xf32>
    %dot_general3A = arith.constant dense<0.000000e+00> : vector<1000x128xf32>
    %dot_general3A_5 = tpu.matmul %get3A_1, %get3A_4, %dot_general3A {dimension_numbers = #tpu.dot_dimension_numbers<[1], [0], [0], [1], [0, 0, 1, 1], [], []>, transpose_lhs_hint = false} : vector<1000x128xf32>, vector<128x128xf32>, vector<1000x128xf32> -> vector<1000x128xf32>
    %get3A_6 = arith.constant 0 : index
    %get3A_7 = arith.constant 0 : index
    %get3A_8 = vector.load %arg2[%get3A_6, %get3A_7] : memref<1000x128xf32, #tpu.memory_space<vmem>>, vector<1000x128xf32>
    %get3A_9 = arith.constant 0 : index
    %get3A_10 = arith.constant 0 : index
    %get3A_11 = vector.load %arg4[%get3A_9, %get3A_10] : memref<128x128xf32, #tpu.memory_space<vmem>>, vector<128x128xf32>
    %dot_general3A_12 = arith.constant dense<0.000000e+00> : vector<1000x128xf32>
    %dot_general3A_13 = tpu.matmul %get3A_8, %get3A_11, %dot_general3A_12 {dimension_numbers = #tpu.dot_dimension_numbers<[1], [0], [0], [1], [0, 0, 1, 1], [], []>, transpose_lhs_hint = false} : vector<1000x128xf32>, vector<128x128xf32>, vector<1000x128xf32> -> vector<1000x128xf32>
    %add3A = arith.addf %dot_general3A_5, %dot_general3A_13 : vector<1000x128xf32>
    %get3A_14 = arith.constant 0 : index
    %get3A_15 = arith.constant 0 : index
    %get3A_16 = vector.load %arg5[%get3A_14, %get3A_15] : memref<1x128xf32, #tpu.memory_space<vmem>>, vector<1x128xf32>
    %add3A_17 = vector.broadcast %get3A_16 : vector<1x128xf32> to vector<1000x128xf32>
    %add3A_18 = arith.addf %add3A, %add3A_17 : vector<1000x128xf32>
    %max3A = arith.constant 0.000000e+00 : f32
    %max3A_19 = vector.broadcast %max3A : f32 to vector<1000x128xf32>
    %max3A_20 = arith.maximumf %add3A_18, %max3A_19 : vector<1000x128xf32>
    %get3A_21 = arith.constant 0 : index
    %get3A_22 = arith.constant 0 : index
    %get3A_23 = vector.load %arg6[%get3A_21, %get3A_22] : memref<128x128xf32, #tpu.memory_space<vmem>>, vector<128x128xf32>
    %dot_general3A_24 = arith.constant dense<0.000000e+00> : vector<1000x128xf32>
    %dot_general3A_25 = tpu.matmul %max3A_20, %get3A_23, %dot_general3A_24 {dimension_numbers = #tpu.dot_dimension_numbers<[1], [0], [0], [1], [0, 0, 1, 1], [], []>, transpose_lhs_hint = false} : vector<1000x128xf32>, vector<128x128xf32>, vector<1000x128xf32> -> vector<1000x128xf32>
    %get3A_26 = arith.constant 0 : index
    %get3A_27 = arith.constant 0 : index
    %get3A_28 = vector.load %arg7[%get3A_26, %get3A_27] : memref<1x128xf32, #tpu.memory_space<vmem>>, vector<1x128xf32>
    %add3A_29 = vector.broadcast %get3A_28 : vector<1x128xf32> to vector<1000x128xf32>
    %add3A_30 = arith.addf %dot_general3A_25, %add3A_29 : vector<1000x128xf32>
    %max3A_31 = arith.constant 0.000000e+00 : f32
    %max3A_32 = vector.broadcast %max3A_31 : f32 to vector<1000x128xf32>
    %max3A_33 = arith.maximumf %add3A_30, %max3A_32 : vector<1000x128xf32>
    %get3A_34 = arith.constant 0 : index
    %get3A_35 = arith.constant 0 : index
    %get3A_36 = vector.load %arg8[%get3A_34, %get3A_35] : memref<128x128xf32, #tpu.memory_space<vmem>>, vector<128x128xf32>
    %dot_general3A_37 = arith.constant dense<0.000000e+00> : vector<1000x128xf32>
    %dot_general3A_38 = tpu.matmul %max3A_33, %get3A_36, %dot_general3A_37 {dimension_numbers = #tpu.dot_dimension_numbers<[1], [0], [0], [1], [0, 0, 1, 1], [], []>, transpose_lhs_hint = false} : vector<1000x128xf32>, vector<128x128xf32>, vector<1000x128xf32> -> vector<1000x128xf32>
    %get3A_39 = arith.constant 0 : index
    %get3A_40 = arith.constant 0 : index
    %get3A_41 = vector.load %arg9[%get3A_39, %get3A_40] : memref<1x128xf32, #tpu.memory_space<vmem>>, vector<1x128xf32>
    %add3A_42 = vector.broadcast %get3A_41 : vector<1x128xf32> to vector<1000x128xf32>
    %add3A_43 = arith.addf %dot_general3A_38, %add3A_42 : vector<1000x128xf32>
    %swap3A = arith.constant 0 : index
    %swap3A_44 = arith.constant 0 : index
    %swap3A_45 = vector.load %arg16[%swap3A, %swap3A_44] : memref<1000x128xf32, #tpu.memory_space<vmem>>, vector<1000x128xf32>
    tpu.vector_store %arg16[%swap3A, %swap3A_44], %add3A_43 {strides = array<i32>} : memref<1000x128xf32, #tpu.memory_space<vmem>>, vector<1000x128xf32>,
    %get3A_46 = arith.constant 0 : index
    %get3A_47 = arith.constant 0 : index
    %get3A_48 = vector.load %arg10[%get3A_46, %get3A_47] : memref<128x128xf32, #tpu.memory_space<vmem>>, vector<128x128xf32>
    %dot_general3A_49 = arith.constant dense<0.000000e+00> : vector<1000x128xf32>
    %dot_general3A_50 = tpu.matmul %add3A_43, %get3A_48, %dot_general3A_49 {dimension_numbers = #tpu.dot_dimension_numbers<[1], [0], [0], [1], [0, 0, 1, 1], [], []>, transpose_lhs_hint = false} : vector<1000x128xf32>, vector<128x128xf32>, vector<1000x128xf32> -> vector<1000x128xf32>
    %get3A_51 = arith.constant 0 : index
    %get3A_52 = arith.constant 0 : index
    %get3A_53 = vector.load %arg11[%get3A_51, %get3A_52] : memref<1x128xf32, #tpu.memory_space<vmem>>, vector<1x128xf32>
    %add3A_54 = vector.broadcast %get3A_53 : vector<1x128xf32> to vector<1000x128xf32>
    %add3A_55 = arith.addf %dot_general3A_50, %add3A_54 : vector<1000x128xf32>
    %max3A_56 = arith.constant 0.000000e+00 : f32
    %max3A_57 = vector.broadcast %max3A_56 : f32 to vector<1000x128xf32>
    %max3A_58 = arith.maximumf %add3A_55, %max3A_57 : vector<1000x128xf32>
    %get3A_59 = arith.constant 0 : index
    %get3A_60 = arith.constant 0 : index
    %get3A_61 = vector.load %arg12[%get3A_59, %get3A_60] : memref<128x128xf32, #tpu.memory_space<vmem>>, vector<128x128xf32>
    %dot_general3A_62 = arith.constant dense<0.000000e+00> : vector<1000x128xf32>
    %dot_general3A_63 = tpu.matmul %max3A_58, %get3A_61, %dot_general3A_62 {dimension_numbers = #tpu.dot_dimension_numbers<[1], [0], [0], [1], [0, 0, 1, 1], [], []>, transpose_lhs_hint = false} : vector<1000x128xf32>, vector<128x128xf32>, vector<1000x128xf32> -> vector<1000x128xf32>
    %get3A_64 = arith.constant 0 : index
    %get3A_65 = arith.constant 0 : index
    %get3A_66 = vector.load %arg13[%get3A_64, %get3A_65] : memref<1x128xf32, #tpu.memory_space<vmem>>, vector<1x128xf32>
    %add3A_67 = vector.broadcast %get3A_66 : vector<1x128xf32> to vector<1000x128xf32>
    %add3A_68 = arith.addf %dot_general3A_63, %add3A_67 : vector<1000x128xf32>
    %max3A_69 = arith.constant 0.000000e+00 : f32
    %max3A_70 = vector.broadcast %max3A_69 : f32 to vector<1000x128xf32>
    %max3A_71 = arith.maximumf %add3A_68, %max3A_70 : vector<1000x128xf32>
    %get3A_72 = arith.constant 0 : index
    %get3A_73 = arith.constant 0 : index
    %get3A_74 = vector.load %arg14[%get3A_72, %get3A_73] : memref<128x128xf32, #tpu.memory_space<vmem>>, vector<128x128xf32>
    %dot_general3A_75 = arith.constant dense<0.000000e+00> : vector<1000x128xf32>
    %dot_general3A_76 = tpu.matmul %max3A_71, %get3A_74, %dot_general3A_75 {dimension_numbers = #tpu.dot_dimension_numbers<[1], [0], [0], [1], [0, 0, 1, 1], [], []>, transpose_lhs_hint = false} : vector<1000x128xf32>, vector<128x128xf32>, vector<1000x128xf32> -> vector<1000x128xf32>
    %get3A_77 = arith.constant 0 : index
    %get3A_78 = arith.constant 0 : index
    %get3A_79 = vector.load %arg15[%get3A_77, %get3A_78] : memref<1x128xf32, #tpu.memory_space<vmem>>, vector<1x128xf32>
    %add3A_80 = vector.broadcast %get3A_79 : vector<1x128xf32> to vector<1000x128xf32>
    %add3A_81 = arith.addf %dot_general3A_76, %add3A_80 : vector<1000x128xf32>
    %swap3A_82 = arith.constant 0 : index
    %swap3A_83 = arith.constant 0 : index
    %swap3A_84 = vector.load %arg17[%swap3A_82, %swap3A_83] : memref<1000x128xf32, #tpu.memory_space<vmem>>, vector<1000x128xf32>
    tpu.vector_store %arg17[%swap3A_82, %swap3A_83], %add3A_81 {strides = array<i32>} : memref<1000x128xf32, #tpu.memory_space<vmem>>, vector<1000x128xf32>,
    return
  }
  func.func @transform_0(%arg0: i32) -> (i32, i32) {
    %c0_i32 = arith.constant 0 : i32
    %c0_i32_0 = arith.constant 0 : i32
    return %arg0, %c0_i32 : i32, i32
  }
  func.func @transform_1(%arg0: i32) -> (i32, i32) {
    %c0_i32 = arith.constant 0 : i32
    %c0_i32_0 = arith.constant 0 : i32
    return %arg0, %c0_i32 : i32, i32
  }
  func.func @transform_2(%arg0: i32) -> (i32, i32) {
    %c0_i32 = arith.constant 0 : i32
    %c0_i32_0 = arith.constant 0 : i32
    %c0_i32_1 = arith.constant 0 : i32
    return %c0_i32, %c0_i32_0 : i32, i32
  }
  func.func @transform_3(%arg0: i32) -> (i32, i32) {
    %c0_i32 = arith.constant 0 : i32
    %c0_i32_0 = arith.constant 0 : i32
    %c0_i32_1 = arith.constant 0 : i32
    return %c0_i32, %c0_i32_0 : i32, i32
  }
  func.func @transform_4(%arg0: i32) -> (i32, i32) {
    %c0_i32 = arith.constant 0 : i32
    %c0_i32_0 = arith.constant 0 : i32
    %c0_i32_1 = arith.constant 0 : i32
    return %c0_i32, %c0_i32_0 : i32, i32
  }
  func.func @transform_5(%arg0: i32) -> (i32, i32) {
    %c0_i32 = arith.constant 0 : i32
    %c0_i32_0 = arith.constant 0 : i32
    %c0_i32_1 = arith.constant 0 : i32
    return %c0_i32, %c0_i32_0 : i32, i32
  }
  func.func @transform_6(%arg0: i32) -> (i32, i32) {
    %c0_i32 = arith.constant 0 : i32
    %c0_i32_0 = arith.constant 0 : i32
    %c0_i32_1 = arith.constant 0 : i32
    return %c0_i32, %c0_i32_0 : i32, i32
  }
  func.func @transform_7(%arg0: i32) -> (i32, i32) {
    %c0_i32 = arith.constant 0 : i32
    %c0_i32_0 = arith.constant 0 : i32
    %c0_i32_1 = arith.constant 0 : i32
    return %c0_i32, %c0_i32_0 : i32, i32
  }
  func.func @transform_8(%arg0: i32) -> (i32, i32) {
    %c0_i32 = arith.constant 0 : i32
    %c0_i32_0 = arith.constant 0 : i32
    %c0_i32_1 = arith.constant 0 : i32
    return %c0_i32, %c0_i32_0 : i32, i32
  }
  func.func @transform_9(%arg0: i32) -> (i32, i32) {
    %c0_i32 = arith.constant 0 : i32
    %c0_i32_0 = arith.constant 0 : i32
    %c0_i32_1 = arith.constant 0 : i32
    return %c0_i32, %c0_i32_0 : i32, i32
  }
  func.func @transform_10(%arg0: i32) -> (i32, i32) {
    %c0_i32 = arith.constant 0 : i32
    %c0_i32_0 = arith.constant 0 : i32
    %c0_i32_1 = arith.constant 0 : i32
    return %c0_i32, %c0_i32_0 : i32, i32
  }
  func.func @transform_11(%arg0: i32) -> (i32, i32) {
    %c0_i32 = arith.constant 0 : i32
    %c0_i32_0 = arith.constant 0 : i32
    %c0_i32_1 = arith.constant 0 : i32
    return %c0_i32, %c0_i32_0 : i32, i32
  }
  func.func @transform_12(%arg0: i32) -> (i32, i32) {
    %c0_i32 = arith.constant 0 : i32
    %c0_i32_0 = arith.constant 0 : i32
    %c0_i32_1 = arith.constant 0 : i32
    return %c0_i32, %c0_i32_0 : i32, i32
  }
  func.func @transform_13(%arg0: i32) -> (i32, i32) {
    %c0_i32 = arith.constant 0 : i32
    %c0_i32_0 = arith.constant 0 : i32
    %c0_i32_1 = arith.constant 0 : i32
    return %c0_i32, %c0_i32_0 : i32, i32
  }
  func.func @transform_14(%arg0: i32) -> (i32, i32) {
    %c0_i32 = arith.constant 0 : i32
    %c0_i32_0 = arith.constant 0 : i32
    %c0_i32_1 = arith.constant 0 : i32
    return %c0_i32, %c0_i32_0 : i32, i32
  }
  func.func @transform_15(%arg0: i32) -> (i32, i32) {
    %c0_i32 = arith.constant 0 : i32
    %c0_i32_0 = arith.constant 0 : i32
    return %arg0, %c0_i32 : i32, i32
  }
  func.func @transform_16(%arg0: i32) -> (i32, i32) {
    %c0_i32 = arith.constant 0 : i32
    %c0_i32_0 = arith.constant 0 : i32
    return %arg0, %c0_i32 : i32, i32
  }
}

module attributes {stable_mosaic.version = 14 : i64} {
  func.func @body(%arg0: i32, %arg1: memref<1x2500x128xf32, #tpu.memory_space<vmem>>, %arg2: memref<1x2500x128xf32, #tpu.memory_space<vmem>>, %arg3: memref<1x2500x128xf32, #tpu.memory_space<vmem>>, %arg4: memref<128x128xf32, #tpu.memory_space<vmem>>, %arg5: memref<128x128xf32, #tpu.memory_space<vmem>>, %arg6: memref<128x128xf32, #tpu.memory_space<vmem>>, %arg7: memref<1x128xf32, #tpu.memory_space<vmem>>, %arg8: memref<128x128xf32, #tpu.memory_space<vmem>>, %arg9: memref<1x128xf32, #tpu.memory_space<vmem>>, %arg10: memref<128x128xf32, #tpu.memory_space<vmem>>, %arg11: memref<1x128xf32, #tpu.memory_space<vmem>>, %arg12: memref<1x2500x128xf32, #tpu.memory_space<vmem>>) attributes {dimension_semantics = [#tpu.dimension_semantics<arbitrary>], iteration_bounds = array<i64: 2>, scalar_prefetch = 0 : i64, scratch_operands = 0 : i64, tpu.core_type = #tpu.core_type<tc>, window_params = [{transform_indices = @transform_0, window_bounds = array<i64: 1, 2500, 128>}, {transform_indices = @transform_1, window_bounds = array<i64: 1, 2500, 128>}, {transform_indices = @transform_2, window_bounds = array<i64: 1, 2500, 128>}, {pipeline_mode = #tpu.pipeline_mode<synchronous>, transform_indices = @transform_3, window_bounds = array<i64: 128, 128>}, {pipeline_mode = #tpu.pipeline_mode<synchronous>, transform_indices = @transform_4, window_bounds = array<i64: 128, 128>}, {pipeline_mode = #tpu.pipeline_mode<synchronous>, transform_indices = @transform_5, window_bounds = array<i64: 128, 128>}, {pipeline_mode = #tpu.pipeline_mode<synchronous>, transform_indices = @transform_6, window_bounds = array<i64: 1, 128>}, {pipeline_mode = #tpu.pipeline_mode<synchronous>, transform_indices = @transform_7, window_bounds = array<i64: 128, 128>}, {pipeline_mode = #tpu.pipeline_mode<synchronous>, transform_indices = @transform_8, window_bounds = array<i64: 1, 128>}, {pipeline_mode = #tpu.pipeline_mode<synchronous>, transform_indices = @transform_9, window_bounds = array<i64: 128, 128>}, {pipeline_mode = #tpu.pipeline_mode<synchronous>, transform_indices = @transform_10, window_bounds = array<i64: 1, 128>}, {transform_indices = @transform_11, window_bounds = array<i64: 1, 2500, 128>}]} {
    %get3A = arith.constant 0 : index
    %get3A_0 = arith.constant 0 : index
    %get3A_1 = arith.constant 0 : index
    %get3A_2 = vector.load %arg1[%get3A, %get3A_0, %get3A_1] : memref<1x2500x128xf32, #tpu.memory_space<vmem>>, vector<1x2500x128xf32>
    %get3A_3 = vector.shape_cast %get3A_2 : vector<1x2500x128xf32> to vector<2500x128xf32>
    %get3A_4 = arith.constant 0 : index
    %get3A_5 = arith.constant 0 : index
    %get3A_6 = vector.load %arg4[%get3A_4, %get3A_5] : memref<128x128xf32, #tpu.memory_space<vmem>>, vector<128x128xf32>
    %dot_general3A = arith.constant dense<0.000000e+00> : vector<2500x128xf32>
    %dot_general3A_7 = tpu.matmul %get3A_3, %get3A_6, %dot_general3A {dimension_numbers = #tpu.dot_dimension_numbers<[1], [0], [0], [1], [0, 0, 1, 1], [], []>, transpose_lhs_hint = false} : vector<2500x128xf32>, vector<128x128xf32>, vector<2500x128xf32> -> vector<2500x128xf32>
    %get3A_8 = arith.constant 0 : index
    %get3A_9 = arith.constant 0 : index
    %get3A_10 = arith.constant 0 : index
    %get3A_11 = vector.load %arg2[%get3A_8, %get3A_9, %get3A_10] : memref<1x2500x128xf32, #tpu.memory_space<vmem>>, vector<1x2500x128xf32>
    %get3A_12 = vector.shape_cast %get3A_11 : vector<1x2500x128xf32> to vector<2500x128xf32>
    %get3A_13 = arith.constant 0 : index
    %get3A_14 = arith.constant 0 : index
    %get3A_15 = vector.load %arg5[%get3A_13, %get3A_14] : memref<128x128xf32, #tpu.memory_space<vmem>>, vector<128x128xf32>
    %dot_general3A_16 = arith.constant dense<0.000000e+00> : vector<2500x128xf32>
    %dot_general3A_17 = tpu.matmul %get3A_12, %get3A_15, %dot_general3A_16 {dimension_numbers = #tpu.dot_dimension_numbers<[1], [0], [0], [1], [0, 0, 1, 1], [], []>, transpose_lhs_hint = false} : vector<2500x128xf32>, vector<128x128xf32>, vector<2500x128xf32> -> vector<2500x128xf32>
    %add3A = arith.addf %dot_general3A_7, %dot_general3A_17 : vector<2500x128xf32>
    %get3A_18 = arith.constant 0 : index
    %get3A_19 = arith.constant 0 : index
    %get3A_20 = arith.constant 0 : index
    %get3A_21 = vector.load %arg3[%get3A_18, %get3A_19, %get3A_20] : memref<1x2500x128xf32, #tpu.memory_space<vmem>>, vector<1x2500x128xf32>
    %get3A_22 = vector.shape_cast %get3A_21 : vector<1x2500x128xf32> to vector<2500x128xf32>
    %get3A_23 = arith.constant 0 : index
    %get3A_24 = arith.constant 0 : index
    %get3A_25 = vector.load %arg6[%get3A_23, %get3A_24] : memref<128x128xf32, #tpu.memory_space<vmem>>, vector<128x128xf32>
    %dot_general3A_26 = arith.constant dense<0.000000e+00> : vector<2500x128xf32>
    %dot_general3A_27 = tpu.matmul %get3A_22, %get3A_25, %dot_general3A_26 {dimension_numbers = #tpu.dot_dimension_numbers<[1], [0], [0], [1], [0, 0, 1, 1], [], []>, transpose_lhs_hint = false} : vector<2500x128xf32>, vector<128x128xf32>, vector<2500x128xf32> -> vector<2500x128xf32>
    %add3A_28 = arith.addf %add3A, %dot_general3A_27 : vector<2500x128xf32>
    %get3A_29 = arith.constant 0 : index
    %get3A_30 = arith.constant 0 : index
    %get3A_31 = vector.load %arg7[%get3A_29, %get3A_30] : memref<1x128xf32, #tpu.memory_space<vmem>>, vector<1x128xf32>
    %add3A_32 = vector.broadcast %get3A_31 : vector<1x128xf32> to vector<2500x128xf32>
    %add3A_33 = arith.addf %add3A_28, %add3A_32 : vector<2500x128xf32>
    %max3A = arith.constant 0.000000e+00 : f32
    %max3A_34 = vector.broadcast %max3A : f32 to vector<2500x128xf32>
    %max3A_35 = arith.maximumf %add3A_33, %max3A_34 : vector<2500x128xf32>
    %get3A_36 = arith.constant 0 : index
    %get3A_37 = arith.constant 0 : index
    %get3A_38 = vector.load %arg8[%get3A_36, %get3A_37] : memref<128x128xf32, #tpu.memory_space<vmem>>, vector<128x128xf32>
    %dot_general3A_39 = arith.constant dense<0.000000e+00> : vector<2500x128xf32>
    %dot_general3A_40 = tpu.matmul %max3A_35, %get3A_38, %dot_general3A_39 {dimension_numbers = #tpu.dot_dimension_numbers<[1], [0], [0], [1], [0, 0, 1, 1], [], []>, transpose_lhs_hint = false} : vector<2500x128xf32>, vector<128x128xf32>, vector<2500x128xf32> -> vector<2500x128xf32>
    %get3A_41 = arith.constant 0 : index
    %get3A_42 = arith.constant 0 : index
    %get3A_43 = vector.load %arg9[%get3A_41, %get3A_42] : memref<1x128xf32, #tpu.memory_space<vmem>>, vector<1x128xf32>
    %add3A_44 = vector.broadcast %get3A_43 : vector<1x128xf32> to vector<2500x128xf32>
    %add3A_45 = arith.addf %dot_general3A_40, %add3A_44 : vector<2500x128xf32>
    %max3A_46 = arith.constant 0.000000e+00 : f32
    %max3A_47 = vector.broadcast %max3A_46 : f32 to vector<2500x128xf32>
    %max3A_48 = arith.maximumf %add3A_45, %max3A_47 : vector<2500x128xf32>
    %get3A_49 = arith.constant 0 : index
    %get3A_50 = arith.constant 0 : index
    %get3A_51 = vector.load %arg10[%get3A_49, %get3A_50] : memref<128x128xf32, #tpu.memory_space<vmem>>, vector<128x128xf32>
    %dot_general3A_52 = arith.constant dense<0.000000e+00> : vector<2500x128xf32>
    %dot_general3A_53 = tpu.matmul %max3A_48, %get3A_51, %dot_general3A_52 {dimension_numbers = #tpu.dot_dimension_numbers<[1], [0], [0], [1], [0, 0, 1, 1], [], []>, transpose_lhs_hint = false} : vector<2500x128xf32>, vector<128x128xf32>, vector<2500x128xf32> -> vector<2500x128xf32>
    %get3A_54 = arith.constant 0 : index
    %get3A_55 = arith.constant 0 : index
    %get3A_56 = vector.load %arg11[%get3A_54, %get3A_55] : memref<1x128xf32, #tpu.memory_space<vmem>>, vector<1x128xf32>
    %add3A_57 = vector.broadcast %get3A_56 : vector<1x128xf32> to vector<2500x128xf32>
    %add3A_58 = arith.addf %dot_general3A_53, %add3A_57 : vector<2500x128xf32>
    %swap3A = arith.constant 0 : index
    %swap3A_59 = arith.constant 0 : index
    %swap3A_60 = arith.constant 0 : index
    %swap3A_61 = vector.load %arg12[%swap3A, %swap3A_59, %swap3A_60] : memref<1x2500x128xf32, #tpu.memory_space<vmem>>, vector<1x2500x128xf32>
    %swap3A_62 = vector.shape_cast %swap3A_61 : vector<1x2500x128xf32> to vector<2500x128xf32>
    %swap3A_63 = vector.shape_cast %add3A_58 : vector<2500x128xf32> to vector<1x2500x128xf32>
    tpu.vector_store %arg12[%swap3A, %swap3A_59, %swap3A_60], %swap3A_63 {strides = array<i32>} : memref<1x2500x128xf32, #tpu.memory_space<vmem>>, vector<1x2500x128xf32>,
    return
  }
  func.func @transform_0(%arg0: i32) -> (i32, i32, i32) {
    %c0_i32 = arith.constant 0 : i32
    %c0_i32_0 = arith.constant 0 : i32
    %c0_i32_1 = arith.constant 0 : i32
    return %arg0, %c0_i32, %c0_i32_0 : i32, i32, i32
  }
  func.func @transform_1(%arg0: i32) -> (i32, i32, i32) {
    %c0_i32 = arith.constant 0 : i32
    %c0_i32_0 = arith.constant 0 : i32
    %c0_i32_1 = arith.constant 0 : i32
    return %arg0, %c0_i32, %c0_i32_0 : i32, i32, i32
  }
  func.func @transform_2(%arg0: i32) -> (i32, i32, i32) {
    %add3A = arith.constant 1 : i32
    %add3A_0 = arith.addi %arg0, %add3A : i32
    %jit3A = arith.constant 2 : i32
    %eq3A = arith.constant 0 : i32
    %eq3A_1 = arith.cmpi eq, %jit3A, %eq3A : i32
    %jit3A_2 = arith.constant 1 : i32
    %select_n3A = arith.select %eq3A_1, %jit3A_2, %jit3A : i32
    %rem3A = arith.remsi %add3A_0, %select_n3A : i32
    %ne3A = arith.constant 0 : i32
    %ne3A_3 = arith.cmpi ne, %rem3A, %ne3A : i32
    %lt3A = arith.constant 0 : i32
    %lt3A_4 = arith.cmpi slt, %rem3A, %lt3A : i32
    %lt3A_5 = arith.constant 0 : i32
    %lt3A_6 = arith.cmpi slt, %select_n3A, %lt3A_5 : i32
    %ne3A_7 = arith.xori %lt3A_4, %lt3A_6 : i1
    %and3A = arith.andi %ne3A_7, %ne3A_3 : i1
    %add3A_8 = arith.addi %rem3A, %select_n3A : i32
    %select_n3A_9 = arith.select %and3A, %add3A_8, %rem3A : i32
    %c0_i32 = arith.constant 0 : i32
    %c0_i32_10 = arith.constant 0 : i32
    %c0_i32_11 = arith.constant 0 : i32
    return %select_n3A_9, %c0_i32, %c0_i32_10 : i32, i32, i32
  }
  func.func @transform_3(%arg0: i32) -> (i32, i32) {
    %c0_i32 = arith.constant 0 : i32
    %c0_i32_0 = arith.constant 0 : i32
    %c0_i32_1 = arith.constant 0 : i32
    return %c0_i32, %c0_i32_0 : i32, i32
  }
  func.func @transform_4(%arg0: i32) -> (i32, i32) {
    %c0_i32 = arith.constant 0 : i32
    %c0_i32_0 = arith.constant 0 : i32
    %c0_i32_1 = arith.constant 0 : i32
    return %c0_i32, %c0_i32_0 : i32, i32
  }
  func.func @transform_5(%arg0: i32) -> (i32, i32) {
    %c0_i32 = arith.constant 0 : i32
    %c0_i32_0 = arith.constant 0 : i32
    %c0_i32_1 = arith.constant 0 : i32
    return %c0_i32, %c0_i32_0 : i32, i32
  }
  func.func @transform_6(%arg0: i32) -> (i32, i32) {
    %c0_i32 = arith.constant 0 : i32
    %c0_i32_0 = arith.constant 0 : i32
    %c0_i32_1 = arith.constant 0 : i32
    return %c0_i32, %c0_i32_0 : i32, i32
  }
  func.func @transform_7(%arg0: i32) -> (i32, i32) {
    %c0_i32 = arith.constant 0 : i32
    %c0_i32_0 = arith.constant 0 : i32
    %c0_i32_1 = arith.constant 0 : i32
    return %c0_i32, %c0_i32_0 : i32, i32
  }
  func.func @transform_8(%arg0: i32) -> (i32, i32) {
    %c0_i32 = arith.constant 0 : i32
    %c0_i32_0 = arith.constant 0 : i32
    %c0_i32_1 = arith.constant 0 : i32
    return %c0_i32, %c0_i32_0 : i32, i32
  }
  func.func @transform_9(%arg0: i32) -> (i32, i32) {
    %c0_i32 = arith.constant 0 : i32
    %c0_i32_0 = arith.constant 0 : i32
    %c0_i32_1 = arith.constant 0 : i32
    return %c0_i32, %c0_i32_0 : i32, i32
  }
  func.func @transform_10(%arg0: i32) -> (i32, i32) {
    %c0_i32 = arith.constant 0 : i32
    %c0_i32_0 = arith.constant 0 : i32
    %c0_i32_1 = arith.constant 0 : i32
    return %c0_i32, %c0_i32_0 : i32, i32
  }
  func.func @transform_11(%arg0: i32) -> (i32, i32, i32) {
    %c0_i32 = arith.constant 0 : i32
    %c0_i32_0 = arith.constant 0 : i32
    %c0_i32_1 = arith.constant 0 : i32
    return %arg0, %c0_i32, %c0_i32_0 : i32, i32, i32
  }
}

</mosaic_0001>

<sc_bundles>
// kernel: kernel.10.cloned.1.call-start
scs
__scs_entry_jumppad:
0x0: {  	(pc) =	sbr.rel $0x88, $3  }
0x1: {  	(tag) =	ssettag $0x0;
	lr =	simm.s32 $0x1  }
0x2: {  	[smem:$0x3F87] =	sst lr;
	_ =	strace $0xD0000000  }
0x3: {  	_ = 	snop  }
0x4: {  	_ = 	snop  }
0x5: {  	_ = 	snop  }
0x6: {  	_ = 	snop  }
0x7: {  	_ = 	snop  }
__scs_overlays_trampoline_lowered:
0x8: {  	[smem:$0x3F96] =	sst s0  }
0x9: {  	[smem:$0x3F97] =	sst s1  }
0xa: {  	[smem:$0x3F98] =	sst s2  }
0xb: {  	[smem:$0x3F99] =	sst s3  }
0xc: {  	[smem:$0x3F9A] =	sst s4  }
0xd: {  	[smem:$0x3F9B] =	sst s5  }
0xe: {  	[smem:$0x3F9C] =	sst s6  }
0xf: {  	[smem:$0x3F9D] =	sst s7  }
0x10: {  	[smem:$0x3F9E] =	sst s8  }
0x11: {  	[smem:$0x3F9F] =	sst s9;
	s0 =	simm.s32 @!p0 $0x0  }
0x12: {  	s1 =	sld [smem:$0x3F85];
	s0 =	simm.s32 @p0 $0x1  }
0x13: {  	[smem:$0x3FA0] =	sst s0;
	s0 =	simm.s32 @!p1 $0x0  }
0x14: {  	s2 =	sld [smem:$0x3F84];
	s0 =	simm.s32 @p1 $0x1  }
0x15: {  	[smem:$0x3FA1] =	sst s0;
	s0 =	simm.s32 @!p2 $0x0  }
0x16: {  	s3 =	sld [smem:$0x3FDB];
	s0 =	simm.s32 @p2 $0x1  }
0x17: {  	s4 =	simm.s32 $0x1BF5;
	[smem:$0x3FA3] =	sst s0  }
0x18: {  	s0 =	sld [smem:$0x3F86];
	_ =	swait.ge [sflag:s4], $0x0  }
0x19: {  	s7 =	sld [smem:$0x3F87]  }
0x1a: {  	s8 =	sadd.s32 $0xFFFFE003, lr  }
0x1b: {  	s9 =	sadd.s32 $0xFFFFFEF7, lr;
	s5 =	simm.s32 $0xFFFFFFFF;
	p2 =	slt.u32 s8, $0xFFFFF086  }
0x1c: {  	p1 =	slt.u32 s9, $0xF7A;
	s5 =	simm.s32 @!p2 $0x0  }
0x1d: {  	s5 =	simm.s32 @p1 $0x1;
	p0 =	seq.s32 s7, s2  }
0x1e: {  	s7 =	smul.u32 @!p0 $0xF7A, s2;
	p2 =	seq.s32 @!p0 s5, $0x0  }
0x1f: {  	s9 =	smul.u32 $0xF7A, s1;
	s8 =	simm.s32 @!p0 $0x1BF5;
	p2 =	por !p2, p0  }
0x20: {  	[sflag:s8] =	ssyncset.s32 @!p0 $0xFFFFF086;
	s6 =	sadd.s32 @!p0 s3, s7;
	s7 =	simm.s32 @!p0 $0x108  }
0x21: {  	s3 =	sadd.s32 s3, s9;
	s6 =	sadd.s32 @!p0 $0x88, s6;
	s7 =	simm.s32 @p2 $0x1082  }
0x22: {  	[simem:s7], [sflag:s8] =	dma.local @!p0 [hbm:s6], $0xF7A  }
0x23: {  	s9 =	sor.u32 $0xD0000000, s2;
	s6 =	simm.s32 $0x108;
	_ =	swait.ge @!p0 [sflag:s8], $0x0  }
0x24: {  	s3 =	sadd.s32 $0x88, s3;
	s6 =	simm.s32 @!p1 $0x1082;
	[sflag:s4] =	ssyncset.s32 $0xFFFFF086  }
0x25: {  	[simem:s6], [sflag:s4] =	dma.local [hbm:s3], $0xF7A  }
0x26: {  	[smem:$0x3F87] =	sst s1;
	(tag) =	ssettag s2;
	_ =	strace s9  }
0x27: {  	s1 =	sld [smem:$0x3F97]  }
0x28: {  	s2 =	sld [smem:$0x3F98]  }
0x29: {  	s4 =	sld [smem:$0x3F9A]  }
0x2a: {  	p0 =	seq.s32 s5, $0x0;
	s5 =	sld [smem:$0x3F9B]  }
0x2b: {  	s6 =	sld [smem:$0x3F9C]  }
0x2c: {  	s7 =	sld [smem:$0x3F9D]  }
0x2d: {  	s3 =	simm.s32 $0x108;
	s8 =	sld [smem:$0x3F9E]  }
0x2e: {  	s3 =	simm.s32 @!p0 $0x1082;
	s9 =	sld [smem:$0x3F9F]  }
0x2f: {  	lr =	sadd.s32 s0, s3;
	s0 =	sld [smem:$0x3F96]  }
0x30: {  	s3 =	sld [smem:$0x3F99]  }
0x31: {  	[smem:$0x3FA2] =	sst s10  }
0x32: {  	s10 =	sld [smem:$0x3FA0];
	_ =	sdelay $0x3  }
0x33: {  	p0 =	seq.s32 s10, $0x1;
	s10 =	sld [smem:$0x3FA2];
	_ =	sdelay $0x3  }
0x34: {  	[smem:$0x3FA2] =	sst s10  }
0x35: {  	s10 =	sld [smem:$0x3FA1];
	_ =	sdelay $0x3  }
0x36: {  	p1 =	seq.s32 s10, $0x1;
	s10 =	sld [smem:$0x3FA2];
	_ =	sdelay $0x3  }
0x37: {  	[smem:$0x3FA2] =	sst s10  }
0x38: {  	s10 =	sld [smem:$0x3FA3]  }
0x39: {  	_ = 	snop;
	(pc) =	sbr.ind lr, $3  }
0x3a: {  	_ = 	snop  }
0x3b: {  	_ = 	snop  }
0x3c: {  	p2 =	seq.s32 s10, $0x1;
	s10 =	sld [smem:$0x3FA2]  }
0x3d: {  	_ =	shalt  }
0x3e: {  	_ =	shalt  }
0x3f: {  	_ =	shalt  }
0x40: {  	_ =	shalt  }
0x41: {  	_ =	shalt  }
0x42: {  	_ =	shalt  }
0x43: {  	_ =	shalt  }
0x44: {  	_ =	shalt  }
0x45: {  	_ =	shalt  }
0x46: {  	_ =	shalt  }
0x47: {  	_ =	shalt  }
0x48: {  	_ =	shalt  }
0x49: {  	_ =	shalt  }
0x4a: {  	_ =	shalt  }
0x4b: {  	_ =	shalt  }
0x4c: {  	_ =	shalt  }
0x4d: {  	_ =	shalt  }
0x4e: {  	_ =	shalt  }
0x4f: {  	_ =	shalt  }
0x50: {  	_ =	shalt  }
0x51: {  	_ =	shalt  }
0x52: {  	_ =	shalt  }
0x53: {  	_ =	shalt  }
0x54: {  	_ =	shalt  }
0x55: {  	_ =	shalt  }
0x56: {  	_ =	shalt  }
0x57: {  	_ =	shalt  }
0x58: {  	_ =	shalt  }
0x59: {  	_ =	shalt  }
0x5a: {  	_ =	shalt  }
0x5b: {  	_ =	shalt  }
0x5c: {  	_ =	shalt  }
0x5d: {  	_ =	shalt  }
0x5e: {  	_ =	shalt  }
0x5f: {  	_ =	shalt  }
0x60: {  	_ =	shalt  }
0x61: {  	_ =	shalt  }
0x62: {  	_ =	shalt  }
0x63: {  	_ =	shalt  }
0x64: {  	_ =	shalt  }
0x65: {  	_ =	shalt  }
0x66: {  	_ =	shalt  }
0x67: {  	_ =	shalt  }
0x68: {  	_ =	shalt  }
0x69: {  	_ =	shalt  }
0x6a: {  	_ =	shalt  }
0x6b: {  	_ =	shalt  }
0x6c: {  	_ =	shalt  }
0x6d: {  	_ =	shalt  }
0x6e: {  	_ =	shalt  }
0x6f: {  	_ =	shalt  }
0x70: {  	_ =	shalt  }
0x71: {  	_ =	shalt  }
0x72: {  	_ =	shalt  }
0x73: {  	_ =	shalt  }
0x74: {  	_ =	shalt  }
0x75: {  	_ =	shalt  }
0x76: {  	_ =	shalt  }
0x77: {  	_ =	shalt  }
0x78: {  	_ =	shalt  }
0x79: {  	_ =	shalt  }
0x7a: {  	_ =	shalt  }
0x7b: {  	_ =	shalt  }
0x7c: {  	_ =	shalt  }
0x7d: {  	_ =	shalt  }
0x7e: {  	_ =	shalt  }
0x7f: {  	_ =	shalt  }
0x80: {  	_ =	shalt  }
0x81: {  	_ =	shalt  }
0x82: {  	_ =	shalt  }
0x83: {  	_ =	shalt  }
0x84: {  	_ =	shalt  }
0x85: {  	_ =	shalt  }
0x86: {  	_ =	shalt  }
0x87: {  	_ =	shalt  }
.Lfunc_end0:
.L_simem_size_0:
called_computation.1_lowered:
.L_overlay_start_0:
0x88: {  	s2 =	sld [smem:$0x3FD9]  }
0x89: {  	s3 =	sld [smem:$0x3FFE];
	_ =	sdelay $0x1  }
0x8a: {  	s1 =	srdreg.scid  }
0x8b: {  	s0 =	sand.u32 $0x1, s1  }
0x8c: {  	s17 =	sshll.u32 s0, $0xA;
	s2 =	sadd.s32 s3, s2  }
0x8d: {  	s2 =	sadd.s32 s2, s17  }
0x8e: {  	[smem:$0x3FAE] =	sst s2  }
0x8f: {  	_ = 	snop  }
0x90: {  	s2 =	sld [smem:$0x3FD0];
	(tm) =	ssettm $0x1  }
0x91: {  	s18 =	sld [smem:$0x3FFB];
	_ =	sdelay $0x3  }
0x92: {  	_ =	strace s18  }
0x93: {  	s3 =	sld [smem:$0x3FFC];
	_ =	sdelay $0x3  }
0x94: {  	_ =	strace s3  }
0x95: {  	s3 =	sld [smem:$0x3FFD];
	_ =	sdelay $0x3  }
0x96: {  	_ =	strace s3  }
0x97: {  	_ =	strace $0x8FFFFFFF  }
0x98: {  	s19 =	sld [smem:$0x3FDB];
	_ =	sdelay $0x1  }
0x99: {  	s4 =	simm.s32 $_scs_section_size  }
0x9a: {  	s5 =	simm.s32 $_size__tile_overlayer_lowered;
	s6 =	simm.s32 $_tile_overlayer_lowered  }
0x9b: {  	s22 =	simm.s32 $0x1BFF;
	s21 =	sshll.u32 s6, $0x1;
	s3 =	sadd.s32 s4, s19  }
0x9c: {  	s7 =	simm.s32 $0x0;
	s20 =	sshll.u32 s5, $0x1;
	s5 =	sadd.s32 s21, s3  }
0x9d: {  	[timem:s7], [sflag:s22] =	dma.local [hbm:s5], s20  }
0x9e: {  	_ =	swait.ge [sflag:s22], s20  }
0x9f: {  	s4 =	ssub.s32 $0x0, s20;
	[sflag:s22] =	ssyncset.done $0x0  }
0xa0: {  	[sflag:s22] =	ssyncadd.s32 s4;
	_ =	sdelay $0x1  }
0xa1: {  	s23 =	simm.s32 $0x1B8B  }
0xa2: {  	_ =	swait.ge [sflag:s23], $0x1  }
0xa3: {  	[sflag:s23] =	ssyncset.done $0x0  }
0xa4: {  	s25 =	simm.s32 $0x1B8E;
	s24 =	sld [smem:$0x3FFE];
	[sflag:s23] =	ssyncadd.s32 $0xFFFFFFFF  }
0xa5: {  	s26 =	simm.s32 $execute0_lowered;
	[smem:$0x3FD2] =	sst s25  }
0xa6: {  	s5 =	sshll.u32 s26, $0x1;
	_ =	strace $0x80000049;
	[dreg:$0x1] =	wrdreg $0xFFFFFFFF  }
0xa7: {  	s28 =	simm.s32 $_size_execute0_lowered;
	s3 =	sadd.s32 s3, s5;
	[dreg:$0x0] =	wrdreg $0x0  }
0xa8: {  	s5 =	sshll.u32 s28, $0x1;
	[dreg:$0x2] =	wrdreg s3  }
0xa9: {  	[dreg:$0x3] =	wrdreg s5  }
0xaa: {  	[dreg:$0x4] =	wrdreg $0xC0  }
0xab: {  	_ =	task [dreg:s7], $0x5FFFF  }
0xac: {  	[dreg:$0x1] =	wrdreg $0xFFFFFFFF  }
0xad: {  	[dreg:$0x0] =	wrdreg $0x60  }
0xae: {  	[dreg:$0x2] =	wrdreg s24  }
0xaf: {  	[dreg:$0x3] =	wrdreg s2  }
0xb0: {  	[dreg:$0x4] =	wrdreg $0x14C000  }
0xb1: {  	[dreg:$0x5] =	wrdreg $0x9  }
0xb2: {  	_ =	task.clear_ibuf [dreg:s7], $0x6FFFF;
	_ =	strace $0x90000049  }
0xb3: {  	s29 =	simm.s32 $0x9;
	_ =	strace $0x8000004B  }
0xb4: {  	_ =	swait.ge [sflag:s29], $0x1  }
0xb5: {  	[sflag:s29] =	ssyncadd.s32 $0xFFFFFFFF  }
0xb6: {  	_ =	strace $0x9000004B  }
0xb7: {  	_ =	sfence  }
0xb8: {  	s30 =	sld [smem:$0x0];
	_ =	sdelay $0x2  }
0xb9: {  	s31 =	sshll.u32 s1, $0xD;
	s1 =	sshrl.u32 s1, $0x2  }
0xba: {  	s3 =	sand.u32 $0x4000, s31;
	s1 =	sadd.s32 s1, s30  }
0xbb: {  	s0 =	sor.u32 s3, s0;
	s1 =	sshll.u32 s1, $0x11  }
0xbc: {  	s0 =	sor.u32 s1, s0  }
0xbd: {  	s0 =	sadd.s32 $0x8F2B, s0  }
0xbe: {  	[sflag:s0] =	ssyncadd.remote.s32 $0x1  }
0xbf: {  	_ =	sfence.sel $0xFFFF  }
0xc0: {  	[dreg:$0x0] =	wrdreg $0xFFFFFFFF;
	(pc) =	sbr.abs _section_cstart, $3  }
0xc1: {  	[dreg:$0x1] =	wrdreg $0xFFFFFFFF  }
0xc2: {  	_ =	task.clear_ibuf [dreg:s7], $0x2FFFF;
	_ =	strace $0x9FFFFFFF  }
0xc3: {  	(tm) =	ssettm $0x7FFFFFFF  }
tec
execute0_lowered:
.L_overlay_start_1:
0x0: {  	(tag) =	ssettag $0x1  }
0x1: {  	s0 =	rddreg [dreg:$0x0]  }
0x2: {  	s1 =	rddreg [dreg:$0x1]  }
0x3: {  	s2 =	rddreg [dreg:$0x2];
	s3 =	simm.s32 $0x0;
	s15 =	stileid.u32  }
0x4: {  	s8 =	srdreg.scid;
	s17 =	simm.s32 $0x78;
	s5 =	smul.u32 $0xA80, s15  }
0x5: {  	s18 =	simm.s32 $0x5C00;
	s28 =	simm.s32 $0x2;
	s7 =	smul.u32 $0x3E80, s15  }
0x6: {  	s29 =	simm.s32 $0x3;
	s30 =	simm.s32 $0x4;
	s20 =	smul.u32 $0x28000, s15  }
0x7: {  	s31 =	simm.s32 $0x5;
	[smem:$0x7FF] =	sst s3;
	s10 =	smul.u32 $0x1400, s15  }
0x8: {  	s4 =	sadd.s32 $0xE800, s0;
	s9 =	sadd.s32 $0x54A00, s0;
	s13 =	smul.u32 $0x5400, s15  }
0x9: {  	s11 =	sand.u32 $0x1, s8;
	s22 =	smul.u32 $0x7D000, s15;
	s26 =	sshll.u32 s15, $0x6  }
0xa: {  	p1 =	sgt.u32 s15, $0x4;
	s15 =	simm.s32 $0x8;
	_ =	strace $0x8000004A  }
0xb: {  	s21 =	ssub.s32 $0x2, s11;
	p0 =	seq.s32 s11, $0x0;
	s6 =	sadd.s32 s5, s0  }
0xc: {  	s0 =	sadd.s32 s7, s0;
	s12 =	sshrl.u32 s21, $0x1;
	s8 =	sshrl.u32 s20, $0x2  }
0xd: {  	s1 =	sadd.s32 s1, s10;
	s24 =	sshrl.u32 s13, $0x3;
	s7 =	sadd.s32 s9, s5  }
0xe: {  	s25 =	sshrl.u32 s22, $0x2;
	s20 =	simm.s32 $0x9800;
	s22 =	simm.s32 $0xD400  }
0xf: {  	s12 =	ssub.s32 s21, s12;
	s14 =	sadd.s32 s8, s2;
	[dreg:$0x4] =	wrdreg s1  }
0x10: {  	s23 =	sadd.s32 $0x4000, s6;
	s1 =	sadd.s32 s9, s24;
	s9 =	sadd.s32 $0x36800, s0  }
.Ltmp0:
0x11: {  	s19 =	sadd.s32 $0x100, s7;
	s24 =	simm.s32 $0x11000;
	(pc) =	sbr.rel .LBB2_1-.Ltmp0, $4  }
0x12: {  	s0 =	simm.s32 $0x6;
	[dreg:$0x5] =	wrdreg s23;
	s1 =	sadd.s32 $0x80, s1  }
0x13: {  	s10 =	smax.u32 s12, $0x1;
	s12 =	sor.u32 $0x1C0A, s26;
	s13 =	sshrl.u32 s14, $0x3  }
0x14: {  	s14 =	simm.s32 $0xA;
	[dreg:$0x6] =	wrdreg s1;
	s1 =	sadd.s32 s25, s2  }
0x15: {  	s26 =	simm.s32 $0x1;
	s25 =	sshrl.u32 @!p1 s1, $0x3;
	s1 =	simm.s32 $0x7  }
.LBB2_2:
0x16: {  	[bflag:$0x0] =	sbarrier.arrive $0xFFFF  }
.LBB2_8:
0x17: {  	s3 =	sadd.s32 $0x1, s3  }
0x18: {  	p2 =	sne.s32 s3, s10  }
.Ltmp1:
0x19: {  	_ = 	snop;
	(pc) =	sbr.rel @!p2 .LBB2_9-.Ltmp1, $1  }
0x1a: {  	_ =	sdelay $0x3  }
.LBB2_1:
.Ltmp2:
0x1b: {  	(pc) =	sbr.rel @!p0 .LBB2_2-.Ltmp2, $1  }
0x1c: {  	_ =	sdelay $0x3  }
0x1d: {  	s5 =	rddreg [dreg:$0x4]  }
0x1e: {  	[spmem:s13], [sflag:s12] =	dma.local [hbm:s5], $0x1400  }
0x1f: {  	_ =	swait.ge [sflag:s14], $0x1400  }
0x20: {  	[sflag:s14] =	ssyncset.done $0x0  }
0x21: {  	s16 =	simm.s32 $0x0;
	s23 =	rddreg [dreg:$0x5];
	[sflag:s14] =	ssyncadd.s32 $0xFFFFEC00  }
0x22: {  	[tilespmem:s16], [sflag:$0xA] =	stream.linear.gather [hbm4b:s23+s16], $0x5400, $0x38;
	[tilespmem:$0x1EC00] =	vst v63  }
0x23: {  	_ =	swait.ge [sflag:s14], $0x5400  }
0x24: {  	[sflag:s14] =	ssyncset.done $0x0  }
0x25: {  	s6 =	simm.s32 $0x5400;
	[sflag:s14] =	ssyncadd.s32 $0xFFFFAC00  }
0x26: {  	[tilespmem:s6], [sflag:$0xA] =	stream.linear.gather [hbm4b:s7+s16], $0x400, $0x38;
	[tilespmem:$0x1EC00] =	vst v63  }
0x27: {  	_ =	swait.ge [sflag:s14], $0x400  }
0x28: {  	[sflag:s14] =	ssyncset.done $0x0  }
0x29: {  	s6 =	simm.s32 $0x5800;
	s8 =	rddreg [dreg:$0x6];
	[sflag:s14] =	ssyncadd.s32 $0xFFFFFC00  }
0x2a: {  	[tilespmem:s6], [sflag:$0x9] =	stream.linear.gather [hbm4b:s8+s16], $0x400, $0x38;
	[tilespmem:$0x1EC00] =	vst v63  }
0x2b: {  	_ = 	snop  }
0x2c: {  	[tilespmem:s18], [sflag:$0x1] =	stream.indirect.gather [hbm4b:s4+s17], $0x80, s16, s17, $0xb8;
	[tilespmem:$0x1EC00] =	vst v63  }
0x2d: {  	s11 =	simm.s32 $0x80  }
0x2e: {  	[tilespmem:s20], [sflag:$0x2] =	stream.indirect.gather [hbm4b:s4+s17], $0x80, s11, s17, $0xb8;
	[tilespmem:$0x1EC00] =	vst v63  }
0x2f: {  	s21 =	simm.s32 $0x100  }
0x30: {  	[tilespmem:s22], [sflag:$0x3] =	stream.indirect.gather [hbm4b:s4+s17], $0x80, s21, s17, $0xb8;
	[tilespmem:$0x1EC00] =	vst v63  }
0x31: {  	s23 =	simm.s32 $0x180;
	s11 =	smov.u32 s19;
	s21 =	simm.s32 $0x0  }
0x32: {  	[tilespmem:s24], [sflag:$0x4] =	stream.indirect.gather [hbm4b:s4+s17], $0x80, s23, s17, $0xb8;
	[tilespmem:$0x1EC00] =	vst v63  }
.LBB2_4:
0x33: {  	p2 =	seq.s32 s16, $0x0  }
0x34: {  	s5 =	simm.s32 @!p2 $0x9  }
0x35: {  	_ =	swait.ge @!p2 [sflag:s5], $0x400  }
0x36: {  	[sflag:s5] =	ssyncset.done @!p2 $0x0  }
0x37: {  	[sflag:s5] =	ssyncadd.s32 @!p2 $0xFFFFFC00  }
0x38: {  	s6 =	sshrl.u32 s16, $0x2;
	_ =	swait.ge [sflag:s26], $0x3C00  }
0x39: {  	s6 =	sand.u32 $0x400, s6;
	[sflag:s26] =	ssyncset.done $0x0  }
0x3a: {  	s23 =	sadd.s32 $0x5400, s6;
	[sflag:s26] =	ssyncadd.s32 $0xFFFFC400  }
0x3b: {  	[spmem:s2] =	stream.indirect.scatter.add.f32 [tilespmem:s18], [sflag:$0x5], $0x80, s23, s17, $0xb8;
	[tilespmem:$0x1EC00] =	vst v63  }
0x3c: {  	_ =	swait.ge [sflag:s28], $0x3C00  }
0x3d: {  	[sflag:s28] =	ssyncset.done $0x0  }
0x3e: {  	s5 =	sadd.s32 $0x5480, s6;
	[sflag:s28] =	ssyncadd.s32 $0xFFFFC400  }
0x3f: {  	[spmem:s2] =	stream.indirect.scatter.add.f32 [tilespmem:s20], [sflag:$0x6], $0x80, s5, s17, $0xb8;
	[tilespmem:$0x1EC00] =	vst v63  }
0x40: {  	_ =	swait.ge [sflag:s29], $0x3C00  }
0x41: {  	[sflag:s29] =	ssyncset.done $0x0  }
0x42: {  	s8 =	sadd.s32 $0x5500, s6;
	[sflag:s29] =	ssyncadd.s32 $0xFFFFC400  }
0x43: {  	[spmem:s2] =	stream.indirect.scatter.add.f32 [tilespmem:s22], [sflag:$0x7], $0x80, s8, s17, $0xb8;
	[tilespmem:$0x1EC00] =	vst v63  }
0x44: {  	_ =	swait.ge [sflag:s30], $0x3C00  }
0x45: {  	[sflag:s30] =	ssyncset.done $0x0  }
0x46: {  	s8 =	sadd.s32 $0x5580, s6;
	[sflag:s30] =	ssyncadd.s32 $0xFFFFC400  }
0x47: {  	[spmem:s2] =	stream.indirect.scatter.add.f32 [tilespmem:s24], [sflag:$0x8], $0x80, s8, s17, $0xb8;
	[tilespmem:$0x1EC00] =	vst v63  }
0x48: {  	_ =	swait.ge [sflag:s31], $0x3C00  }
0x49: {  	s5 =	sshra.s32 s16, $0x2;
	[sflag:s31] =	ssyncset.done $0x0  }
0x4a: {  	s8 =	sadd.s32 $0x200, s5;
	[sflag:s31] =	ssyncadd.s32 $0xFFFFC400  }
0x4b: {  	[tilespmem:s18], [sflag:$0x1] =	stream.indirect.gather [hbm4b:s4+s17], $0x80, s8, s17, $0xb8;
	[tilespmem:$0x1EC00] =	vst v63  }
0x4c: {  	_ =	swait.ge [sflag:s0], $0x3C00  }
0x4d: {  	[sflag:s0] =	ssyncset.done $0x0  }
0x4e: {  	s8 =	sadd.s32 $0x280, s5;
	[sflag:s0] =	ssyncadd.s32 $0xFFFFC400  }
0x4f: {  	[tilespmem:s20], [sflag:$0x2] =	stream.indirect.gather [hbm4b:s4+s17], $0x80, s8, s17, $0xb8;
	[tilespmem:$0x1EC00] =	vst v63  }
0x50: {  	_ =	swait.ge [sflag:s1], $0x3C00  }
0x51: {  	[sflag:s1] =	ssyncset.done $0x0  }
0x52: {  	s8 =	sadd.s32 $0x300, s5;
	[sflag:s1] =	ssyncadd.s32 $0xFFFFC400  }
0x53: {  	[tilespmem:s22], [sflag:$0x3] =	stream.indirect.gather [hbm4b:s4+s17], $0x80, s8, s17, $0xb8;
	[tilespmem:$0x1EC00] =	vst v63  }
0x54: {  	_ =	swait.ge [sflag:s15], $0x3C00  }
0x55: {  	[sflag:s15] =	ssyncset.done $0x0  }
0x56: {  	s8 =	sadd.s32 $0x380, s5;
	[sflag:s15] =	ssyncadd.s32 $0xFFFFC400  }
0x57: {  	[tilespmem:s24], [sflag:$0x4] =	stream.indirect.gather [hbm4b:s4+s17], $0x80, s8, s17, $0xb8;
	[tilespmem:$0x1EC00] =	vst v63  }
0x58: {  	_ =	swait.ge [sflag:s26], $0x3C00  }
0x59: {  	[sflag:s26] =	ssyncset.done $0x0  }
0x5a: {  	s8 =	sadd.s32 $0x5600, s6;
	[sflag:s26] =	ssyncadd.s32 $0xFFFFC400  }
0x5b: {  	[spmem:s2] =	stream.indirect.scatter.add.f32 [tilespmem:s18], [sflag:$0x5], $0x80, s8, s17, $0xb8;
	[tilespmem:$0x1EC00] =	vst v63  }
0x5c: {  	_ =	swait.ge [sflag:s28], $0x3C00  }
0x5d: {  	[sflag:s28] =	ssyncset.done $0x0  }
0x5e: {  	s8 =	sadd.s32 $0x5680, s6;
	[sflag:s28] =	ssyncadd.s32 $0xFFFFC400  }
0x5f: {  	[spmem:s2] =	stream.indirect.scatter.add.f32 [tilespmem:s20], [sflag:$0x6], $0x80, s8, s17, $0xb8;
	[tilespmem:$0x1EC00] =	vst v63  }
0x60: {  	_ =	swait.ge [sflag:s29], $0x3C00  }
0x61: {  	[sflag:s29] =	ssyncset.done $0x0  }
0x62: {  	s8 =	sadd.s32 $0x5700, s6;
	[sflag:s29] =	ssyncadd.s32 $0xFFFFC400  }
0x63: {  	[spmem:s2] =	stream.indirect.scatter.add.f32 [tilespmem:s22], [sflag:$0x7], $0x80, s8, s17, $0xb8;
	[tilespmem:$0x1EC00] =	vst v63  }
0x64: {  	_ =	swait.ge [sflag:s30], $0x3C00  }
0x65: {  	p2 =	sne.s32 s16, $0x14000;
	[sflag:s30] =	ssyncset.done $0x0  }
.Ltmp3:
0x66: {  	s6 =	sadd.s32 $0x5780, s6;
	[sflag:s30] =	ssyncadd.s32 $0xFFFFC400;
	(pc) =	sbr.rel @!p2 .LBB2_5-.Ltmp3, $4  }
0x67: {  	[spmem:s2] =	stream.indirect.scatter.add.f32 [tilespmem:s24], [sflag:$0x8], $0x80, s6, s17, $0xb8;
	[tilespmem:$0x1EC00] =	vst v63  }
0x68: {  	_ =	swait.ge [sflag:s31], $0x3C00  }
0x69: {  	[sflag:s31] =	ssyncset.done $0x0  }
0x6a: {  	[sflag:s31] =	ssyncadd.s32 $0xFFFFC400  }
0x6b: {  	s6 =	sadd.s32 $0x400, s5  }
0x6c: {  	[tilespmem:s18], [sflag:$0x1] =	stream.indirect.gather [hbm4b:s4+s17], $0x80, s6, s17, $0xb8;
	[tilespmem:$0x1EC00] =	vst v63  }
0x6d: {  	_ =	swait.ge [sflag:s0], $0x3C00  }
0x6e: {  	[sflag:s0] =	ssyncset.done $0x0  }
0x6f: {  	s8 =	sadd.s32 $0x480, s5;
	[sflag:s0] =	ssyncadd.s32 $0xFFFFC400  }
0x70: {  	[tilespmem:s20], [sflag:$0x2] =	stream.indirect.gather [hbm4b:s4+s17], $0x80, s8, s17, $0xb8;
	[tilespmem:$0x1EC00] =	vst v63  }
0x71: {  	_ =	swait.ge [sflag:s1], $0x3C00  }
0x72: {  	[sflag:s1] =	ssyncset.done $0x0  }
0x73: {  	s8 =	sadd.s32 $0x500, s5;
	[sflag:s1] =	ssyncadd.s32 $0xFFFFC400  }
0x74: {  	[tilespmem:s22], [sflag:$0x3] =	stream.indirect.gather [hbm4b:s4+s17], $0x80, s8, s17, $0xb8;
	[tilespmem:$0x1EC00] =	vst v63  }
0x75: {  	_ =	swait.ge [sflag:s15], $0x3C00  }
0x76: {  	[sflag:s15] =	ssyncset.done $0x0  }
0x77: {  	p2 =	sgt.u32 s21, $0x12;
	s8 =	sadd.s32 $0x580, s5;
	[sflag:s15] =	ssyncadd.s32 $0xFFFFC400  }
0x78: {  	[tilespmem:s24], [sflag:$0x4] =	stream.indirect.gather [hbm4b:s4+s17], $0x80, s8, s17, $0xb8;
	[tilespmem:$0x1EC00] =	vst v63  }
0x79: {  	s16 =	sadd.s32 $0x1000, s16;
	s5 =	simm.s32 @!p2 $0x0  }
0x7a: {  	[tilespmem:s23], [sflag:$0x9] =	stream.linear.gather @!p2 [hbm4b:s11+s5], $0x400, $0x38;
	[tilespmem:$0x1EC00] =	vst v63  }
0x7b: {  	p2 =	sne.s32 s16, $0x15000  }
.Ltmp4:
0x7c: {  	_ = 	snop;
	(pc) =	sbr.rel @p2 .LBB2_4-.Ltmp4, $4  }
.Ltmp5:
0x7d: {  	_ = 	snop;
	(pc) =	sbr.rel @!p2 .LBB2_7-.Ltmp5, $4  }
0x7e: {  	_ = 	snop  }
0x7f: {  	_ = 	snop  }
0x80: {  	s21 =	sadd.s32 $0x1, s21;
	s11 =	sadd.s32 $0x80, s11  }
0x81: {  	_ = 	snop  }
.LBB2_5:
0x82: {  	_ =	swait.ge [sflag:s0], $0x3C00  }
0x83: {  	[sflag:s0] =	ssyncset.done $0x0  }
0x84: {  	[sflag:s0] =	ssyncadd.s32 $0xFFFFC400  }
0x85: {  	_ =	swait.ge [sflag:s1], $0x3C00  }
0x86: {  	[sflag:s1] =	ssyncset.done $0x0  }
0x87: {  	[sflag:s1] =	ssyncadd.s32 $0xFFFFC400  }
0x88: {  	_ =	swait.ge [sflag:s15], $0x3C00  }
0x89: {  	[sflag:s15] =	ssyncset.done $0x0  }
0x8a: {  	[sflag:s15] =	ssyncadd.s32 $0xFFFFC400  }
.LBB2_7:
.Ltmp6:
0x8b: {  	[bflag:$0x0] =	sbarrier.arrive $0xFFFF;
	s5 =	simm.s32 @!p1 $0xA;
	(pc) =	sbr.rel .LBB2_8-.Ltmp6, $4  }
0x8c: {  	[hbm:s9], [sflag:s12] =	dma.local @!p1 [spmem:s25], $0x3E80  }
0x8d: {  	_ =	swait.ge @!p1 [sflag:s5], $0x3E80  }
0x8e: {  	[sflag:s5] =	ssyncset.done @!p1 $0x0  }
0x8f: {  	[sflag:s5] =	ssyncadd.s32 @!p1 $0xFFFFC180  }
.LBB2_9:
0x90: {  	_ =	sfence.sel $0x180000  }
0x91: {  	[bflag:$0x0] =	sbarrier.arrive $0xFFFF  }
0x92: {  	_ =	strace $0x9000004A  }
0x93: {  	s0 =	stileid.u32;
	[bflag:$0x2] =	sbarrier.arrive $0xFFFF  }
0x94: {  	p0 =	sne.s32 s0, $0x0;
	s0 =	rddreg [dreg:$0x3]  }
0x95: {  	s0 =	sadd.s32 @!p0 $0x100000, s0  }
0x96: {  	[sflag:s0] =	ssyncadd.tile.s32 @!p0 $0x1;
	_ =	shalt  }
.Lfunc_end2:
_tile_overlayer_lowered:
.L_overlay_start_2:
0x97: {  	(tag) =	ssettag $0x2  }
0x98: {  	s0 =	rddreg [dreg:$0x0];
	s2 =	stileid.u32  }
0x99: {  	s1 =	rddreg [dreg:$0x1];
	p0 =	sne.s32 s2, $0x0  }
0x9a: {  	s3 =	rddreg [dreg:$0x2];
	[bflag:$0x3] =	sbarrier.arrive $0xFFFF;
	s2 =	simm.s32 @!p0 $0x1C0A  }
0x9b: {  	[timem:s3], [sflag:s2] =	dma.local @!p0 [hbm:s0], s1  }
0x9c: {  	s0 =	simm.s32 @!p0 $0xA  }
0x9d: {  	_ =	swait.ge @!p0 [sflag:s0], s1  }
0x9e: {  	s1 =	ssub.s32 @!p0 $0x0, s1;
	[sflag:s0] =	ssyncset.done @!p0 $0x0  }
0x9f: {  	[sflag:s0] =	ssyncadd.s32 @!p0 s1  }
0xa0: {  	[bflag:$0x3] =	sbarrier.arrive $0xFFFF  }
0xa1: {  	_ =	shalt  }

// kernel: kernel.7.cloned.1.call-start
scs
__scs_entry_jumppad:
0x0: {  	(pc) =	sbr.rel $0x88, $3  }
0x1: {  	(tag) =	ssettag $0x0;
	lr =	simm.s32 $0x1  }
0x2: {  	[smem:$0x3F87] =	sst lr;
	_ =	strace $0xD0000000  }
0x3: {  	_ = 	snop  }
0x4: {  	_ = 	snop  }
0x5: {  	_ = 	snop  }
0x6: {  	_ = 	snop  }
0x7: {  	_ = 	snop  }
__scs_overlays_trampoline_lowered:
0x8: {  	[smem:$0x3F96] =	sst s0  }
0x9: {  	[smem:$0x3F97] =	sst s1  }
0xa: {  	[smem:$0x3F98] =	sst s2  }
0xb: {  	[smem:$0x3F99] =	sst s3  }
0xc: {  	[smem:$0x3F9A] =	sst s4  }
0xd: {  	[smem:$0x3F9B] =	sst s5  }
0xe: {  	[smem:$0x3F9C] =	sst s6  }
0xf: {  	[smem:$0x3F9D] =	sst s7  }
0x10: {  	[smem:$0x3F9E] =	sst s8  }
0x11: {  	[smem:$0x3F9F] =	sst s9;
	s0 =	simm.s32 @!p0 $0x0  }
0x12: {  	s1 =	sld [smem:$0x3F85];
	s0 =	simm.s32 @p0 $0x1  }
0x13: {  	[smem:$0x3FA0] =	sst s0;
	s0 =	simm.s32 @!p1 $0x0  }
0x14: {  	s2 =	sld [smem:$0x3F84];
	s0 =	simm.s32 @p1 $0x1  }
0x15: {  	[smem:$0x3FA1] =	sst s0;
	s0 =	simm.s32 @!p2 $0x0  }
0x16: {  	s3 =	sld [smem:$0x3FDB];
	s0 =	simm.s32 @p2 $0x1  }
0x17: {  	s4 =	simm.s32 $0x1BF5;
	[smem:$0x3FA3] =	sst s0  }
0x18: {  	s0 =	sld [smem:$0x3F86];
	_ =	swait.ge [sflag:s4], $0x0  }
0x19: {  	s7 =	sld [smem:$0x3F87]  }
0x1a: {  	s8 =	sadd.s32 $0xFFFFE003, lr  }
0x1b: {  	s9 =	sadd.s32 $0xFFFFFEF7, lr;
	s5 =	simm.s32 $0xFFFFFFFF;
	p2 =	slt.u32 s8, $0xFFFFF086  }
0x1c: {  	p1 =	slt.u32 s9, $0xF7A;
	s5 =	simm.s32 @!p2 $0x0  }
0x1d: {  	s5 =	simm.s32 @p1 $0x1;
	p0 =	seq.s32 s7, s2  }
0x1e: {  	s7 =	smul.u32 @!p0 $0xF7A, s2;
	p2 =	seq.s32 @!p0 s5, $0x0  }
0x1f: {  	s9 =	smul.u32 $0xF7A, s1;
	s8 =	simm.s32 @!p0 $0x1BF5;
	p2 =	por !p2, p0  }
0x20: {  	[sflag:s8] =	ssyncset.s32 @!p0 $0xFFFFF086;
	s6 =	sadd.s32 @!p0 s3, s7;
	s7 =	simm.s32 @!p0 $0x108  }
0x21: {  	s3 =	sadd.s32 s3, s9;
	s6 =	sadd.s32 @!p0 $0x88, s6;
	s7 =	simm.s32 @p2 $0x1082  }
0x22: {  	[simem:s7], [sflag:s8] =	dma.local @!p0 [hbm:s6], $0xF7A  }
0x23: {  	s9 =	sor.u32 $0xD0000000, s2;
	s6 =	simm.s32 $0x108;
	_ =	swait.ge @!p0 [sflag:s8], $0x0  }
0x24: {  	s3 =	sadd.s32 $0x88, s3;
	s6 =	simm.s32 @!p1 $0x1082;
	[sflag:s4] =	ssyncset.s32 $0xFFFFF086  }
0x25: {  	[simem:s6], [sflag:s4] =	dma.local [hbm:s3], $0xF7A  }
0x26: {  	[smem:$0x3F87] =	sst s1;
	(tag) =	ssettag s2;
	_ =	strace s9  }
0x27: {  	s1 =	sld [smem:$0x3F97]  }
0x28: {  	s2 =	sld [smem:$0x3F98]  }
0x29: {  	s4 =	sld [smem:$0x3F9A]  }
0x2a: {  	p0 =	seq.s32 s5, $0x0;
	s5 =	sld [smem:$0x3F9B]  }
0x2b: {  	s6 =	sld [smem:$0x3F9C]  }
0x2c: {  	s7 =	sld [smem:$0x3F9D]  }
0x2d: {  	s3 =	simm.s32 $0x108;
	s8 =	sld [smem:$0x3F9E]  }
0x2e: {  	s3 =	simm.s32 @!p0 $0x1082;
	s9 =	sld [smem:$0x3F9F]  }
0x2f: {  	lr =	sadd.s32 s0, s3;
	s0 =	sld [smem:$0x3F96]  }
0x30: {  	s3 =	sld [smem:$0x3F99]  }
0x31: {  	[smem:$0x3FA2] =	sst s10  }
0x32: {  	s10 =	sld [smem:$0x3FA0];
	_ =	sdelay $0x3  }
0x33: {  	p0 =	seq.s32 s10, $0x1;
	s10 =	sld [smem:$0x3FA2];
	_ =	sdelay $0x3  }
0x34: {  	[smem:$0x3FA2] =	sst s10  }
0x35: {  	s10 =	sld [smem:$0x3FA1];
	_ =	sdelay $0x3  }
0x36: {  	p1 =	seq.s32 s10, $0x1;
	s10 =	sld [smem:$0x3FA2];
	_ =	sdelay $0x3  }
0x37: {  	[smem:$0x3FA2] =	sst s10  }
0x38: {  	s10 =	sld [smem:$0x3FA3]  }
0x39: {  	_ = 	snop;
	(pc) =	sbr.ind lr, $3  }
0x3a: {  	_ = 	snop  }
0x3b: {  	_ = 	snop  }
0x3c: {  	p2 =	seq.s32 s10, $0x1;
	s10 =	sld [smem:$0x3FA2]  }
0x3d: {  	_ =	shalt  }
0x3e: {  	_ =	shalt  }
0x3f: {  	_ =	shalt  }
0x40: {  	_ =	shalt  }
0x41: {  	_ =	shalt  }
0x42: {  	_ =	shalt  }
0x43: {  	_ =	shalt  }
0x44: {  	_ =	shalt  }
0x45: {  	_ =	shalt  }
0x46: {  	_ =	shalt  }
0x47: {  	_ =	shalt  }
0x48: {  	_ =	shalt  }
0x49: {  	_ =	shalt  }
0x4a: {  	_ =	shalt  }
0x4b: {  	_ =	shalt  }
0x4c: {  	_ =	shalt  }
0x4d: {  	_ =	shalt  }
0x4e: {  	_ =	shalt  }
0x4f: {  	_ =	shalt  }
0x50: {  	_ =	shalt  }
0x51: {  	_ =	shalt  }
0x52: {  	_ =	shalt  }
0x53: {  	_ =	shalt  }
0x54: {  	_ =	shalt  }
0x55: {  	_ =	shalt  }
0x56: {  	_ =	shalt  }
0x57: {  	_ =	shalt  }
0x58: {  	_ =	shalt  }
0x59: {  	_ =	shalt  }
0x5a: {  	_ =	shalt  }
0x5b: {  	_ =	shalt  }
0x5c: {  	_ =	shalt  }
0x5d: {  	_ =	shalt  }
0x5e: {  	_ =	shalt  }
0x5f: {  	_ =	shalt  }
0x60: {  	_ =	shalt  }
0x61: {  	_ =	shalt  }
0x62: {  	_ =	shalt  }
0x63: {  	_ =	shalt  }
0x64: {  	_ =	shalt  }
0x65: {  	_ =	shalt  }
0x66: {  	_ =	shalt  }
0x67: {  	_ =	shalt  }
0x68: {  	_ =	shalt  }
0x69: {  	_ =	shalt  }
0x6a: {  	_ =	shalt  }
0x6b: {  	_ =	shalt  }
0x6c: {  	_ =	shalt  }
0x6d: {  	_ =	shalt  }
0x6e: {  	_ =	shalt  }
0x6f: {  	_ =	shalt  }
0x70: {  	_ =	shalt  }
0x71: {  	_ =	shalt  }
0x72: {  	_ =	shalt  }
0x73: {  	_ =	shalt  }
0x74: {  	_ =	shalt  }
0x75: {  	_ =	shalt  }
0x76: {  	_ =	shalt  }
0x77: {  	_ =	shalt  }
0x78: {  	_ =	shalt  }
0x79: {  	_ =	shalt  }
0x7a: {  	_ =	shalt  }
0x7b: {  	_ =	shalt  }
0x7c: {  	_ =	shalt  }
0x7d: {  	_ =	shalt  }
0x7e: {  	_ =	shalt  }
0x7f: {  	_ =	shalt  }
0x80: {  	_ =	shalt  }
0x81: {  	_ =	shalt  }
0x82: {  	_ =	shalt  }
0x83: {  	_ =	shalt  }
0x84: {  	_ =	shalt  }
0x85: {  	_ =	shalt  }
0x86: {  	_ =	shalt  }
0x87: {  	_ =	shalt  }
.Lfunc_end0:
.L_simem_size_0:
called_computation_lowered:
.L_overlay_start_0:
0x88: {  	s2 =	sld [smem:$0x3FD9]  }
0x89: {  	s3 =	sld [smem:$0x3FFE];
	_ =	sdelay $0x1  }
0x8a: {  	s1 =	srdreg.scid  }
0x8b: {  	s0 =	sand.u32 $0x1, s1  }
0x8c: {  	s17 =	sshll.u32 s0, $0xA;
	s2 =	sadd.s32 s3, s2  }
0x8d: {  	s2 =	sadd.s32 s2, s17  }
0x8e: {  	[smem:$0x3FAE] =	sst s2  }
0x8f: {  	_ = 	snop  }
0x90: {  	s2 =	sld [smem:$0x3FD0];
	(tm) =	ssettm $0x1  }
0x91: {  	s18 =	sld [smem:$0x3FFB];
	_ =	sdelay $0x3  }
0x92: {  	_ =	strace s18  }
0x93: {  	s3 =	sld [smem:$0x3FFC];
	_ =	sdelay $0x3  }
0x94: {  	_ =	strace s3  }
0x95: {  	s3 =	sld [smem:$0x3FFD];
	_ =	sdelay $0x3  }
0x96: {  	_ =	strace s3  }
0x97: {  	_ =	strace $0x8FFFFFFF  }
0x98: {  	s19 =	sld [smem:$0x3FDB];
	_ =	sdelay $0x1  }
0x99: {  	s4 =	simm.s32 $_scs_section_size  }
0x9a: {  	s5 =	simm.s32 $_size__tile_overlayer_lowered;
	s6 =	simm.s32 $_tile_overlayer_lowered  }
0x9b: {  	s22 =	simm.s32 $0x1BFF;
	s21 =	sshll.u32 s6, $0x1;
	s3 =	sadd.s32 s4, s19  }
0x9c: {  	s7 =	simm.s32 $0x0;
	s20 =	sshll.u32 s5, $0x1;
	s5 =	sadd.s32 s21, s3  }
0x9d: {  	[timem:s7], [sflag:s22] =	dma.local [hbm:s5], s20  }
0x9e: {  	_ =	swait.ge [sflag:s22], s20  }
0x9f: {  	s4 =	ssub.s32 $0x0, s20;
	[sflag:s22] =	ssyncset.done $0x0  }
0xa0: {  	[sflag:s22] =	ssyncadd.s32 s4;
	_ =	sdelay $0x1  }
0xa1: {  	s23 =	simm.s32 $0x1B8B  }
0xa2: {  	_ =	swait.ge [sflag:s23], $0x1  }
0xa3: {  	[sflag:s23] =	ssyncset.done $0x0  }
0xa4: {  	s25 =	simm.s32 $0x1B8E;
	s24 =	sld [smem:$0x3FFE];
	[sflag:s23] =	ssyncadd.s32 $0xFFFFFFFF  }
0xa5: {  	s26 =	simm.s32 $execute0_lowered;
	[smem:$0x3FD2] =	sst s25  }
0xa6: {  	s5 =	sshll.u32 s26, $0x1;
	_ =	strace $0x80000046;
	[dreg:$0x1] =	wrdreg $0xFFFFFFFF  }
0xa7: {  	s28 =	simm.s32 $_size_execute0_lowered;
	s3 =	sadd.s32 s3, s5;
	[dreg:$0x0] =	wrdreg $0x0  }
0xa8: {  	s5 =	sshll.u32 s28, $0x1;
	[dreg:$0x2] =	wrdreg s3  }
0xa9: {  	[dreg:$0x3] =	wrdreg s5  }
0xaa: {  	[dreg:$0x4] =	wrdreg $0xC0  }
0xab: {  	_ =	task [dreg:s7], $0x5FFFF  }
0xac: {  	[dreg:$0x1] =	wrdreg $0xFFFFFFFF  }
0xad: {  	[dreg:$0x0] =	wrdreg $0x60  }
0xae: {  	[dreg:$0x2] =	wrdreg s24  }
0xaf: {  	[dreg:$0x3] =	wrdreg s2  }
0xb0: {  	[dreg:$0x4] =	wrdreg $0x14C000  }
0xb1: {  	[dreg:$0x5] =	wrdreg $0x9  }
0xb2: {  	_ =	task.clear_ibuf [dreg:s7], $0x6FFFF;
	_ =	strace $0x90000046  }
0xb3: {  	s29 =	simm.s32 $0x9;
	_ =	strace $0x80000048  }
0xb4: {  	_ =	swait.ge [sflag:s29], $0x1  }
0xb5: {  	[sflag:s29] =	ssyncadd.s32 $0xFFFFFFFF  }
0xb6: {  	_ =	strace $0x90000048  }
0xb7: {  	_ =	sfence  }
0xb8: {  	s30 =	sld [smem:$0x0];
	_ =	sdelay $0x2  }
0xb9: {  	s31 =	sshll.u32 s1, $0xD;
	s1 =	sshrl.u32 s1, $0x2  }
0xba: {  	s3 =	sand.u32 $0x4000, s31;
	s1 =	sadd.s32 s1, s30  }
0xbb: {  	s0 =	sor.u32 s3, s0;
	s1 =	sshll.u32 s1, $0x11  }
0xbc: {  	s0 =	sor.u32 s1, s0  }
0xbd: {  	s0 =	sadd.s32 $0x8F2B, s0  }
0xbe: {  	[sflag:s0] =	ssyncadd.remote.s32 $0x1  }
0xbf: {  	_ =	sfence.sel $0xFFFF  }
0xc0: {  	[dreg:$0x0] =	wrdreg $0xFFFFFFFF;
	(pc) =	sbr.abs _section_cstart, $3  }
0xc1: {  	[dreg:$0x1] =	wrdreg $0xFFFFFFFF  }
0xc2: {  	_ =	task.clear_ibuf [dreg:s7], $0x2FFFF;
	_ =	strace $0x9FFFFFFF  }
0xc3: {  	(tm) =	ssettm $0x7FFFFFFF  }
tec
execute0_lowered:
.L_overlay_start_1:
0x0: {  	(tag) =	ssettag $0x1  }
0x1: {  	s0 =	rddreg [dreg:$0x0]  }
0x2: {  	s1 =	rddreg [dreg:$0x1]  }
0x3: {  	s2 =	rddreg [dreg:$0x2];
	s3 =	simm.s32 $0x0;
	s15 =	stileid.u32  }
0x4: {  	s8 =	srdreg.scid;
	s17 =	simm.s32 $0x78;
	s5 =	smul.u32 $0xA80, s15  }
0x5: {  	s18 =	simm.s32 $0x5C00;
	s28 =	simm.s32 $0x2;
	s7 =	smul.u32 $0x3E80, s15  }
0x6: {  	s29 =	simm.s32 $0x3;
	s30 =	simm.s32 $0x4;
	s20 =	smul.u32 $0x28000, s15  }
0x7: {  	s31 =	simm.s32 $0x5;
	[smem:$0x7FF] =	sst s3;
	s10 =	smul.u32 $0x1400, s15  }
0x8: {  	s4 =	sadd.s32 $0x19000, s0;
	s9 =	sadd.s32 $0xE800, s0;
	s13 =	smul.u32 $0x5400, s15  }
0x9: {  	s11 =	sand.u32 $0x1, s8;
	s22 =	smul.u32 $0x7D000, s15;
	s26 =	sshll.u32 s15, $0x6  }
0xa: {  	p1 =	sgt.u32 s15, $0x4;
	s15 =	simm.s32 $0x8;
	_ =	strace $0x80000047  }
0xb: {  	s21 =	ssub.s32 $0x2, s11;
	p0 =	seq.s32 s11, $0x0;
	s6 =	sadd.s32 s5, s0  }
0xc: {  	s0 =	sadd.s32 s7, s0;
	s12 =	sshrl.u32 s21, $0x1;
	s8 =	sshrl.u32 s20, $0x2  }
0xd: {  	s1 =	sadd.s32 s1, s10;
	s24 =	sshrl.u32 s13, $0x3;
	s7 =	sadd.s32 s9, s5  }
0xe: {  	s25 =	sshrl.u32 s22, $0x2;
	s20 =	simm.s32 $0x9800;
	s22 =	simm.s32 $0xD400  }
0xf: {  	s12 =	ssub.s32 s21, s12;
	s14 =	sadd.s32 s8, s2;
	[dreg:$0x4] =	wrdreg s1  }
0x10: {  	s23 =	sadd.s32 $0x4000, s6;
	s1 =	sadd.s32 s9, s24;
	s9 =	sadd.s32 $0x41000, s0  }
.Ltmp0:
0x11: {  	s19 =	sadd.s32 $0x100, s7;
	s24 =	simm.s32 $0x11000;
	(pc) =	sbr.rel .LBB2_1-.Ltmp0, $4  }
0x12: {  	s0 =	simm.s32 $0x6;
	[dreg:$0x5] =	wrdreg s23;
	s1 =	sadd.s32 $0x80, s1  }
0x13: {  	s10 =	smax.u32 s12, $0x1;
	s12 =	sor.u32 $0x1C0A, s26;
	s13 =	sshrl.u32 s14, $0x3  }
0x14: {  	s14 =	simm.s32 $0xA;
	[dreg:$0x6] =	wrdreg s1;
	s1 =	sadd.s32 s25, s2  }
0x15: {  	s26 =	simm.s32 $0x1;
	s25 =	sshrl.u32 @!p1 s1, $0x3;
	s1 =	simm.s32 $0x7  }
.LBB2_2:
0x16: {  	[bflag:$0x0] =	sbarrier.arrive $0xFFFF  }
.LBB2_8:
0x17: {  	s3 =	sadd.s32 $0x1, s3  }
0x18: {  	p2 =	sne.s32 s3, s10  }
.Ltmp1:
0x19: {  	_ = 	snop;
	(pc) =	sbr.rel @!p2 .LBB2_9-.Ltmp1, $1  }
0x1a: {  	_ =	sdelay $0x3  }
.LBB2_1:
.Ltmp2:
0x1b: {  	(pc) =	sbr.rel @!p0 .LBB2_2-.Ltmp2, $1  }
0x1c: {  	_ =	sdelay $0x3  }
0x1d: {  	s5 =	rddreg [dreg:$0x4]  }
0x1e: {  	[spmem:s13], [sflag:s12] =	dma.local [hbm:s5], $0x1400  }
0x1f: {  	_ =	swait.ge [sflag:s14], $0x1400  }
0x20: {  	[sflag:s14] =	ssyncset.done $0x0  }
0x21: {  	s16 =	simm.s32 $0x0;
	s23 =	rddreg [dreg:$0x5];
	[sflag:s14] =	ssyncadd.s32 $0xFFFFEC00  }
0x22: {  	[tilespmem:s16], [sflag:$0xA] =	stream.linear.gather [hbm4b:s23+s16], $0x5400, $0x38;
	[tilespmem:$0x1EC00] =	vst v63  }
0x23: {  	_ =	swait.ge [sflag:s14], $0x5400  }
0x24: {  	[sflag:s14] =	ssyncset.done $0x0  }
0x25: {  	s6 =	simm.s32 $0x5400;
	[sflag:s14] =	ssyncadd.s32 $0xFFFFAC00  }
0x26: {  	[tilespmem:s6], [sflag:$0xA] =	stream.linear.gather [hbm4b:s7+s16], $0x400, $0x38;
	[tilespmem:$0x1EC00] =	vst v63  }
0x27: {  	_ =	swait.ge [sflag:s14], $0x400  }
0x28: {  	[sflag:s14] =	ssyncset.done $0x0  }
0x29: {  	s6 =	simm.s32 $0x5800;
	s8 =	rddreg [dreg:$0x6];
	[sflag:s14] =	ssyncadd.s32 $0xFFFFFC00  }
0x2a: {  	[tilespmem:s6], [sflag:$0x9] =	stream.linear.gather [hbm4b:s8+s16], $0x400, $0x38;
	[tilespmem:$0x1EC00] =	vst v63  }
0x2b: {  	_ = 	snop  }
0x2c: {  	[tilespmem:s18], [sflag:$0x1] =	stream.indirect.gather [hbm4b:s4+s17], $0x80, s16, s17, $0xb8;
	[tilespmem:$0x1EC00] =	vst v63  }
0x2d: {  	s11 =	simm.s32 $0x80  }
0x2e: {  	[tilespmem:s20], [sflag:$0x2] =	stream.indirect.gather [hbm4b:s4+s17], $0x80, s11, s17, $0xb8;
	[tilespmem:$0x1EC00] =	vst v63  }
0x2f: {  	s21 =	simm.s32 $0x100  }
0x30: {  	[tilespmem:s22], [sflag:$0x3] =	stream.indirect.gather [hbm4b:s4+s17], $0x80, s21, s17, $0xb8;
	[tilespmem:$0x1EC00] =	vst v63  }
0x31: {  	s23 =	simm.s32 $0x180;
	s11 =	smov.u32 s19;
	s21 =	simm.s32 $0x0  }
0x32: {  	[tilespmem:s24], [sflag:$0x4] =	stream.indirect.gather [hbm4b:s4+s17], $0x80, s23, s17, $0xb8;
	[tilespmem:$0x1EC00] =	vst v63  }
.LBB2_4:
0x33: {  	p2 =	seq.s32 s16, $0x0  }
0x34: {  	s5 =	simm.s32 @!p2 $0x9  }
0x35: {  	_ =	swait.ge @!p2 [sflag:s5], $0x400  }
0x36: {  	[sflag:s5] =	ssyncset.done @!p2 $0x0  }
0x37: {  	[sflag:s5] =	ssyncadd.s32 @!p2 $0xFFFFFC00  }
0x38: {  	s6 =	sshrl.u32 s16, $0x2;
	_ =	swait.ge [sflag:s26], $0x3C00  }
0x39: {  	s6 =	sand.u32 $0x400, s6;
	[sflag:s26] =	ssyncset.done $0x0  }
0x3a: {  	s23 =	sadd.s32 $0x5400, s6;
	[sflag:s26] =	ssyncadd.s32 $0xFFFFC400  }
0x3b: {  	[spmem:s2] =	stream.indirect.scatter.add.f32 [tilespmem:s18], [sflag:$0x5], $0x80, s23, s17, $0xb8;
	[tilespmem:$0x1EC00] =	vst v63  }
0x3c: {  	_ =	swait.ge [sflag:s28], $0x3C00  }
0x3d: {  	[sflag:s28] =	ssyncset.done $0x0  }
0x3e: {  	s5 =	sadd.s32 $0x5480, s6;
	[sflag:s28] =	ssyncadd.s32 $0xFFFFC400  }
0x3f: {  	[spmem:s2] =	stream.indirect.scatter.add.f32 [tilespmem:s20], [sflag:$0x6], $0x80, s5, s17, $0xb8;
	[tilespmem:$0x1EC00] =	vst v63  }
0x40: {  	_ =	swait.ge [sflag:s29], $0x3C00  }
0x41: {  	[sflag:s29] =	ssyncset.done $0x0  }
0x42: {  	s8 =	sadd.s32 $0x5500, s6;
	[sflag:s29] =	ssyncadd.s32 $0xFFFFC400  }
0x43: {  	[spmem:s2] =	stream.indirect.scatter.add.f32 [tilespmem:s22], [sflag:$0x7], $0x80, s8, s17, $0xb8;
	[tilespmem:$0x1EC00] =	vst v63  }
0x44: {  	_ =	swait.ge [sflag:s30], $0x3C00  }
0x45: {  	[sflag:s30] =	ssyncset.done $0x0  }
0x46: {  	s8 =	sadd.s32 $0x5580, s6;
	[sflag:s30] =	ssyncadd.s32 $0xFFFFC400  }
0x47: {  	[spmem:s2] =	stream.indirect.scatter.add.f32 [tilespmem:s24], [sflag:$0x8], $0x80, s8, s17, $0xb8;
	[tilespmem:$0x1EC00] =	vst v63  }
0x48: {  	_ =	swait.ge [sflag:s31], $0x3C00  }
0x49: {  	s5 =	sshra.s32 s16, $0x2;
	[sflag:s31] =	ssyncset.done $0x0  }
0x4a: {  	s8 =	sadd.s32 $0x200, s5;
	[sflag:s31] =	ssyncadd.s32 $0xFFFFC400  }
0x4b: {  	[tilespmem:s18], [sflag:$0x1] =	stream.indirect.gather [hbm4b:s4+s17], $0x80, s8, s17, $0xb8;
	[tilespmem:$0x1EC00] =	vst v63  }
0x4c: {  	_ =	swait.ge [sflag:s0], $0x3C00  }
0x4d: {  	[sflag:s0] =	ssyncset.done $0x0  }
0x4e: {  	s8 =	sadd.s32 $0x280, s5;
	[sflag:s0] =	ssyncadd.s32 $0xFFFFC400  }
0x4f: {  	[tilespmem:s20], [sflag:$0x2] =	stream.indirect.gather [hbm4b:s4+s17], $0x80, s8, s17, $0xb8;
	[tilespmem:$0x1EC00] =	vst v63  }
0x50: {  	_ =	swait.ge [sflag:s1], $0x3C00  }
0x51: {  	[sflag:s1] =	ssyncset.done $0x0  }
0x52: {  	s8 =	sadd.s32 $0x300, s5;
	[sflag:s1] =	ssyncadd.s32 $0xFFFFC400  }
0x53: {  	[tilespmem:s22], [sflag:$0x3] =	stream.indirect.gather [hbm4b:s4+s17], $0x80, s8, s17, $0xb8;
	[tilespmem:$0x1EC00] =	vst v63  }
0x54: {  	_ =	swait.ge [sflag:s15], $0x3C00  }
0x55: {  	[sflag:s15] =	ssyncset.done $0x0  }
0x56: {  	s8 =	sadd.s32 $0x380, s5;
	[sflag:s15] =	ssyncadd.s32 $0xFFFFC400  }
0x57: {  	[tilespmem:s24], [sflag:$0x4] =	stream.indirect.gather [hbm4b:s4+s17], $0x80, s8, s17, $0xb8;
	[tilespmem:$0x1EC00] =	vst v63  }
0x58: {  	_ =	swait.ge [sflag:s26], $0x3C00  }
0x59: {  	[sflag:s26] =	ssyncset.done $0x0  }
0x5a: {  	s8 =	sadd.s32 $0x5600, s6;
	[sflag:s26] =	ssyncadd.s32 $0xFFFFC400  }
0x5b: {  	[spmem:s2] =	stream.indirect.scatter.add.f32 [tilespmem:s18], [sflag:$0x5], $0x80, s8, s17, $0xb8;
	[tilespmem:$0x1EC00] =	vst v63  }
0x5c: {  	_ =	swait.ge [sflag:s28], $0x3C00  }
0x5d: {  	[sflag:s28] =	ssyncset.done $0x0  }
0x5e: {  	s8 =	sadd.s32 $0x5680, s6;
	[sflag:s28] =	ssyncadd.s32 $0xFFFFC400  }
0x5f: {  	[spmem:s2] =	stream.indirect.scatter.add.f32 [tilespmem:s20], [sflag:$0x6], $0x80, s8, s17, $0xb8;
	[tilespmem:$0x1EC00] =	vst v63  }
0x60: {  	_ =	swait.ge [sflag:s29], $0x3C00  }
0x61: {  	[sflag:s29] =	ssyncset.done $0x0  }
0x62: {  	s8 =	sadd.s32 $0x5700, s6;
	[sflag:s29] =	ssyncadd.s32 $0xFFFFC400  }
0x63: {  	[spmem:s2] =	stream.indirect.scatter.add.f32 [tilespmem:s22], [sflag:$0x7], $0x80, s8, s17, $0xb8;
	[tilespmem:$0x1EC00] =	vst v63  }
0x64: {  	_ =	swait.ge [sflag:s30], $0x3C00  }
0x65: {  	p2 =	sne.s32 s16, $0x14000;
	[sflag:s30] =	ssyncset.done $0x0  }
.Ltmp3:
0x66: {  	s6 =	sadd.s32 $0x5780, s6;
	[sflag:s30] =	ssyncadd.s32 $0xFFFFC400;
	(pc) =	sbr.rel @!p2 .LBB2_5-.Ltmp3, $4  }
0x67: {  	[spmem:s2] =	stream.indirect.scatter.add.f32 [tilespmem:s24], [sflag:$0x8], $0x80, s6, s17, $0xb8;
	[tilespmem:$0x1EC00] =	vst v63  }
0x68: {  	_ =	swait.ge [sflag:s31], $0x3C00  }
0x69: {  	[sflag:s31] =	ssyncset.done $0x0  }
0x6a: {  	[sflag:s31] =	ssyncadd.s32 $0xFFFFC400  }
0x6b: {  	s6 =	sadd.s32 $0x400, s5  }
0x6c: {  	[tilespmem:s18], [sflag:$0x1] =	stream.indirect.gather [hbm4b:s4+s17], $0x80, s6, s17, $0xb8;
	[tilespmem:$0x1EC00] =	vst v63  }
0x6d: {  	_ =	swait.ge [sflag:s0], $0x3C00  }
0x6e: {  	[sflag:s0] =	ssyncset.done $0x0  }
0x6f: {  	s8 =	sadd.s32 $0x480, s5;
	[sflag:s0] =	ssyncadd.s32 $0xFFFFC400  }
0x70: {  	[tilespmem:s20], [sflag:$0x2] =	stream.indirect.gather [hbm4b:s4+s17], $0x80, s8, s17, $0xb8;
	[tilespmem:$0x1EC00] =	vst v63  }
0x71: {  	_ =	swait.ge [sflag:s1], $0x3C00  }
0x72: {  	[sflag:s1] =	ssyncset.done $0x0  }
0x73: {  	s8 =	sadd.s32 $0x500, s5;
	[sflag:s1] =	ssyncadd.s32 $0xFFFFC400  }
0x74: {  	[tilespmem:s22], [sflag:$0x3] =	stream.indirect.gather [hbm4b:s4+s17], $0x80, s8, s17, $0xb8;
	[tilespmem:$0x1EC00] =	vst v63  }
0x75: {  	_ =	swait.ge [sflag:s15], $0x3C00  }
0x76: {  	[sflag:s15] =	ssyncset.done $0x0  }
0x77: {  	p2 =	sgt.u32 s21, $0x12;
	s8 =	sadd.s32 $0x580, s5;
	[sflag:s15] =	ssyncadd.s32 $0xFFFFC400  }
0x78: {  	[tilespmem:s24], [sflag:$0x4] =	stream.indirect.gather [hbm4b:s4+s17], $0x80, s8, s17, $0xb8;
	[tilespmem:$0x1EC00] =	vst v63  }
0x79: {  	s16 =	sadd.s32 $0x1000, s16;
	s5 =	simm.s32 @!p2 $0x0  }
0x7a: {  	[tilespmem:s23], [sflag:$0x9] =	stream.linear.gather @!p2 [hbm4b:s11+s5], $0x400, $0x38;
	[tilespmem:$0x1EC00] =	vst v63  }
0x7b: {  	p2 =	sne.s32 s16, $0x15000  }
.Ltmp4:
0x7c: {  	_ = 	snop;
	(pc) =	sbr.rel @p2 .LBB2_4-.Ltmp4, $4  }
.Ltmp5:
0x7d: {  	_ = 	snop;
	(pc) =	sbr.rel @!p2 .LBB2_7-.Ltmp5, $4  }
0x7e: {  	_ = 	snop  }
0x7f: {  	_ = 	snop  }
0x80: {  	s21 =	sadd.s32 $0x1, s21;
	s11 =	sadd.s32 $0x80, s11  }
0x81: {  	_ = 	snop  }
.LBB2_5:
0x82: {  	_ =	swait.ge [sflag:s0], $0x3C00  }
0x83: {  	[sflag:s0] =	ssyncset.done $0x0  }
0x84: {  	[sflag:s0] =	ssyncadd.s32 $0xFFFFC400  }
0x85: {  	_ =	swait.ge [sflag:s1], $0x3C00  }
0x86: {  	[sflag:s1] =	ssyncset.done $0x0  }
0x87: {  	[sflag:s1] =	ssyncadd.s32 $0xFFFFC400  }
0x88: {  	_ =	swait.ge [sflag:s15], $0x3C00  }
0x89: {  	[sflag:s15] =	ssyncset.done $0x0  }
0x8a: {  	[sflag:s15] =	ssyncadd.s32 $0xFFFFC400  }
.LBB2_7:
.Ltmp6:
0x8b: {  	[bflag:$0x0] =	sbarrier.arrive $0xFFFF;
	s5 =	simm.s32 @!p1 $0xA;
	(pc) =	sbr.rel .LBB2_8-.Ltmp6, $4  }
0x8c: {  	[hbm:s9], [sflag:s12] =	dma.local @!p1 [spmem:s25], $0x3E80  }
0x8d: {  	_ =	swait.ge @!p1 [sflag:s5], $0x3E80  }
0x8e: {  	[sflag:s5] =	ssyncset.done @!p1 $0x0  }
0x8f: {  	[sflag:s5] =	ssyncadd.s32 @!p1 $0xFFFFC180  }
.LBB2_9:
0x90: {  	_ =	sfence.sel $0x180000  }
0x91: {  	[bflag:$0x0] =	sbarrier.arrive $0xFFFF  }
0x92: {  	_ =	strace $0x90000047  }
0x93: {  	s0 =	stileid.u32;
	[bflag:$0x2] =	sbarrier.arrive $0xFFFF  }
0x94: {  	p0 =	sne.s32 s0, $0x0;
	s0 =	rddreg [dreg:$0x3]  }
0x95: {  	s0 =	sadd.s32 @!p0 $0x100000, s0  }
0x96: {  	[sflag:s0] =	ssyncadd.tile.s32 @!p0 $0x1;
	_ =	shalt  }
.Lfunc_end2:
_tile_overlayer_lowered:
.L_overlay_start_2:
0x97: {  	(tag) =	ssettag $0x2  }
0x98: {  	s0 =	rddreg [dreg:$0x0];
	s2 =	stileid.u32  }
0x99: {  	s1 =	rddreg [dreg:$0x1];
	p0 =	sne.s32 s2, $0x0  }
0x9a: {  	s3 =	rddreg [dreg:$0x2];
	[bflag:$0x3] =	sbarrier.arrive $0xFFFF;
	s2 =	simm.s32 @!p0 $0x1C0A  }
0x9b: {  	[timem:s3], [sflag:s2] =	dma.local @!p0 [hbm:s0], s1  }
0x9c: {  	s0 =	simm.s32 @!p0 $0xA  }
0x9d: {  	_ =	swait.ge @!p0 [sflag:s0], s1  }
0x9e: {  	s1 =	ssub.s32 @!p0 $0x0, s1;
	[sflag:s0] =	ssyncset.done @!p0 $0x0  }
0x9f: {  	[sflag:s0] =	ssyncadd.s32 @!p0 s1  }
0xa0: {  	[bflag:$0x3] =	sbarrier.arrive $0xFFFF  }
0xa1: {  	_ =	shalt  }

</sc_bundles>
